<compile_context>
chip_gen: v7x
topology: tpu7x:2x2x1
jax: 0.10.2.dev20260603
libtpu: 0.0.44.dev20260713+nightly
codegen_flags: <defaults>
</compile_context>

<pallas_src>
import functools

import jax
import jax.numpy as jnp
from jax import lax
from jax.experimental import pallas as pl
from jax.experimental.pallas import tpu as pltpu
from jax.experimental.pallas import tpu_sc as plsc

N = 10000
E = 320000
D = 128
NR = 200
NB = 4
BLK = D // NB

T = 512
NT = E // T
S = 832

NC = 2
NS = 16
NW = NC * NS
CH = 80

XPAD = 10240


@functools.lru_cache(maxsize=None)
def _make_sc_gather(n_rows):
    per_w = n_rows // NW
    n_ch = per_w // CH
    mesh = plsc.VectorSubcoreMesh(
        core_axis_name="c", subcore_axis_name="s", num_cores=NC, num_subcores=NS)

    @functools.partial(
        pl.kernel,
        out_type=jax.ShapeDtypeStruct((n_rows, D), jnp.float32),
        mesh=mesh,
        scratch_types=[
            pltpu.VMEM((n_ch, CH), jnp.int32),
            pltpu.VMEM((CH, D), jnp.float32),
            pltpu.VMEM((CH, D), jnp.float32),
            pltpu.SemaphoreType.DMA,
            pltpu.SemaphoreType.DMA,
            pltpu.SemaphoreType.DMA,
            pltpu.SemaphoreType.DMA,
        ],
    )
    def gather_k(table_hbm, idx_hbm, out_hbm, idx_v, rows0, rows1, sg0, sg1,
                 sw0, sw1):
        wid = lax.axis_index("s") * NC + lax.axis_index("c")
        base = wid * per_w
        pltpu.sync_copy(idx_hbm.at[wid], idx_v)

        def gath(ci, buf, sem):
            return pltpu.async_copy(table_hbm.at[idx_v.at[ci]], buf, sem)

        def wb(ci, buf, sem):
            return pltpu.async_copy(buf, out_hbm.at[pl.ds(base + ci * CH, CH)],
                                    sem)

        gath(0, rows0, sg0)

        def body(j, carry):
            ci0 = 2 * j
            ci1 = ci0 + 1

            @pl.when(j > 0)
            def _():
                pltpu.make_async_copy(rows1, out_hbm.at[pl.ds(base, CH)], sw1).wait()

            gath(ci1, rows1, sg1)
            pltpu.make_async_copy(table_hbm.at[idx_v.at[ci0]], rows0, sg0).wait()
            wb(ci0, rows0, sw0)
            pltpu.make_async_copy(rows0, out_hbm.at[pl.ds(base, CH)], sw0).wait()

            @pl.when(ci0 + 2 < n_ch)
            def _():
                gath(ci0 + 2, rows0, sg0)

            pltpu.make_async_copy(table_hbm.at[idx_v.at[ci1]], rows1, sg1).wait()
            wb(ci1, rows1, sw1)
            return carry

        lax.fori_loop(0, n_ch // 2, body, 0)
        pltpu.make_async_copy(rows1, out_hbm.at[pl.ds(base, CH)], sw1).wait()
        if n_ch % 2 == 1:
            ci = n_ch - 1
            pltpu.make_async_copy(table_hbm.at[idx_v.at[ci]], rows0, sg0).wait()
            pltpu.sync_copy(rows0, out_hbm.at[pl.ds(base + ci * CH, CH)])

    return gather_k


@functools.lru_cache(maxsize=None)
def _make_sc_permute_attrs():
    per_w = E // NW
    n_ch = per_w // CH
    mesh = plsc.VectorSubcoreMesh(
        core_axis_name="c", subcore_axis_name="s", num_cores=NC, num_subcores=NS)

    @functools.partial(
        pl.kernel,
        out_type=(
            jax.ShapeDtypeStruct((E,), jnp.int32),
            jax.ShapeDtypeStruct((E,), jnp.int32),
            jax.ShapeDtypeStruct((E,), jnp.float32),
        ),
        mesh=mesh,
        scratch_types=[
            pltpu.VMEM((n_ch, CH), jnp.int32),
            pltpu.VMEM((CH,), jnp.int32),
            pltpu.VMEM((CH,), jnp.int32),
            pltpu.VMEM((CH,), jnp.float32),
            pltpu.SemaphoreType.DMA,
            pltpu.SemaphoreType.DMA,
        ],
    )
    def permute_k(src_hbm, dst_hbm, nrm_hbm, perm_hbm,
                  osrc_hbm, odst_hbm, onrm_hbm,
                  idx_v, s_v, d_v, n_v, sg, sw):
        wid = lax.axis_index("s") * NC + lax.axis_index("c")
        base = wid * per_w
        pltpu.sync_copy(perm_hbm.at[wid], idx_v)

        def body(ci, carry):
            off = base + ci * CH

            @pl.when(ci > 0)
            def _():
                pltpu.make_async_copy(s_v, osrc_hbm.at[pl.ds(base, CH)], sw).wait()
                pltpu.make_async_copy(d_v, odst_hbm.at[pl.ds(base, CH)], sw).wait()
                pltpu.make_async_copy(n_v, onrm_hbm.at[pl.ds(base, CH)], sw).wait()

            cidx = idx_v.at[ci]
            pltpu.async_copy(src_hbm.at[cidx], s_v, sg)
            pltpu.async_copy(dst_hbm.at[cidx], d_v, sg)
            pltpu.async_copy(nrm_hbm.at[cidx], n_v, sg)
            pltpu.make_async_copy(src_hbm.at[cidx], s_v, sg).wait()
            pltpu.make_async_copy(dst_hbm.at[cidx], d_v, sg).wait()
            pltpu.make_async_copy(nrm_hbm.at[cidx], n_v, sg).wait()
            pltpu.async_copy(s_v, osrc_hbm.at[pl.ds(off, CH)], sw)
            pltpu.async_copy(d_v, odst_hbm.at[pl.ds(off, CH)], sw)
            pltpu.async_copy(n_v, onrm_hbm.at[pl.ds(off, CH)], sw)
            return carry

        lax.fori_loop(0, n_ch, body, 0)
        pltpu.make_async_copy(s_v, osrc_hbm.at[pl.ds(base, CH)], sw).wait()
        pltpu.make_async_copy(d_v, odst_hbm.at[pl.ds(base, CH)], sw).wait()
        pltpu.make_async_copy(n_v, onrm_hbm.at[pl.ds(base, CH)], sw).wait()

    return permute_k


NPAD = XPAD
ROWS_PER_TILE = NPAD // NS


@functools.lru_cache(maxsize=None)
def _make_sc_scatter():
    mesh = plsc.VectorSubcoreMesh(
        core_axis_name="c", subcore_axis_name="s", num_cores=NC, num_subcores=NS)

    @functools.partial(
        pl.kernel,
        out_type=jax.ShapeDtypeStruct((NC, NPAD, D), jnp.float32),
        mesh=mesh,
        scratch_types=[
            pltpu.VMEM((E // NW // CH, CH), jnp.int32),
            pltpu.VMEM((CH, D), jnp.float32),
            pltpu.VMEM((CH, D), jnp.float32),
            pltpu.VMEM_SHARED((NPAD, D), jnp.float32),
            pltpu.SemaphoreType.DMA,
            pltpu.SemaphoreType.DMA,
        ],
    )
    def scatter_k(msg_hbm, dst_hbm, zeros_hbm, out_hbm, idx_v, rows0, rows1,
                  acc_sh, sm0, sm1):
        core = lax.axis_index("c")
        sid = lax.axis_index("s")
        n_ch = E // NW // CH
        row0 = sid * ROWS_PER_TILE
        pltpu.sync_copy(zeros_hbm, acc_sh.at[pl.ds(row0, ROWS_PER_TILE)])

        wid = core * NS + sid
        base = wid * (E // NW)
        pltpu.sync_copy(dst_hbm.at[wid], idx_v)
        plsc.subcore_barrier()

        def load(ci, buf, sem):
            return pltpu.async_copy(msg_hbm.at[pl.ds(base + ci * CH, CH)], buf,
                                    sem)

        load(0, rows0, sm0)

        def body(j, carry):
            ci0 = 2 * j
            ci1 = ci0 + 1
            load(ci1, rows1, sm1)
            pltpu.make_async_copy(msg_hbm.at[pl.ds(base, CH)], rows0, sm0).wait()
            pltpu.sync_copy(rows0, acc_sh.at[idx_v.at[ci0]], add=True)

            @pl.when(ci0 + 2 < n_ch)
            def _():
                load(ci0 + 2, rows0, sm0)

            pltpu.make_async_copy(msg_hbm.at[pl.ds(base, CH)], rows1, sm1).wait()
            pltpu.sync_copy(rows1, acc_sh.at[idx_v.at[ci1]], add=True)
            return carry

        lax.fori_loop(0, n_ch // 2, body, 0)
        if n_ch % 2 == 1:
            ci = n_ch - 1
            pltpu.make_async_copy(msg_hbm.at[pl.ds(base, CH)], rows0, sm0).wait()
            pltpu.sync_copy(rows0, acc_sh.at[idx_v.at[ci]], add=True)
        plsc.subcore_barrier()
        pltpu.sync_copy(
            acc_sh.at[pl.ds(row0, ROWS_PER_TILE)],
            out_hbm.at[core, pl.ds(row0, ROWS_PER_TILE)],
        )

    return scatter_k


def _bmm_body(ti_ref, ri_ref, rs_ref, re_ref, g_ref, norm_ref, w_ref, o_ref):
    s = pl.program_id(0)
    prev = ti_ref[jnp.maximum(s - 1, 0)]
    first = jnp.logical_or(s == 0, ti_ref[s] != prev)

    @pl.when(first)
    def _():
        o_ref[...] = jnp.zeros_like(o_ref)

    base = ti_ref[s] * T
    rows = lax.broadcasted_iota(jnp.int32, (T, 1), 0)
    mask = jnp.logical_and(rows >= rs_ref[s] - base, rows < re_ref[s] - base)
    nm = jnp.where(mask, norm_ref[...], 0.0)
    contrib = jnp.dot(g_ref[...], w_ref[0], preferred_element_type=jnp.float32)
    o_ref[...] += contrib * nm


def _tc_bmm(step_tile, step_rel, step_start, step_end, g, norm_s, wd):
    grid_spec = pltpu.PrefetchScalarGridSpec(
        num_scalar_prefetch=4,
        grid=(S,),
        in_specs=[
            pl.BlockSpec((T, D), lambda s, ti, ri, rs, re: (ti[s], 0)),
            pl.BlockSpec((T, 1), lambda s, ti, ri, rs, re: (ti[s], 0)),
            pl.BlockSpec((1, D, D), lambda s, ti, ri, rs, re: (ri[s], 0, 0)),
        ],
        out_specs=pl.BlockSpec((T, D), lambda s, ti, ri, rs, re: (ti[s], 0)),
    )
    return pl.pallas_call(
        _bmm_body,
        grid_spec=grid_spec,
        out_shape=jax.ShapeDtypeStruct((E, D), jnp.float32),
    )(step_tile, step_rel, step_start, step_end, g, norm_s, wd)


def _finish_body_relu(agg_ref, x_ref, w_ref, b_ref, o_ref):
    acc = agg_ref[0] + agg_ref[1] + b_ref[...]
    acc += jnp.dot(x_ref[...], w_ref[...], preferred_element_type=jnp.float32)
    o_ref[...] = jnp.maximum(acc, 0.0)


def _finish_body_lin(agg_ref, x_ref, w_ref, b_ref, o_ref):
    acc = agg_ref[0] + agg_ref[1] + b_ref[...]
    acc += jnp.dot(x_ref[...], w_ref[...], preferred_element_type=jnp.float32)
    o_ref[...] = acc


def _tc_finish(aggpair, x, loop_w, bias2d, relu):
    body = _finish_body_relu if relu else _finish_body_lin
    return pl.pallas_call(
        body,
        out_shape=jax.ShapeDtypeStruct((N, D), jnp.float32),
    )(aggpair, x, loop_w, bias2d)


def _dense_blockdiag(w):
    wd = jnp.zeros((NR, D, D), jnp.float32)
    for b in range(NB):
        sl = slice(b * BLK, (b + 1) * BLK)
        wd = wd.at[:, sl, sl].set(w[:, b])
    return wd


def kernel(h, edge_index, r, norm, emb_e, w1, loop_w1, bias1, w2, loop_w2, bias2):
    src, dst = edge_index[0], edge_index[1]
    r_s, perm = lax.sort_key_val(r, jnp.arange(E, dtype=jnp.int32))

    perm3 = perm.reshape(NW, E // NW // CH, CH)
    src_s, dst_s, norm1_s = _make_sc_permute_attrs()(src, dst, norm[:, 0], perm3)
    norm_s = norm1_s.reshape(E, 1)
    src_s3 = src_s.reshape(NW, E // NW // CH, CH)
    dst_s3 = dst_s.reshape(NW, E // NW // CH, CH)

    offsets = jnp.searchsorted(r_s, jnp.arange(NR, dtype=jnp.int32)).astype(jnp.int32)

    tile_starts = (jnp.arange(NT, dtype=jnp.int32) * T)
    cuts = jnp.sort(jnp.concatenate([tile_starts, offsets]))
    cuts_p = jnp.concatenate(
        [cuts, jnp.full((S + 1 - cuts.shape[0],), E, jnp.int32)])
    step_start = cuts_p[:S]
    step_end = cuts_p[1:S + 1]
    step_tile = jnp.minimum(step_start // T, NT - 1).astype(jnp.int32)
    step_rel = jnp.clip(
        jnp.searchsorted(offsets, step_start, side="right") - 1, 0, NR - 1
    ).astype(jnp.int32)

    wd1 = _dense_blockdiag(w1)
    wd2 = _dense_blockdiag(w2)
    bias1_2d = bias1.reshape(1, D)
    bias2_2d = bias2.reshape(1, D)
    zeros_blk = jnp.zeros((ROWS_PER_TILE, D), jnp.float32)

    gather_edges = _make_sc_gather(E)
    gather_nodes = _make_sc_gather(XPAD)
    sc_scatter = _make_sc_scatter()

    h_pad = jnp.concatenate([h, jnp.zeros((XPAD - N,), jnp.int32)])
    h_pad3 = h_pad.reshape(NW, XPAD // NW // CH, CH)
    x0p = gather_nodes(emb_e, h_pad3)
    x0 = x0p[:N]

    g1 = gather_edges(x0p, src_s3)
    msg1 = _tc_bmm(step_tile, step_rel, step_start, step_end, g1, norm_s, wd1)
    aggp1 = sc_scatter(msg1, dst_s3, zeros_blk)[:, :N]
    x1 = _tc_finish(aggp1, x0, loop_w1, bias1_2d, relu=True)

    g2 = gather_edges(x1, src_s3)
    msg2 = _tc_bmm(step_tile, step_rel, step_start, step_end, g2, norm_s, wd2)
    aggp2 = sc_scatter(msg2, dst_s3, zeros_blk)[:, :N]
    out = _tc_finish(aggp2, x1, loop_w2, bias2_2d, relu=False)
    return out

# --- scband reference (transcript-rebuilt; emitter-appended) ---
"""Pipeline reference for scband-conv-e-32160715113079 (READ-ONLY COPY).

The authoritative reference and input builder live on the scoring server;
editing this copy changes nothing except your own understanding.
"""

import jax, jax.numpy as jnp
import numpy as np

N = 10000
E = 320000
D = 128
NUM_REL = 100
NUM_BASES = 4
BLK = D // NUM_BASES  # 32


def setup_inputs(seed: int = 0) -> dict:
    key = jax.random.key(seed)
    ks = jax.random.split(key, 10)
    h = jnp.arange(N, dtype=jnp.int32)
    edge_index = jax.random.randint(ks[0], (2, E), 0, N, dtype=jnp.int32)
    r = jax.random.randint(ks[1], (E,), 0, 2 * NUM_REL, dtype=jnp.int32)
    norm = jax.random.uniform(ks[2], (E, 1), dtype=jnp.float32)
    emb_e = jax.random.normal(ks[3], (N, D), dtype=jnp.float32) * 0.02
    w1 = jax.random.normal(ks[4], (2 * NUM_REL, NUM_BASES, BLK, BLK), dtype=jnp.float32) * 0.05
    loop_w1 = jax.random.normal(ks[5], (D, D), dtype=jnp.float32) * 0.05
    bias1 = jnp.zeros((D,), dtype=jnp.float32)
    w2 = jax.random.normal(ks[6], (2 * NUM_REL, NUM_BASES, BLK, BLK), dtype=jnp.float32) * 0.05
    loop_w2 = jax.random.normal(ks[7], (D, D), dtype=jnp.float32) * 0.05
    bias2 = jnp.zeros((D,), dtype=jnp.float32)
    return {"h": h, "edge_index": edge_index, "r": r, "norm": norm,
            "emb_e": emb_e, "w1": w1, "loop_w1": loop_w1, "bias1": bias1,
            "w2": w2, "loop_w2": loop_w2, "bias2": bias2}


def _relgraphconv_bdd(x, edge_index, r, norm, w, loop_w, bias, activation):
    # DGL RelGraphConv with regularizer='bdd', self_loop=True (dropout = identity in eval)
    n_nodes = x.shape[0]
    e = edge_index.shape[1]
    src = edge_index[0]
    dst = edge_index[1]
    h_src = jnp.take(x, src, axis=0)                    # [E, D] gather
    w_e = jnp.take(w, r, axis=0)                        # [E, B, blk, blk] gather by edge type
    node = h_src.reshape(e, NUM_BASES, 1, BLK)
    msg = jnp.matmul(node, w_e).reshape(e, D)           # block-diagonal per-edge bmm
    msg = msg * norm                                    # edge norm
    agg = jax.ops.segment_sum(msg, dst, num_segments=n_nodes)  # scatter-add to dst
    out = agg + bias + x @ loop_w                       # bias + self-loop
    if activation:
        out = jax.nn.relu(out)
    return out


def reference(h, edge_index, r, norm, emb_e, w1, loop_w1, bias1, w2, loop_w2, bias2):
    x = jnp.take(emb_e, h, axis=0)                      # embedding lookup emb_e(h)
    x = _relgraphconv_bdd(x, edge_index, r, norm, w1, loop_w1, bias1, True)
    x = jax.nn.relu(x)                                  # outer F.relu in forward (idempotent with inner relu)
    x = _relgraphconv_bdd(x, edge_index, r, norm, w2, loop_w2, bias2, False)
    return x

if __name__ == "__main__":
    import jax
    _d = setup_inputs()
    print(jax.jit(kernel)(*tuple(_d.values())))

</pallas_src>

<mosaic_0001>
#map = affine_map<(d0, d1) -> (0)>
#map1 = affine_map<(d0, d1) -> (0, 0, 0)>
module attributes {stable_mosaic.version = 14 : i64} {
  func.func @permute_k(%arg0: i32, %arg1: i32, %arg2: memref<320000xi32, #tpu.memory_space<hbm>>, %arg3: memref<320000xi32, #tpu.memory_space<hbm>>, %arg4: memref<320000xf32, #tpu.memory_space<hbm>>, %arg5: memref<32x125x80xi32, #tpu.memory_space<hbm>>, %arg6: memref<320000xi32, #tpu.memory_space<hbm>>, %arg7: memref<320000xi32, #tpu.memory_space<hbm>>, %arg8: memref<320000xf32, #tpu.memory_space<hbm>>, %arg9: memref<125x80xi32, #tpu.memory_space<vmem>>, %arg10: memref<80xi32, #tpu.memory_space<vmem>>, %arg11: memref<80xi32, #tpu.memory_space<vmem>>, %arg12: memref<80xf32, #tpu.memory_space<vmem>>, %arg13: memref<!tpu.dma_semaphore, #tpu.memory_space<semaphore_mem>>, %arg14: memref<!tpu.dma_semaphore, #tpu.memory_space<semaphore_mem>>) attributes {dimension_semantics = [#tpu.dimension_semantics<core_parallel>, #tpu.dimension_semantics<subcore_parallel>], iteration_bounds = array<i64: 2, 16>, scalar_prefetch = 0 : i64, scratch_operands = 6 : i64, tpu.core_type = #tpu.core_type<sc_vector_subcore>, window_params = [{transform_indices = #map}, {transform_indices = #map}, {transform_indices = #map}, {transform_indices = #map1}, {transform_indices = #map}, {transform_indices = #map}, {transform_indices = #map}]} {
    %mul3A = arith.constant 2 : i32
    %mul3A_0 = arith.muli %arg1, %mul3A : i32
    %add3A = arith.addi %mul3A_0, %arg0 : i32
    %mul3A_1 = arith.constant 10000 : i32
    %mul3A_2 = arith.muli %add3A, %mul3A_1 : i32
    "tpu.region"() ({
      %run_scoped3A = tpu.sem_alloc : memref<!tpu.dma_semaphore, #tpu.memory_space<semaphore_mem>>
      %dma_start3A = arith.constant 0 : i32
      %dma_start3A_13 = arith.constant 0 : i32
      %dma_start3A_14 = tpu.memref_slice %arg5[%add3A, %dma_start3A, %dma_start3A_13] : memref<32x125x80xi32, #tpu.memory_space<hbm>> -> memref<1x125x80xi32, #tpu.memory_space<hbm>>
      %dma_start3A_15 = tpu.memref_squeeze %dma_start3A_14 : memref<1x125x80xi32, #tpu.memory_space<hbm>> -> memref<125x80xi32, #tpu.memory_space<hbm>>
      %dma_start3A_16 = arith.constant 0 : i32
      %dma_start3A_17 = arith.constant 0 : i32
      %dma_start3A_18 = tpu.memref_slice %arg5[%add3A, %dma_start3A_16, %dma_start3A_17] : memref<32x125x80xi32, #tpu.memory_space<hbm>> -> memref<1x125x80xi32, #tpu.memory_space<hbm>>
      %dma_start3A_19 = tpu.memref_squeeze %dma_start3A_18 : memref<1x125x80xi32, #tpu.memory_space<hbm>> -> memref<125x80xi32, #tpu.memory_space<hbm>>
      tpu.enqueue_dma source(%dma_start3A_19 : memref<125x80xi32, #tpu.memory_space<hbm>>) target(%arg9 : memref<125x80xi32, #tpu.memory_space<vmem>>) target_semaphore(%run_scoped3A : memref<!tpu.dma_semaphore, #tpu.memory_space<semaphore_mem>>)
      %dma_wait3A_20 = arith.constant 0 : i32
      %dma_wait3A_21 = arith.constant 0 : i32
      %dma_wait3A_22 = tpu.memref_slice %arg5[%add3A, %dma_wait3A_20, %dma_wait3A_21] : memref<32x125x80xi32, #tpu.memory_space<hbm>> -> memref<1x125x80xi32, #tpu.memory_space<hbm>>
      %dma_wait3A_23 = tpu.memref_squeeze %dma_wait3A_22 : memref<1x125x80xi32, #tpu.memory_space<hbm>> -> memref<125x80xi32, #tpu.memory_space<hbm>>
      %dma_wait3A_24 = arith.constant 0 : i32
      %dma_wait3A_25 = arith.constant 0 : i32
      %dma_wait3A_26 = tpu.memref_slice %arg5[%add3A, %dma_wait3A_24, %dma_wait3A_25] : memref<32x125x80xi32, #tpu.memory_space<hbm>> -> memref<1x125x80xi32, #tpu.memory_space<hbm>>
      %dma_wait3A_27 = tpu.memref_squeeze %dma_wait3A_26 : memref<1x125x80xi32, #tpu.memory_space<hbm>> -> memref<125x80xi32, #tpu.memory_space<hbm>>
      tpu.wait_dma2 semaphore(%run_scoped3A : memref<!tpu.dma_semaphore, #tpu.memory_space<semaphore_mem>>) src(%dma_wait3A_27 : memref<125x80xi32, #tpu.memory_space<hbm>>) dst(%arg9 : memref<125x80xi32, #tpu.memory_space<vmem>>)
      tpu.yield
    }) : () -> ()
    %scan3A = arith.constant 0 : i32
    %scan3A_3 = arith.constant 0 : i32
    %scan3A_4 = arith.constant 125 : i32
    %scan3A_5 = arith.addi %scan3A_3, %scan3A_4 : i32
    %scan3A_6 = arith.constant 1 : i32
    scf.for %scan3A_13 = %scan3A_3 to %scan3A_5 step %scan3A_6  : i32 {
      %mul3A_14 = arith.constant 80 : i32
      %mul3A_15 = arith.muli %scan3A_13, %mul3A_14 : i32
      %add3A_16 = arith.addi %mul3A_2, %mul3A_15 : i32
      %gt3A = arith.constant 0 : i32
      %gt3A_17 = arith.cmpi sgt, %scan3A_13, %gt3A : i32
      %convert_element_type3A = arith.extui %gt3A_17 : i1 to i32
      %cond3A = arith.constant 0 : i32
      %cond3A_18 = arith.cmpi ne, %convert_element_type3A, %cond3A : i32
      scf.if %cond3A_18 {
        %dma_wait3A_54 = tpu.memref_slice %arg6[%mul3A_2] : memref<320000xi32, #tpu.memory_space<hbm>> -> memref<80xi32, #tpu.memory_space<hbm>>
        %dma_wait3A_55 = tpu.memref_slice %arg6[%mul3A_2] : memref<320000xi32, #tpu.memory_space<hbm>> -> memref<80xi32, #tpu.memory_space<hbm>>
        tpu.wait_dma2 semaphore(%arg14 : memref<!tpu.dma_semaphore, #tpu.memory_space<semaphore_mem>>) src(%arg10 : memref<80xi32, #tpu.memory_space<vmem>>) dst(%dma_wait3A_55 : memref<80xi32, #tpu.memory_space<hbm>>)
        %dma_wait3A_56 = tpu.memref_slice %arg7[%mul3A_2] : memref<320000xi32, #tpu.memory_space<hbm>> -> memref<80xi32, #tpu.memory_space<hbm>>
        %dma_wait3A_57 = tpu.memref_slice %arg7[%mul3A_2] : memref<320000xi32, #tpu.memory_space<hbm>> -> memref<80xi32, #tpu.memory_space<hbm>>
        tpu.wait_dma2 semaphore(%arg14 : memref<!tpu.dma_semaphore, #tpu.memory_space<semaphore_mem>>) src(%arg11 : memref<80xi32, #tpu.memory_space<vmem>>) dst(%dma_wait3A_57 : memref<80xi32, #tpu.memory_space<hbm>>)
        %dma_wait3A_58 = tpu.memref_slice %arg8[%mul3A_2] : memref<320000xf32, #tpu.memory_space<hbm>> -> memref<80xf32, #tpu.memory_space<hbm>>
        %dma_wait3A_59 = tpu.memref_slice %arg8[%mul3A_2] : memref<320000xf32, #tpu.memory_space<hbm>> -> memref<80xf32, #tpu.memory_space<hbm>>
        tpu.wait_dma2 semaphore(%arg14 : memref<!tpu.dma_semaphore, #tpu.memory_space<semaphore_mem>>) src(%arg12 : memref<80xf32, #tpu.memory_space<vmem>>) dst(%dma_wait3A_59 : memref<80xf32, #tpu.memory_space<hbm>>)
      } else {
      }
      %dma_start3A = arith.constant 0 : i32
      %dma_start3A_19 = tpu.memref_slice %arg9[%scan3A_13, %dma_start3A] : memref<125x80xi32, #tpu.memory_space<vmem>> -> memref<1x80xi32, #tpu.memory_space<vmem>>
      %dma_start3A_20 = tpu.memref_squeeze %dma_start3A_19 : memref<1x80xi32, #tpu.memory_space<vmem>> -> memref<80xi32, #tpu.memory_space<vmem>>
      %dma_start3A_21 = arith.constant 0 : i32
      %dma_start3A_22 = tpu.memref_slice %arg2[%dma_start3A_21] : memref<320000xi32, #tpu.memory_space<hbm>> -> memref<320000xi32, #tpu.memory_space<hbm>>
      tpu.enqueue_indirect_dma source(%dma_start3A_22 : memref<320000xi32, #tpu.memory_space<hbm>>) target(%arg10 : memref<80xi32, #tpu.memory_space<vmem>>) offsets(%dma_start3A_20 : memref<80xi32, #tpu.memory_space<vmem>>) semaphore(%arg13 : memref<!tpu.dma_semaphore, #tpu.memory_space<semaphore_mem>>)
      %dma_start3A_23 = arith.constant 0 : i32
      %dma_start3A_24 = tpu.memref_slice %arg9[%scan3A_13, %dma_start3A_23] : memref<125x80xi32, #tpu.memory_space<vmem>> -> memref<1x80xi32, #tpu.memory_space<vmem>>
      %dma_start3A_25 = tpu.memref_squeeze %dma_start3A_24 : memref<1x80xi32, #tpu.memory_space<vmem>> -> memref<80xi32, #tpu.memory_space<vmem>>
      %dma_start3A_26 = arith.constant 0 : i32
      %dma_start3A_27 = tpu.memref_slice %arg3[%dma_start3A_26] : memref<320000xi32, #tpu.memory_space<hbm>> -> memref<320000xi32, #tpu.memory_space<hbm>>
      tpu.enqueue_indirect_dma source(%dma_start3A_27 : memref<320000xi32, #tpu.memory_space<hbm>>) target(%arg11 : memref<80xi32, #tpu.memory_space<vmem>>) offsets(%dma_start3A_25 : memref<80xi32, #tpu.memory_space<vmem>>) semaphore(%arg13 : memref<!tpu.dma_semaphore, #tpu.memory_space<semaphore_mem>>)
      %dma_start3A_28 = arith.constant 0 : i32
      %dma_start3A_29 = tpu.memref_slice %arg9[%scan3A_13, %dma_start3A_28] : memref<125x80xi32, #tpu.memory_space<vmem>> -> memref<1x80xi32, #tpu.memory_space<vmem>>
      %dma_start3A_30 = tpu.memref_squeeze %dma_start3A_29 : memref<1x80xi32, #tpu.memory_space<vmem>> -> memref<80xi32, #tpu.memory_space<vmem>>
      %dma_start3A_31 = arith.constant 0 : i32
      %dma_start3A_32 = tpu.memref_slice %arg4[%dma_start3A_31] : memref<320000xf32, #tpu.memory_space<hbm>> -> memref<320000xf32, #tpu.memory_space<hbm>>
      tpu.enqueue_indirect_dma source(%dma_start3A_32 : memref<320000xf32, #tpu.memory_space<hbm>>) target(%arg12 : memref<80xf32, #tpu.memory_space<vmem>>) offsets(%dma_start3A_30 : memref<80xi32, #tpu.memory_space<vmem>>) semaphore(%arg13 : memref<!tpu.dma_semaphore, #tpu.memory_space<semaphore_mem>>)
      %dma_wait3A_33 = arith.constant 0 : i32
      %dma_wait3A_34 = tpu.memref_slice %arg9[%scan3A_13, %dma_wait3A_33] : memref<125x80xi32, #tpu.memory_space<vmem>> -> memref<1x80xi32, #tpu.memory_space<vmem>>
      %dma_wait3A_35 = tpu.memref_squeeze %dma_wait3A_34 : memref<1x80xi32, #tpu.memory_space<vmem>> -> memref<80xi32, #tpu.memory_space<vmem>>
      %dma_wait3A_36 = arith.constant 0 : i32
      %dma_wait3A_37 = tpu.memref_slice %arg2[%dma_wait3A_36] : memref<320000xi32, #tpu.memory_space<hbm>> -> memref<320000xi32, #tpu.memory_space<hbm>>
      tpu.wait_indirect_dma semaphore(%arg13 : memref<!tpu.dma_semaphore, #tpu.memory_space<semaphore_mem>>) src(%dma_wait3A_37 : memref<320000xi32, #tpu.memory_space<hbm>>) dst(%arg10 : memref<80xi32, #tpu.memory_space<vmem>>)
      %dma_wait3A_38 = arith.constant 0 : i32
      %dma_wait3A_39 = tpu.memref_slice %arg9[%scan3A_13, %dma_wait3A_38] : memref<125x80xi32, #tpu.memory_space<vmem>> -> memref<1x80xi32, #tpu.memory_space<vmem>>
      %dma_wait3A_40 = tpu.memref_squeeze %dma_wait3A_39 : memref<1x80xi32, #tpu.memory_space<vmem>> -> memref<80xi32, #tpu.memory_space<vmem>>
      %dma_wait3A_41 = arith.constant 0 : i32
      %dma_wait3A_42 = tpu.memref_slice %arg3[%dma_wait3A_41] : memref<320000xi32, #tpu.memory_space<hbm>> -> memref<320000xi32, #tpu.memory_space<hbm>>
      tpu.wait_indirect_dma semaphore(%arg13 : memref<!tpu.dma_semaphore, #tpu.memory_space<semaphore_mem>>) src(%dma_wait3A_42 : memref<320000xi32, #tpu.memory_space<hbm>>) dst(%arg11 : memref<80xi32, #tpu.memory_space<vmem>>)
      %dma_wait3A_43 = arith.constant 0 : i32
      %dma_wait3A_44 = tpu.memref_slice %arg9[%scan3A_13, %dma_wait3A_43] : memref<125x80xi32, #tpu.memory_space<vmem>> -> memref<1x80xi32, #tpu.memory_space<vmem>>
      %dma_wait3A_45 = tpu.memref_squeeze %dma_wait3A_44 : memref<1x80xi32, #tpu.memory_space<vmem>> -> memref<80xi32, #tpu.memory_space<vmem>>
      %dma_wait3A_46 = arith.constant 0 : i32
      %dma_wait3A_47 = tpu.memref_slice %arg4[%dma_wait3A_46] : memref<320000xf32, #tpu.memory_space<hbm>> -> memref<320000xf32, #tpu.memory_space<hbm>>
      tpu.wait_indirect_dma semaphore(%arg13 : memref<!tpu.dma_semaphore, #tpu.memory_space<semaphore_mem>>) src(%dma_wait3A_47 : memref<320000xf32, #tpu.memory_space<hbm>>) dst(%arg12 : memref<80xf32, #tpu.memory_space<vmem>>)
      %dma_start3A_48 = tpu.memref_slice %arg6[%add3A_16] : memref<320000xi32, #tpu.memory_space<hbm>> -> memref<80xi32, #tpu.memory_space<hbm>>
      %dma_start3A_49 = tpu.memref_slice %arg6[%add3A_16] : memref<320000xi32, #tpu.memory_space<hbm>> -> memref<80xi32, #tpu.memory_space<hbm>>
      tpu.enqueue_dma source(%arg10 : memref<80xi32, #tpu.memory_space<vmem>>) target(%dma_start3A_49 : memref<80xi32, #tpu.memory_space<hbm>>) target_semaphore(%arg14 : memref<!tpu.dma_semaphore, #tpu.memory_space<semaphore_mem>>)
      %dma_start3A_50 = tpu.memref_slice %arg7[%add3A_16] : memref<320000xi32, #tpu.memory_space<hbm>> -> memref<80xi32, #tpu.memory_space<hbm>>
      %dma_start3A_51 = tpu.memref_slice %arg7[%add3A_16] : memref<320000xi32, #tpu.memory_space<hbm>> -> memref<80xi32, #tpu.memory_space<hbm>>
      tpu.enqueue_dma source(%arg11 : memref<80xi32, #tpu.memory_space<vmem>>) target(%dma_start3A_51 : memref<80xi32, #tpu.memory_space<hbm>>) target_semaphore(%arg14 : memref<!tpu.dma_semaphore, #tpu.memory_space<semaphore_mem>>)
      %dma_start3A_52 = tpu.memref_slice %arg8[%add3A_16] : memref<320000xf32, #tpu.memory_space<hbm>> -> memref<80xf32, #tpu.memory_space<hbm>>
      %dma_start3A_53 = tpu.memref_slice %arg8[%add3A_16] : memref<320000xf32, #tpu.memory_space<hbm>> -> memref<80xf32, #tpu.memory_space<hbm>>
      tpu.enqueue_dma source(%arg12 : memref<80xf32, #tpu.memory_space<vmem>>) target(%dma_start3A_53 : memref<80xf32, #tpu.memory_space<hbm>>) target_semaphore(%arg14 : memref<!tpu.dma_semaphore, #tpu.memory_space<semaphore_mem>>)
    }
    %scan3A_7 = arith.constant 125 : i32
    %dma_wait3A = tpu.memref_slice %arg6[%mul3A_2] : memref<320000xi32, #tpu.memory_space<hbm>> -> memref<80xi32, #tpu.memory_space<hbm>>
    %dma_wait3A_8 = tpu.memref_slice %arg6[%mul3A_2] : memref<320000xi32, #tpu.memory_space<hbm>> -> memref<80xi32, #tpu.memory_space<hbm>>
    tpu.wait_dma2 semaphore(%arg14 : memref<!tpu.dma_semaphore, #tpu.memory_space<semaphore_mem>>) src(%arg10 : memref<80xi32, #tpu.memory_space<vmem>>) dst(%dma_wait3A_8 : memref<80xi32, #tpu.memory_space<hbm>>)
    %dma_wait3A_9 = tpu.memref_slice %arg7[%mul3A_2] : memref<320000xi32, #tpu.memory_space<hbm>> -> memref<80xi32, #tpu.memory_space<hbm>>
    %dma_wait3A_10 = tpu.memref_slice %arg7[%mul3A_2] : memref<320000xi32, #tpu.memory_space<hbm>> -> memref<80xi32, #tpu.memory_space<hbm>>
    tpu.wait_dma2 semaphore(%arg14 : memref<!tpu.dma_semaphore, #tpu.memory_space<semaphore_mem>>) src(%arg11 : memref<80xi32, #tpu.memory_space<vmem>>) dst(%dma_wait3A_10 : memref<80xi32, #tpu.memory_space<hbm>>)
    %dma_wait3A_11 = tpu.memref_slice %arg8[%mul3A_2] : memref<320000xf32, #tpu.memory_space<hbm>> -> memref<80xf32, #tpu.memory_space<hbm>>
    %dma_wait3A_12 = tpu.memref_slice %arg8[%mul3A_2] : memref<320000xf32, #tpu.memory_space<hbm>> -> memref<80xf32, #tpu.memory_space<hbm>>
    tpu.wait_dma2 semaphore(%arg14 : memref<!tpu.dma_semaphore, #tpu.memory_space<semaphore_mem>>) src(%arg12 : memref<80xf32, #tpu.memory_space<vmem>>) dst(%dma_wait3A_12 : memref<80xf32, #tpu.memory_space<hbm>>)
    return
  }
}

#map = affine_map<(d0, d1) -> (0, 0)>
#map1 = affine_map<(d0, d1) -> (0, 0, 0)>
module attributes {stable_mosaic.version = 14 : i64} {
  func.func @scatter_k(%arg0: i32, %arg1: i32, %arg2: memref<320000x128xf32, #tpu.memory_space<hbm>>, %arg3: memref<32x125x80xi32, #tpu.memory_space<hbm>>, %arg4: memref<640x128xf32, #tpu.memory_space<hbm>>, %arg5: memref<2x10240x128xf32, #tpu.memory_space<hbm>>, %arg6: memref<125x80xi32, #tpu.memory_space<vmem>>, %arg7: memref<80x128xf32, #tpu.memory_space<vmem>>, %arg8: memref<80x128xf32, #tpu.memory_space<vmem>>, %arg9: memref<10240x128xf32, #tpu.memory_space<vmem_shared>>, %arg10: memref<!tpu.dma_semaphore, #tpu.memory_space<semaphore_mem>>, %arg11: memref<!tpu.dma_semaphore, #tpu.memory_space<semaphore_mem>>) attributes {dimension_semantics = [#tpu.dimension_semantics<core_parallel>, #tpu.dimension_semantics<subcore_parallel>], iteration_bounds = array<i64: 2, 16>, scalar_prefetch = 0 : i64, scratch_operands = 6 : i64, tpu.core_type = #tpu.core_type<sc_vector_subcore>, window_params = [{transform_indices = #map}, {transform_indices = #map1}, {transform_indices = #map}, {transform_indices = #map1}]} {
    %mul3A = arith.constant 640 : i32
    %mul3A_0 = arith.muli %arg1, %mul3A : i32
    "tpu.region"() ({
      %run_scoped3A_19 = tpu.sem_alloc : memref<!tpu.dma_semaphore, #tpu.memory_space<semaphore_mem>>
      %dma_start3A_20 = arith.constant 0 : i32
      %dma_start3A_21 = tpu.memref_slice %arg9[%mul3A_0, %dma_start3A_20] : memref<10240x128xf32, #tpu.memory_space<vmem_shared>> -> memref<640x128xf32, #tpu.memory_space<vmem_shared>>
      tpu.enqueue_dma source(%arg4 : memref<640x128xf32, #tpu.memory_space<hbm>>) target(%dma_start3A_21 : memref<640x128xf32, #tpu.memory_space<vmem_shared>>) target_semaphore(%run_scoped3A_19 : memref<!tpu.dma_semaphore, #tpu.memory_space<semaphore_mem>>)
      %dma_wait3A_22 = arith.constant 0 : i32
      %dma_wait3A_23 = tpu.memref_slice %arg9[%mul3A_0, %dma_wait3A_22] : memref<10240x128xf32, #tpu.memory_space<vmem_shared>> -> memref<640x128xf32, #tpu.memory_space<vmem_shared>>
      tpu.wait_dma2 semaphore(%run_scoped3A_19 : memref<!tpu.dma_semaphore, #tpu.memory_space<semaphore_mem>>) src(%arg4 : memref<640x128xf32, #tpu.memory_space<hbm>>) dst(%dma_wait3A_23 : memref<640x128xf32, #tpu.memory_space<vmem_shared>>)
      tpu.yield
    }) : () -> ()
    %mul3A_1 = arith.constant 16 : i32
    %mul3A_2 = arith.muli %arg0, %mul3A_1 : i32
    %add3A = arith.addi %mul3A_2, %arg1 : i32
    %mul3A_3 = arith.constant 10000 : i32
    %mul3A_4 = arith.muli %add3A, %mul3A_3 : i32
    "tpu.region"() ({
      %run_scoped3A_19 = tpu.sem_alloc : memref<!tpu.dma_semaphore, #tpu.memory_space<semaphore_mem>>
      %dma_start3A_20 = arith.constant 0 : i32
      %dma_start3A_21 = arith.constant 0 : i32
      %dma_start3A_22 = tpu.memref_slice %arg3[%add3A, %dma_start3A_20, %dma_start3A_21] : memref<32x125x80xi32, #tpu.memory_space<hbm>> -> memref<1x125x80xi32, #tpu.memory_space<hbm>>
      %dma_start3A_23 = tpu.memref_squeeze %dma_start3A_22 : memref<1x125x80xi32, #tpu.memory_space<hbm>> -> memref<125x80xi32, #tpu.memory_space<hbm>>
      %dma_start3A_24 = arith.constant 0 : i32
      %dma_start3A_25 = arith.constant 0 : i32
      %dma_start3A_26 = tpu.memref_slice %arg3[%add3A, %dma_start3A_24, %dma_start3A_25] : memref<32x125x80xi32, #tpu.memory_space<hbm>> -> memref<1x125x80xi32, #tpu.memory_space<hbm>>
      %dma_start3A_27 = tpu.memref_squeeze %dma_start3A_26 : memref<1x125x80xi32, #tpu.memory_space<hbm>> -> memref<125x80xi32, #tpu.memory_space<hbm>>
      tpu.enqueue_dma source(%dma_start3A_27 : memref<125x80xi32, #tpu.memory_space<hbm>>) target(%arg6 : memref<125x80xi32, #tpu.memory_space<vmem>>) target_semaphore(%run_scoped3A_19 : memref<!tpu.dma_semaphore, #tpu.memory_space<semaphore_mem>>)
      %dma_wait3A_28 = arith.constant 0 : i32
      %dma_wait3A_29 = arith.constant 0 : i32
      %dma_wait3A_30 = tpu.memref_slice %arg3[%add3A, %dma_wait3A_28, %dma_wait3A_29] : memref<32x125x80xi32, #tpu.memory_space<hbm>> -> memref<1x125x80xi32, #tpu.memory_space<hbm>>
      %dma_wait3A_31 = tpu.memref_squeeze %dma_wait3A_30 : memref<1x125x80xi32, #tpu.memory_space<hbm>> -> memref<125x80xi32, #tpu.memory_space<hbm>>
      %dma_wait3A_32 = arith.constant 0 : i32
      %dma_wait3A_33 = arith.constant 0 : i32
      %dma_wait3A_34 = tpu.memref_slice %arg3[%add3A, %dma_wait3A_32, %dma_wait3A_33] : memref<32x125x80xi32, #tpu.memory_space<hbm>> -> memref<1x125x80xi32, #tpu.memory_space<hbm>>
      %dma_wait3A_35 = tpu.memref_squeeze %dma_wait3A_34 : memref<1x125x80xi32, #tpu.memory_space<hbm>> -> memref<125x80xi32, #tpu.memory_space<hbm>>
      tpu.wait_dma2 semaphore(%run_scoped3A_19 : memref<!tpu.dma_semaphore, #tpu.memory_space<semaphore_mem>>) src(%dma_wait3A_35 : memref<125x80xi32, #tpu.memory_space<hbm>>) dst(%arg6 : memref<125x80xi32, #tpu.memory_space<vmem>>)
      tpu.yield
    }) : () -> ()
    %barrier3A = arith.constant 0 : index
    tpu.barrier barrier_id(%barrier3A)
    %add3A_5 = arith.constant 0 : i32
    %add3A_6 = arith.addi %mul3A_4, %add3A_5 : i32
    %dma_start3A = arith.constant 0 : i32
    %dma_start3A_7 = tpu.memref_slice %arg2[%add3A_6, %dma_start3A] : memref<320000x128xf32, #tpu.memory_space<hbm>> -> memref<80x128xf32, #tpu.memory_space<hbm>>
    %dma_start3A_8 = arith.constant 0 : i32
    %dma_start3A_9 = tpu.memref_slice %arg2[%add3A_6, %dma_start3A_8] : memref<320000x128xf32, #tpu.memory_space<hbm>> -> memref<80x128xf32, #tpu.memory_space<hbm>>
    tpu.enqueue_dma source(%dma_start3A_9 : memref<80x128xf32, #tpu.memory_space<hbm>>) target(%arg7 : memref<80x128xf32, #tpu.memory_space<vmem>>) target_semaphore(%arg10 : memref<!tpu.dma_semaphore, #tpu.memory_space<semaphore_mem>>)
    %scan3A = arith.constant 0 : i32
    %scan3A_10 = arith.constant 0 : i32
    %scan3A_11 = arith.constant 62 : i32
    %scan3A_12 = arith.addi %scan3A_10, %scan3A_11 : i32
    %scan3A_13 = arith.constant 1 : i32
    scf.for %scan3A_19 = %scan3A_10 to %scan3A_12 step %scan3A_13  : i32 {
      %mul3A_20 = arith.constant 2 : i32
      %mul3A_21 = arith.muli %mul3A_20, %scan3A_19 : i32
      %add3A_22 = arith.constant 1 : i32
      %add3A_23 = arith.addi %mul3A_21, %add3A_22 : i32
      %mul3A_24 = arith.constant 80 : i32
      %mul3A_25 = arith.muli %add3A_23, %mul3A_24 : i32
      %add3A_26 = arith.addi %mul3A_4, %mul3A_25 : i32
      %dma_start3A_27 = arith.constant 0 : i32
      %dma_start3A_28 = tpu.memref_slice %arg2[%add3A_26, %dma_start3A_27] : memref<320000x128xf32, #tpu.memory_space<hbm>> -> memref<80x128xf32, #tpu.memory_space<hbm>>
      %dma_start3A_29 = arith.constant 0 : i32
      %dma_start3A_30 = tpu.memref_slice %arg2[%add3A_26, %dma_start3A_29] : memref<320000x128xf32, #tpu.memory_space<hbm>> -> memref<80x128xf32, #tpu.memory_space<hbm>>
      tpu.enqueue_dma source(%dma_start3A_30 : memref<80x128xf32, #tpu.memory_space<hbm>>) target(%arg8 : memref<80x128xf32, #tpu.memory_space<vmem>>) target_semaphore(%arg11 : memref<!tpu.dma_semaphore, #tpu.memory_space<semaphore_mem>>)
      %dma_wait3A_31 = arith.constant 0 : i32
      %dma_wait3A_32 = tpu.memref_slice %arg2[%mul3A_4, %dma_wait3A_31] : memref<320000x128xf32, #tpu.memory_space<hbm>> -> memref<80x128xf32, #tpu.memory_space<hbm>>
      %dma_wait3A_33 = arith.constant 0 : i32
      %dma_wait3A_34 = tpu.memref_slice %arg2[%mul3A_4, %dma_wait3A_33] : memref<320000x128xf32, #tpu.memory_space<hbm>> -> memref<80x128xf32, #tpu.memory_space<hbm>>
      tpu.wait_dma2 semaphore(%arg10 : memref<!tpu.dma_semaphore, #tpu.memory_space<semaphore_mem>>) src(%dma_wait3A_34 : memref<80x128xf32, #tpu.memory_space<hbm>>) dst(%arg7 : memref<80x128xf32, #tpu.memory_space<vmem>>)
      "tpu.region"() ({
        %run_scoped3A_43 = tpu.sem_alloc : memref<!tpu.dma_semaphore, #tpu.memory_space<semaphore_mem>>
        %dma_start3A_44 = arith.constant 0 : i32
        %dma_start3A_45 = tpu.memref_slice %arg6[%mul3A_21, %dma_start3A_44] : memref<125x80xi32, #tpu.memory_space<vmem>> -> memref<1x80xi32, #tpu.memory_space<vmem>>
        %dma_start3A_46 = tpu.memref_squeeze %dma_start3A_45 : memref<1x80xi32, #tpu.memory_space<vmem>> -> memref<80xi32, #tpu.memory_space<vmem>>
        %dma_start3A_47 = arith.constant 0 : i32
        %dma_start3A_48 = arith.constant 0 : i32
        %dma_start3A_49 = tpu.memref_slice %arg9[%dma_start3A_47, %dma_start3A_48] : memref<10240x128xf32, #tpu.memory_space<vmem_shared>> -> memref<10240x128xf32, #tpu.memory_space<vmem_shared>>
        tpu.enqueue_indirect_dma source(%arg7 : memref<80x128xf32, #tpu.memory_space<vmem>>) target(%dma_start3A_49 : memref<10240x128xf32, #tpu.memory_space<vmem_shared>>) offsets(%dma_start3A_46 : memref<80xi32, #tpu.memory_space<vmem>>) semaphore(%run_scoped3A_43 : memref<!tpu.dma_semaphore, #tpu.memory_space<semaphore_mem>>) {add = true}
        %dma_wait3A_50 = arith.constant 0 : i32
        %dma_wait3A_51 = tpu.memref_slice %arg6[%mul3A_21, %dma_wait3A_50] : memref<125x80xi32, #tpu.memory_space<vmem>> -> memref<1x80xi32, #tpu.memory_space<vmem>>
        %dma_wait3A_52 = tpu.memref_squeeze %dma_wait3A_51 : memref<1x80xi32, #tpu.memory_space<vmem>> -> memref<80xi32, #tpu.memory_space<vmem>>
        %dma_wait3A_53 = arith.constant 0 : i32
        %dma_wait3A_54 = arith.constant 0 : i32
        %dma_wait3A_55 = tpu.memref_slice %arg9[%dma_wait3A_53, %dma_wait3A_54] : memref<10240x128xf32, #tpu.memory_space<vmem_shared>> -> memref<10240x128xf32, #tpu.memory_space<vmem_shared>>
        tpu.wait_indirect_dma semaphore(%run_scoped3A_43 : memref<!tpu.dma_semaphore, #tpu.memory_space<semaphore_mem>>) src(%arg7 : memref<80x128xf32, #tpu.memory_space<vmem>>) dst(%dma_wait3A_55 : memref<10240x128xf32, #tpu.memory_space<vmem_shared>>)
        tpu.yield
      }) : () -> ()
      %add3A_35 = arith.constant 2 : i32
      %add3A_36 = arith.addi %mul3A_21, %add3A_35 : i32
      %lt3A = arith.constant 125 : i32
      %lt3A_37 = arith.cmpi slt, %add3A_36, %lt3A : i32
      %convert_element_type3A = arith.extui %lt3A_37 : i1 to i32
      %cond3A = arith.constant 0 : i32
      %cond3A_38 = arith.cmpi ne, %convert_element_type3A, %cond3A : i32
      scf.if %cond3A_38 {
        %add3A_43 = arith.constant 2 : i32
        %add3A_44 = arith.addi %mul3A_21, %add3A_43 : i32
        %mul3A_45 = arith.constant 80 : i32
        %mul3A_46 = arith.muli %add3A_44, %mul3A_45 : i32
        %add3A_47 = arith.addi %mul3A_4, %mul3A_46 : i32
        %dma_start3A_48 = arith.constant 0 : i32
        %dma_start3A_49 = tpu.memref_slice %arg2[%add3A_47, %dma_start3A_48] : memref<320000x128xf32, #tpu.memory_space<hbm>> -> memref<80x128xf32, #tpu.memory_space<hbm>>
        %dma_start3A_50 = arith.constant 0 : i32
        %dma_start3A_51 = tpu.memref_slice %arg2[%add3A_47, %dma_start3A_50] : memref<320000x128xf32, #tpu.memory_space<hbm>> -> memref<80x128xf32, #tpu.memory_space<hbm>>
        tpu.enqueue_dma source(%dma_start3A_51 : memref<80x128xf32, #tpu.memory_space<hbm>>) target(%arg7 : memref<80x128xf32, #tpu.memory_space<vmem>>) target_semaphore(%arg10 : memref<!tpu.dma_semaphore, #tpu.memory_space<semaphore_mem>>)
      } else {
      }
      %dma_wait3A_39 = arith.constant 0 : i32
      %dma_wait3A_40 = tpu.memref_slice %arg2[%mul3A_4, %dma_wait3A_39] : memref<320000x128xf32, #tpu.memory_space<hbm>> -> memref<80x128xf32, #tpu.memory_space<hbm>>
      %dma_wait3A_41 = arith.constant 0 : i32
      %dma_wait3A_42 = tpu.memref_slice %arg2[%mul3A_4, %dma_wait3A_41] : memref<320000x128xf32, #tpu.memory_space<hbm>> -> memref<80x128xf32, #tpu.memory_space<hbm>>
      tpu.wait_dma2 semaphore(%arg11 : memref<!tpu.dma_semaphore, #tpu.memory_space<semaphore_mem>>) src(%dma_wait3A_42 : memref<80x128xf32, #tpu.memory_space<hbm>>) dst(%arg8 : memref<80x128xf32, #tpu.memory_space<vmem>>)
      "tpu.region"() ({
        %run_scoped3A_43 = tpu.sem_alloc : memref<!tpu.dma_semaphore, #tpu.memory_space<semaphore_mem>>
        %dma_start3A_44 = arith.constant 0 : i32
        %dma_start3A_45 = tpu.memref_slice %arg6[%add3A_23, %dma_start3A_44] : memref<125x80xi32, #tpu.memory_space<vmem>> -> memref<1x80xi32, #tpu.memory_space<vmem>>
        %dma_start3A_46 = tpu.memref_squeeze %dma_start3A_45 : memref<1x80xi32, #tpu.memory_space<vmem>> -> memref<80xi32, #tpu.memory_space<vmem>>
        %dma_start3A_47 = arith.constant 0 : i32
        %dma_start3A_48 = arith.constant 0 : i32
        %dma_start3A_49 = tpu.memref_slice %arg9[%dma_start3A_47, %dma_start3A_48] : memref<10240x128xf32, #tpu.memory_space<vmem_shared>> -> memref<10240x128xf32, #tpu.memory_space<vmem_shared>>
        tpu.enqueue_indirect_dma source(%arg8 : memref<80x128xf32, #tpu.memory_space<vmem>>) target(%dma_start3A_49 : memref<10240x128xf32, #tpu.memory_space<vmem_shared>>) offsets(%dma_start3A_46 : memref<80xi32, #tpu.memory_space<vmem>>) semaphore(%run_scoped3A_43 : memref<!tpu.dma_semaphore, #tpu.memory_space<semaphore_mem>>) {add = true}
        %dma_wait3A_50 = arith.constant 0 : i32
        %dma_wait3A_51 = tpu.memref_slice %arg6[%add3A_23, %dma_wait3A_50] : memref<125x80xi32, #tpu.memory_space<vmem>> -> memref<1x80xi32, #tpu.memory_space<vmem>>
        %dma_wait3A_52 = tpu.memref_squeeze %dma_wait3A_51 : memref<1x80xi32, #tpu.memory_space<vmem>> -> memref<80xi32, #tpu.memory_space<vmem>>
        %dma_wait3A_53 = arith.constant 0 : i32
        %dma_wait3A_54 = arith.constant 0 : i32
        %dma_wait3A_55 = tpu.memref_slice %arg9[%dma_wait3A_53, %dma_wait3A_54] : memref<10240x128xf32, #tpu.memory_space<vmem_shared>> -> memref<10240x128xf32, #tpu.memory_space<vmem_shared>>
        tpu.wait_indirect_dma semaphore(%run_scoped3A_43 : memref<!tpu.dma_semaphore, #tpu.memory_space<semaphore_mem>>) src(%arg8 : memref<80x128xf32, #tpu.memory_space<vmem>>) dst(%dma_wait3A_55 : memref<10240x128xf32, #tpu.memory_space<vmem_shared>>)
        tpu.yield
      }) : () -> ()
    }
    %scan3A_14 = arith.constant 62 : i32
    %dma_wait3A = arith.constant 0 : i32
    %dma_wait3A_15 = tpu.memref_slice %arg2[%mul3A_4, %dma_wait3A] : memref<320000x128xf32, #tpu.memory_space<hbm>> -> memref<80x128xf32, #tpu.memory_space<hbm>>
    %dma_wait3A_16 = arith.constant 0 : i32
    %dma_wait3A_17 = tpu.memref_slice %arg2[%mul3A_4, %dma_wait3A_16] : memref<320000x128xf32, #tpu.memory_space<hbm>> -> memref<80x128xf32, #tpu.memory_space<hbm>>
    tpu.wait_dma2 semaphore(%arg10 : memref<!tpu.dma_semaphore, #tpu.memory_space<semaphore_mem>>) src(%dma_wait3A_17 : memref<80x128xf32, #tpu.memory_space<hbm>>) dst(%arg7 : memref<80x128xf32, #tpu.memory_space<vmem>>)
    %run_scoped3A = arith.constant 124 : i32
    "tpu.region"() ({
      %run_scoped3A_19 = tpu.sem_alloc : memref<!tpu.dma_semaphore, #tpu.memory_space<semaphore_mem>>
      %dma_start3A_20 = arith.constant 0 : i32
      %dma_start3A_21 = tpu.memref_slice %arg6[%run_scoped3A, %dma_start3A_20] : memref<125x80xi32, #tpu.memory_space<vmem>> -> memref<1x80xi32, #tpu.memory_space<vmem>>
      %dma_start3A_22 = tpu.memref_squeeze %dma_start3A_21 : memref<1x80xi32, #tpu.memory_space<vmem>> -> memref<80xi32, #tpu.memory_space<vmem>>
      %dma_start3A_23 = arith.constant 0 : i32
      %dma_start3A_24 = arith.constant 0 : i32
      %dma_start3A_25 = tpu.memref_slice %arg9[%dma_start3A_23, %dma_start3A_24] : memref<10240x128xf32, #tpu.memory_space<vmem_shared>> -> memref<10240x128xf32, #tpu.memory_space<vmem_shared>>
      tpu.enqueue_indirect_dma source(%arg7 : memref<80x128xf32, #tpu.memory_space<vmem>>) target(%dma_start3A_25 : memref<10240x128xf32, #tpu.memory_space<vmem_shared>>) offsets(%dma_start3A_22 : memref<80xi32, #tpu.memory_space<vmem>>) semaphore(%run_scoped3A_19 : memref<!tpu.dma_semaphore, #tpu.memory_space<semaphore_mem>>) {add = true}
      %dma_wait3A_26 = arith.constant 0 : i32
      %dma_wait3A_27 = tpu.memref_slice %arg6[%run_scoped3A, %dma_wait3A_26] : memref<125x80xi32, #tpu.memory_space<vmem>> -> memref<1x80xi32, #tpu.memory_space<vmem>>
      %dma_wait3A_28 = tpu.memref_squeeze %dma_wait3A_27 : memref<1x80xi32, #tpu.memory_space<vmem>> -> memref<80xi32, #tpu.memory_space<vmem>>
      %dma_wait3A_29 = arith.constant 0 : i32
      %dma_wait3A_30 = arith.constant 0 : i32
      %dma_wait3A_31 = tpu.memref_slice %arg9[%dma_wait3A_29, %dma_wait3A_30] : memref<10240x128xf32, #tpu.memory_space<vmem_shared>> -> memref<10240x128xf32, #tpu.memory_space<vmem_shared>>
      tpu.wait_indirect_dma semaphore(%run_scoped3A_19 : memref<!tpu.dma_semaphore, #tpu.memory_space<semaphore_mem>>) src(%arg7 : memref<80x128xf32, #tpu.memory_space<vmem>>) dst(%dma_wait3A_31 : memref<10240x128xf32, #tpu.memory_space<vmem_shared>>)
      tpu.yield
    }) : () -> ()
    %barrier3A_18 = arith.constant 0 : index
    tpu.barrier barrier_id(%barrier3A_18)
    "tpu.region"() ({
      %run_scoped3A_19 = tpu.sem_alloc : memref<!tpu.dma_semaphore, #tpu.memory_space<semaphore_mem>>
      %dma_start3A_20 = arith.constant 0 : i32
      %dma_start3A_21 = tpu.memref_slice %arg5[%arg0, %mul3A_0, %dma_start3A_20] : memref<2x10240x128xf32, #tpu.memory_space<hbm>> -> memref<1x640x128xf32, #tpu.memory_space<hbm>>
      %dma_start3A_22 = tpu.memref_squeeze %dma_start3A_21 : memref<1x640x128xf32, #tpu.memory_space<hbm>> -> memref<640x128xf32, #tpu.memory_space<hbm>>
      %dma_start3A_23 = arith.constant 0 : i32
      %dma_start3A_24 = tpu.memref_slice %arg9[%mul3A_0, %dma_start3A_23] : memref<10240x128xf32, #tpu.memory_space<vmem_shared>> -> memref<640x128xf32, #tpu.memory_space<vmem_shared>>
      tpu.enqueue_dma source(%dma_start3A_24 : memref<640x128xf32, #tpu.memory_space<vmem_shared>>) target(%dma_start3A_22 : memref<640x128xf32, #tpu.memory_space<hbm>>) target_semaphore(%run_scoped3A_19 : memref<!tpu.dma_semaphore, #tpu.memory_space<semaphore_mem>>)
      %dma_wait3A_25 = arith.constant 0 : i32
      %dma_wait3A_26 = tpu.memref_slice %arg5[%arg0, %mul3A_0, %dma_wait3A_25] : memref<2x10240x128xf32, #tpu.memory_space<hbm>> -> memref<1x640x128xf32, #tpu.memory_space<hbm>>
      %dma_wait3A_27 = tpu.memref_squeeze %dma_wait3A_26 : memref<1x640x128xf32, #tpu.memory_space<hbm>> -> memref<640x128xf32, #tpu.memory_space<hbm>>
      %dma_wait3A_28 = arith.constant 0 : i32
      %dma_wait3A_29 = tpu.memref_slice %arg9[%mul3A_0, %dma_wait3A_28] : memref<10240x128xf32, #tpu.memory_space<vmem_shared>> -> memref<640x128xf32, #tpu.memory_space<vmem_shared>>
      tpu.wait_dma2 semaphore(%run_scoped3A_19 : memref<!tpu.dma_semaphore, #tpu.memory_space<semaphore_mem>>) src(%dma_wait3A_29 : memref<640x128xf32, #tpu.memory_space<vmem_shared>>) dst(%dma_wait3A_27 : memref<640x128xf32, #tpu.memory_space<hbm>>)
      tpu.yield
    }) : () -> ()
    return
  }
}

#map = affine_map<(d0, d1) -> (0, 0)>
#map1 = affine_map<(d0, d1) -> (0, 0, 0)>
module attributes {stable_mosaic.version = 14 : i64} {
  func.func @gather_k(%arg0: i32, %arg1: i32, %arg2: memref<10000x128xf32, #tpu.memory_space<hbm>>, %arg3: memref<32x4x80xi32, #tpu.memory_space<hbm>>, %arg4: memref<10240x128xf32, #tpu.memory_space<hbm>>, %arg5: memref<4x80xi32, #tpu.memory_space<vmem>>, %arg6: memref<80x128xf32, #tpu.memory_space<vmem>>, %arg7: memref<80x128xf32, #tpu.memory_space<vmem>>, %arg8: memref<!tpu.dma_semaphore, #tpu.memory_space<semaphore_mem>>, %arg9: memref<!tpu.dma_semaphore, #tpu.memory_space<semaphore_mem>>, %arg10: memref<!tpu.dma_semaphore, #tpu.memory_space<semaphore_mem>>, %arg11: memref<!tpu.dma_semaphore, #tpu.memory_space<semaphore_mem>>) attributes {dimension_semantics = [#tpu.dimension_semantics<core_parallel>, #tpu.dimension_semantics<subcore_parallel>], iteration_bounds = array<i64: 2, 16>, scalar_prefetch = 0 : i64, scratch_operands = 7 : i64, tpu.core_type = #tpu.core_type<sc_vector_subcore>, window_params = [{transform_indices = #map}, {transform_indices = #map1}, {transform_indices = #map}]} {
    %mul3A = arith.constant 2 : i32
    %mul3A_0 = arith.muli %arg1, %mul3A : i32
    %add3A = arith.addi %mul3A_0, %arg0 : i32
    %mul3A_1 = arith.constant 320 : i32
    %mul3A_2 = arith.muli %add3A, %mul3A_1 : i32
    "tpu.region"() ({
      %run_scoped3A = tpu.sem_alloc : memref<!tpu.dma_semaphore, #tpu.memory_space<semaphore_mem>>
      %dma_start3A_17 = arith.constant 0 : i32
      %dma_start3A_18 = arith.constant 0 : i32
      %dma_start3A_19 = tpu.memref_slice %arg3[%add3A, %dma_start3A_17, %dma_start3A_18] : memref<32x4x80xi32, #tpu.memory_space<hbm>> -> memref<1x4x80xi32, #tpu.memory_space<hbm>>
      %dma_start3A_20 = tpu.memref_squeeze %dma_start3A_19 : memref<1x4x80xi32, #tpu.memory_space<hbm>> -> memref<4x80xi32, #tpu.memory_space<hbm>>
      %dma_start3A_21 = arith.constant 0 : i32
      %dma_start3A_22 = arith.constant 0 : i32
      %dma_start3A_23 = tpu.memref_slice %arg3[%add3A, %dma_start3A_21, %dma_start3A_22] : memref<32x4x80xi32, #tpu.memory_space<hbm>> -> memref<1x4x80xi32, #tpu.memory_space<hbm>>
      %dma_start3A_24 = tpu.memref_squeeze %dma_start3A_23 : memref<1x4x80xi32, #tpu.memory_space<hbm>> -> memref<4x80xi32, #tpu.memory_space<hbm>>
      tpu.enqueue_dma source(%dma_start3A_24 : memref<4x80xi32, #tpu.memory_space<hbm>>) target(%arg5 : memref<4x80xi32, #tpu.memory_space<vmem>>) target_semaphore(%run_scoped3A : memref<!tpu.dma_semaphore, #tpu.memory_space<semaphore_mem>>)
      %dma_wait3A_25 = arith.constant 0 : i32
      %dma_wait3A_26 = arith.constant 0 : i32
      %dma_wait3A_27 = tpu.memref_slice %arg3[%add3A, %dma_wait3A_25, %dma_wait3A_26] : memref<32x4x80xi32, #tpu.memory_space<hbm>> -> memref<1x4x80xi32, #tpu.memory_space<hbm>>
      %dma_wait3A_28 = tpu.memref_squeeze %dma_wait3A_27 : memref<1x4x80xi32, #tpu.memory_space<hbm>> -> memref<4x80xi32, #tpu.memory_space<hbm>>
      %dma_wait3A_29 = arith.constant 0 : i32
      %dma_wait3A_30 = arith.constant 0 : i32
      %dma_wait3A_31 = tpu.memref_slice %arg3[%add3A, %dma_wait3A_29, %dma_wait3A_30] : memref<32x4x80xi32, #tpu.memory_space<hbm>> -> memref<1x4x80xi32, #tpu.memory_space<hbm>>
      %dma_wait3A_32 = tpu.memref_squeeze %dma_wait3A_31 : memref<1x4x80xi32, #tpu.memory_space<hbm>> -> memref<4x80xi32, #tpu.memory_space<hbm>>
      tpu.wait_dma2 semaphore(%run_scoped3A : memref<!tpu.dma_semaphore, #tpu.memory_space<semaphore_mem>>) src(%dma_wait3A_32 : memref<4x80xi32, #tpu.memory_space<hbm>>) dst(%arg5 : memref<4x80xi32, #tpu.memory_space<vmem>>)
      tpu.yield
    }) : () -> ()
    %dma_start3A = arith.constant 0 : i32
    %dma_start3A_3 = arith.constant 0 : i32
    %dma_start3A_4 = tpu.memref_slice %arg5[%dma_start3A, %dma_start3A_3] : memref<4x80xi32, #tpu.memory_space<vmem>> -> memref<1x80xi32, #tpu.memory_space<vmem>>
    %dma_start3A_5 = tpu.memref_squeeze %dma_start3A_4 : memref<1x80xi32, #tpu.memory_space<vmem>> -> memref<80xi32, #tpu.memory_space<vmem>>
    %dma_start3A_6 = arith.constant 0 : i32
    %dma_start3A_7 = arith.constant 0 : i32
    %dma_start3A_8 = tpu.memref_slice %arg2[%dma_start3A_6, %dma_start3A_7] : memref<10000x128xf32, #tpu.memory_space<hbm>> -> memref<10000x128xf32, #tpu.memory_space<hbm>>
    tpu.enqueue_indirect_dma source(%dma_start3A_8 : memref<10000x128xf32, #tpu.memory_space<hbm>>) target(%arg6 : memref<80x128xf32, #tpu.memory_space<vmem>>) offsets(%dma_start3A_5 : memref<80xi32, #tpu.memory_space<vmem>>) semaphore(%arg8 : memref<!tpu.dma_semaphore, #tpu.memory_space<semaphore_mem>>)
    %scan3A = arith.constant 0 : i32
    %scan3A_9 = arith.constant 0 : i32
    %scan3A_10 = arith.constant 2 : i32
    %scan3A_11 = arith.addi %scan3A_9, %scan3A_10 : i32
    %scan3A_12 = arith.constant 1 : i32
    scf.for %scan3A_17 = %scan3A_9 to %scan3A_11 step %scan3A_12  : i32 {
      %mul3A_18 = arith.constant 2 : i32
      %mul3A_19 = arith.muli %mul3A_18, %scan3A_17 : i32
      %add3A_20 = arith.constant 1 : i32
      %add3A_21 = arith.addi %mul3A_19, %add3A_20 : i32
      %gt3A = arith.constant 0 : i32
      %gt3A_22 = arith.cmpi sgt, %scan3A_17, %gt3A : i32
      %convert_element_type3A = arith.extui %gt3A_22 : i1 to i32
      %cond3A = arith.constant 0 : i32
      %cond3A_23 = arith.cmpi ne, %convert_element_type3A, %cond3A : i32
      scf.if %cond3A_23 {
        %dma_wait3A_66 = arith.constant 0 : i32
        %dma_wait3A_67 = tpu.memref_slice %arg4[%mul3A_2, %dma_wait3A_66] : memref<10240x128xf32, #tpu.memory_space<hbm>> -> memref<80x128xf32, #tpu.memory_space<hbm>>
        %dma_wait3A_68 = arith.constant 0 : i32
        %dma_wait3A_69 = tpu.memref_slice %arg4[%mul3A_2, %dma_wait3A_68] : memref<10240x128xf32, #tpu.memory_space<hbm>> -> memref<80x128xf32, #tpu.memory_space<hbm>>
        tpu.wait_dma2 semaphore(%arg11 : memref<!tpu.dma_semaphore, #tpu.memory_space<semaphore_mem>>) src(%arg7 : memref<80x128xf32, #tpu.memory_space<vmem>>) dst(%dma_wait3A_69 : memref<80x128xf32, #tpu.memory_space<hbm>>)
      } else {
      }
      %dma_start3A_24 = arith.constant 0 : i32
      %dma_start3A_25 = tpu.memref_slice %arg5[%add3A_21, %dma_start3A_24] : memref<4x80xi32, #tpu.memory_space<vmem>> -> memref<1x80xi32, #tpu.memory_space<vmem>>
      %dma_start3A_26 = tpu.memref_squeeze %dma_start3A_25 : memref<1x80xi32, #tpu.memory_space<vmem>> -> memref<80xi32, #tpu.memory_space<vmem>>
      %dma_start3A_27 = arith.constant 0 : i32
      %dma_start3A_28 = arith.constant 0 : i32
      %dma_start3A_29 = tpu.memref_slice %arg2[%dma_start3A_27, %dma_start3A_28] : memref<10000x128xf32, #tpu.memory_space<hbm>> -> memref<10000x128xf32, #tpu.memory_space<hbm>>
      tpu.enqueue_indirect_dma source(%dma_start3A_29 : memref<10000x128xf32, #tpu.memory_space<hbm>>) target(%arg7 : memref<80x128xf32, #tpu.memory_space<vmem>>) offsets(%dma_start3A_26 : memref<80xi32, #tpu.memory_space<vmem>>) semaphore(%arg9 : memref<!tpu.dma_semaphore, #tpu.memory_space<semaphore_mem>>)
      %dma_wait3A_30 = arith.constant 0 : i32
      %dma_wait3A_31 = tpu.memref_slice %arg5[%mul3A_19, %dma_wait3A_30] : memref<4x80xi32, #tpu.memory_space<vmem>> -> memref<1x80xi32, #tpu.memory_space<vmem>>
      %dma_wait3A_32 = tpu.memref_squeeze %dma_wait3A_31 : memref<1x80xi32, #tpu.memory_space<vmem>> -> memref<80xi32, #tpu.memory_space<vmem>>
      %dma_wait3A_33 = arith.constant 0 : i32
      %dma_wait3A_34 = arith.constant 0 : i32
      %dma_wait3A_35 = tpu.memref_slice %arg2[%dma_wait3A_33, %dma_wait3A_34] : memref<10000x128xf32, #tpu.memory_space<hbm>> -> memref<10000x128xf32, #tpu.memory_space<hbm>>
      tpu.wait_indirect_dma semaphore(%arg8 : memref<!tpu.dma_semaphore, #tpu.memory_space<semaphore_mem>>) src(%dma_wait3A_35 : memref<10000x128xf32, #tpu.memory_space<hbm>>) dst(%arg6 : memref<80x128xf32, #tpu.memory_space<vmem>>)
      %mul3A_36 = arith.constant 80 : i32
      %mul3A_37 = arith.muli %mul3A_19, %mul3A_36 : i32
      %add3A_38 = arith.addi %mul3A_2, %mul3A_37 : i32
      %dma_start3A_39 = arith.constant 0 : i32
      %dma_start3A_40 = tpu.memref_slice %arg4[%add3A_38, %dma_start3A_39] : memref<10240x128xf32, #tpu.memory_space<hbm>> -> memref<80x128xf32, #tpu.memory_space<hbm>>
      %dma_start3A_41 = arith.constant 0 : i32
      %dma_start3A_42 = tpu.memref_slice %arg4[%add3A_38, %dma_start3A_41] : memref<10240x128xf32, #tpu.memory_space<hbm>> -> memref<80x128xf32, #tpu.memory_space<hbm>>
      tpu.enqueue_dma source(%arg6 : memref<80x128xf32, #tpu.memory_space<vmem>>) target(%dma_start3A_42 : memref<80x128xf32, #tpu.memory_space<hbm>>) target_semaphore(%arg10 : memref<!tpu.dma_semaphore, #tpu.memory_space<semaphore_mem>>)
      %dma_wait3A_43 = arith.constant 0 : i32
      %dma_wait3A_44 = tpu.memref_slice %arg4[%mul3A_2, %dma_wait3A_43] : memref<10240x128xf32, #tpu.memory_space<hbm>> -> memref<80x128xf32, #tpu.memory_space<hbm>>
      %dma_wait3A_45 = arith.constant 0 : i32
      %dma_wait3A_46 = tpu.memref_slice %arg4[%mul3A_2, %dma_wait3A_45] : memref<10240x128xf32, #tpu.memory_space<hbm>> -> memref<80x128xf32, #tpu.memory_space<hbm>>
      tpu.wait_dma2 semaphore(%arg10 : memref<!tpu.dma_semaphore, #tpu.memory_space<semaphore_mem>>) src(%arg6 : memref<80x128xf32, #tpu.memory_space<vmem>>) dst(%dma_wait3A_46 : memref<80x128xf32, #tpu.memory_space<hbm>>)
      %add3A_47 = arith.constant 2 : i32
      %add3A_48 = arith.addi %mul3A_19, %add3A_47 : i32
      %lt3A = arith.constant 4 : i32
      %lt3A_49 = arith.cmpi slt, %add3A_48, %lt3A : i32
      %convert_element_type3A_50 = arith.extui %lt3A_49 : i1 to i32
      %cond3A_51 = arith.constant 0 : i32
      %cond3A_52 = arith.cmpi ne, %convert_element_type3A_50, %cond3A_51 : i32
      scf.if %cond3A_52 {
        %add3A_66 = arith.constant 2 : i32
        %add3A_67 = arith.addi %mul3A_19, %add3A_66 : i32
        %dma_start3A_68 = arith.constant 0 : i32
        %dma_start3A_69 = tpu.memref_slice %arg5[%add3A_67, %dma_start3A_68] : memref<4x80xi32, #tpu.memory_space<vmem>> -> memref<1x80xi32, #tpu.memory_space<vmem>>
        %dma_start3A_70 = tpu.memref_squeeze %dma_start3A_69 : memref<1x80xi32, #tpu.memory_space<vmem>> -> memref<80xi32, #tpu.memory_space<vmem>>
        %dma_start3A_71 = arith.constant 0 : i32
        %dma_start3A_72 = arith.constant 0 : i32
        %dma_start3A_73 = tpu.memref_slice %arg2[%dma_start3A_71, %dma_start3A_72] : memref<10000x128xf32, #tpu.memory_space<hbm>> -> memref<10000x128xf32, #tpu.memory_space<hbm>>
        tpu.enqueue_indirect_dma source(%dma_start3A_73 : memref<10000x128xf32, #tpu.memory_space<hbm>>) target(%arg6 : memref<80x128xf32, #tpu.memory_space<vmem>>) offsets(%dma_start3A_70 : memref<80xi32, #tpu.memory_space<vmem>>) semaphore(%arg8 : memref<!tpu.dma_semaphore, #tpu.memory_space<semaphore_mem>>)
      } else {
      }
      %dma_wait3A_53 = arith.constant 0 : i32
      %dma_wait3A_54 = tpu.memref_slice %arg5[%add3A_21, %dma_wait3A_53] : memref<4x80xi32, #tpu.memory_space<vmem>> -> memref<1x80xi32, #tpu.memory_space<vmem>>
      %dma_wait3A_55 = tpu.memref_squeeze %dma_wait3A_54 : memref<1x80xi32, #tpu.memory_space<vmem>> -> memref<80xi32, #tpu.memory_space<vmem>>
      %dma_wait3A_56 = arith.constant 0 : i32
      %dma_wait3A_57 = arith.constant 0 : i32
      %dma_wait3A_58 = tpu.memref_slice %arg2[%dma_wait3A_56, %dma_wait3A_57] : memref<10000x128xf32, #tpu.memory_space<hbm>> -> memref<10000x128xf32, #tpu.memory_space<hbm>>
      tpu.wait_indirect_dma semaphore(%arg9 : memref<!tpu.dma_semaphore, #tpu.memory_space<semaphore_mem>>) src(%dma_wait3A_58 : memref<10000x128xf32, #tpu.memory_space<hbm>>) dst(%arg7 : memref<80x128xf32, #tpu.memory_space<vmem>>)
      %mul3A_59 = arith.constant 80 : i32
      %mul3A_60 = arith.muli %add3A_21, %mul3A_59 : i32
      %add3A_61 = arith.addi %mul3A_2, %mul3A_60 : i32
      %dma_start3A_62 = arith.constant 0 : i32
      %dma_start3A_63 = tpu.memref_slice %arg4[%add3A_61, %dma_start3A_62] : memref<10240x128xf32, #tpu.memory_space<hbm>> -> memref<80x128xf32, #tpu.memory_space<hbm>>
      %dma_start3A_64 = arith.constant 0 : i32
      %dma_start3A_65 = tpu.memref_slice %arg4[%add3A_61, %dma_start3A_64] : memref<10240x128xf32, #tpu.memory_space<hbm>> -> memref<80x128xf32, #tpu.memory_space<hbm>>
      tpu.enqueue_dma source(%arg7 : memref<80x128xf32, #tpu.memory_space<vmem>>) target(%dma_start3A_65 : memref<80x128xf32, #tpu.memory_space<hbm>>) target_semaphore(%arg11 : memref<!tpu.dma_semaphore, #tpu.memory_space<semaphore_mem>>)
    }
    %scan3A_13 = arith.constant 2 : i32
    %dma_wait3A = arith.constant 0 : i32
    %dma_wait3A_14 = tpu.memref_slice %arg4[%mul3A_2, %dma_wait3A] : memref<10240x128xf32, #tpu.memory_space<hbm>> -> memref<80x128xf32, #tpu.memory_space<hbm>>
    %dma_wait3A_15 = arith.constant 0 : i32
    %dma_wait3A_16 = tpu.memref_slice %arg4[%mul3A_2, %dma_wait3A_15] : memref<10240x128xf32, #tpu.memory_space<hbm>> -> memref<80x128xf32, #tpu.memory_space<hbm>>
    tpu.wait_dma2 semaphore(%arg11 : memref<!tpu.dma_semaphore, #tpu.memory_space<semaphore_mem>>) src(%arg7 : memref<80x128xf32, #tpu.memory_space<vmem>>) dst(%dma_wait3A_16 : memref<80x128xf32, #tpu.memory_space<hbm>>)
    return
  }
}

#map = affine_map<(d0, d1) -> (0, 0)>
#map1 = affine_map<(d0, d1) -> (0, 0, 0)>
module attributes {stable_mosaic.version = 14 : i64} {
  func.func @gather_k(%arg0: i32, %arg1: i32, %arg2: memref<10240x128xf32, #tpu.memory_space<hbm>>, %arg3: memref<32x125x80xi32, #tpu.memory_space<hbm>>, %arg4: memref<320000x128xf32, #tpu.memory_space<hbm>>, %arg5: memref<125x80xi32, #tpu.memory_space<vmem>>, %arg6: memref<80x128xf32, #tpu.memory_space<vmem>>, %arg7: memref<80x128xf32, #tpu.memory_space<vmem>>, %arg8: memref<!tpu.dma_semaphore, #tpu.memory_space<semaphore_mem>>, %arg9: memref<!tpu.dma_semaphore, #tpu.memory_space<semaphore_mem>>, %arg10: memref<!tpu.dma_semaphore, #tpu.memory_space<semaphore_mem>>, %arg11: memref<!tpu.dma_semaphore, #tpu.memory_space<semaphore_mem>>) attributes {dimension_semantics = [#tpu.dimension_semantics<core_parallel>, #tpu.dimension_semantics<subcore_parallel>], iteration_bounds = array<i64: 2, 16>, scalar_prefetch = 0 : i64, scratch_operands = 7 : i64, tpu.core_type = #tpu.core_type<sc_vector_subcore>, window_params = [{transform_indices = #map}, {transform_indices = #map1}, {transform_indices = #map}]} {
    %mul3A = arith.constant 2 : i32
    %mul3A_0 = arith.muli %arg1, %mul3A : i32
    %add3A = arith.addi %mul3A_0, %arg0 : i32
    %mul3A_1 = arith.constant 10000 : i32
    %mul3A_2 = arith.muli %add3A, %mul3A_1 : i32
    "tpu.region"() ({
      %run_scoped3A = tpu.sem_alloc : memref<!tpu.dma_semaphore, #tpu.memory_space<semaphore_mem>>
      %dma_start3A_26 = arith.constant 0 : i32
      %dma_start3A_27 = arith.constant 0 : i32
      %dma_start3A_28 = tpu.memref_slice %arg3[%add3A, %dma_start3A_26, %dma_start3A_27] : memref<32x125x80xi32, #tpu.memory_space<hbm>> -> memref<1x125x80xi32, #tpu.memory_space<hbm>>
      %dma_start3A_29 = tpu.memref_squeeze %dma_start3A_28 : memref<1x125x80xi32, #tpu.memory_space<hbm>> -> memref<125x80xi32, #tpu.memory_space<hbm>>
      %dma_start3A_30 = arith.constant 0 : i32
      %dma_start3A_31 = arith.constant 0 : i32
      %dma_start3A_32 = tpu.memref_slice %arg3[%add3A, %dma_start3A_30, %dma_start3A_31] : memref<32x125x80xi32, #tpu.memory_space<hbm>> -> memref<1x125x80xi32, #tpu.memory_space<hbm>>
      %dma_start3A_33 = tpu.memref_squeeze %dma_start3A_32 : memref<1x125x80xi32, #tpu.memory_space<hbm>> -> memref<125x80xi32, #tpu.memory_space<hbm>>
      tpu.enqueue_dma source(%dma_start3A_33 : memref<125x80xi32, #tpu.memory_space<hbm>>) target(%arg5 : memref<125x80xi32, #tpu.memory_space<vmem>>) target_semaphore(%run_scoped3A : memref<!tpu.dma_semaphore, #tpu.memory_space<semaphore_mem>>)
      %dma_wait3A_34 = arith.constant 0 : i32
      %dma_wait3A_35 = arith.constant 0 : i32
      %dma_wait3A_36 = tpu.memref_slice %arg3[%add3A, %dma_wait3A_34, %dma_wait3A_35] : memref<32x125x80xi32, #tpu.memory_space<hbm>> -> memref<1x125x80xi32, #tpu.memory_space<hbm>>
      %dma_wait3A_37 = tpu.memref_squeeze %dma_wait3A_36 : memref<1x125x80xi32, #tpu.memory_space<hbm>> -> memref<125x80xi32, #tpu.memory_space<hbm>>
      %dma_wait3A_38 = arith.constant 0 : i32
      %dma_wait3A_39 = arith.constant 0 : i32
      %dma_wait3A_40 = tpu.memref_slice %arg3[%add3A, %dma_wait3A_38, %dma_wait3A_39] : memref<32x125x80xi32, #tpu.memory_space<hbm>> -> memref<1x125x80xi32, #tpu.memory_space<hbm>>
      %dma_wait3A_41 = tpu.memref_squeeze %dma_wait3A_40 : memref<1x125x80xi32, #tpu.memory_space<hbm>> -> memref<125x80xi32, #tpu.memory_space<hbm>>
      tpu.wait_dma2 semaphore(%run_scoped3A : memref<!tpu.dma_semaphore, #tpu.memory_space<semaphore_mem>>) src(%dma_wait3A_41 : memref<125x80xi32, #tpu.memory_space<hbm>>) dst(%arg5 : memref<125x80xi32, #tpu.memory_space<vmem>>)
      tpu.yield
    }) : () -> ()
    %dma_start3A = arith.constant 0 : i32
    %dma_start3A_3 = arith.constant 0 : i32
    %dma_start3A_4 = tpu.memref_slice %arg5[%dma_start3A, %dma_start3A_3] : memref<125x80xi32, #tpu.memory_space<vmem>> -> memref<1x80xi32, #tpu.memory_space<vmem>>
    %dma_start3A_5 = tpu.memref_squeeze %dma_start3A_4 : memref<1x80xi32, #tpu.memory_space<vmem>> -> memref<80xi32, #tpu.memory_space<vmem>>
    %dma_start3A_6 = arith.constant 0 : i32
    %dma_start3A_7 = arith.constant 0 : i32
    %dma_start3A_8 = tpu.memref_slice %arg2[%dma_start3A_6, %dma_start3A_7] : memref<10240x128xf32, #tpu.memory_space<hbm>> -> memref<10240x128xf32, #tpu.memory_space<hbm>>
    tpu.enqueue_indirect_dma source(%dma_start3A_8 : memref<10240x128xf32, #tpu.memory_space<hbm>>) target(%arg6 : memref<80x128xf32, #tpu.memory_space<vmem>>) offsets(%dma_start3A_5 : memref<80xi32, #tpu.memory_space<vmem>>) semaphore(%arg8 : memref<!tpu.dma_semaphore, #tpu.memory_space<semaphore_mem>>)
    %scan3A = arith.constant 0 : i32
    %scan3A_9 = arith.constant 0 : i32
    %scan3A_10 = arith.constant 62 : i32
    %scan3A_11 = arith.addi %scan3A_9, %scan3A_10 : i32
    %scan3A_12 = arith.constant 1 : i32
    scf.for %scan3A_26 = %scan3A_9 to %scan3A_11 step %scan3A_12  : i32 {
      %mul3A_27 = arith.constant 2 : i32
      %mul3A_28 = arith.muli %mul3A_27, %scan3A_26 : i32
      %add3A_29 = arith.constant 1 : i32
      %add3A_30 = arith.addi %mul3A_28, %add3A_29 : i32
      %gt3A = arith.constant 0 : i32
      %gt3A_31 = arith.cmpi sgt, %scan3A_26, %gt3A : i32
      %convert_element_type3A = arith.extui %gt3A_31 : i1 to i32
      %cond3A = arith.constant 0 : i32
      %cond3A_32 = arith.cmpi ne, %convert_element_type3A, %cond3A : i32
      scf.if %cond3A_32 {
        %dma_wait3A_75 = arith.constant 0 : i32
        %dma_wait3A_76 = tpu.memref_slice %arg4[%mul3A_2, %dma_wait3A_75] : memref<320000x128xf32, #tpu.memory_space<hbm>> -> memref<80x128xf32, #tpu.memory_space<hbm>>
        %dma_wait3A_77 = arith.constant 0 : i32
        %dma_wait3A_78 = tpu.memref_slice %arg4[%mul3A_2, %dma_wait3A_77] : memref<320000x128xf32, #tpu.memory_space<hbm>> -> memref<80x128xf32, #tpu.memory_space<hbm>>
        tpu.wait_dma2 semaphore(%arg11 : memref<!tpu.dma_semaphore, #tpu.memory_space<semaphore_mem>>) src(%arg7 : memref<80x128xf32, #tpu.memory_space<vmem>>) dst(%dma_wait3A_78 : memref<80x128xf32, #tpu.memory_space<hbm>>)
      } else {
      }
      %dma_start3A_33 = arith.constant 0 : i32
      %dma_start3A_34 = tpu.memref_slice %arg5[%add3A_30, %dma_start3A_33] : memref<125x80xi32, #tpu.memory_space<vmem>> -> memref<1x80xi32, #tpu.memory_space<vmem>>
      %dma_start3A_35 = tpu.memref_squeeze %dma_start3A_34 : memref<1x80xi32, #tpu.memory_space<vmem>> -> memref<80xi32, #tpu.memory_space<vmem>>
      %dma_start3A_36 = arith.constant 0 : i32
      %dma_start3A_37 = arith.constant 0 : i32
      %dma_start3A_38 = tpu.memref_slice %arg2[%dma_start3A_36, %dma_start3A_37] : memref<10240x128xf32, #tpu.memory_space<hbm>> -> memref<10240x128xf32, #tpu.memory_space<hbm>>
      tpu.enqueue_indirect_dma source(%dma_start3A_38 : memref<10240x128xf32, #tpu.memory_space<hbm>>) target(%arg7 : memref<80x128xf32, #tpu.memory_space<vmem>>) offsets(%dma_start3A_35 : memref<80xi32, #tpu.memory_space<vmem>>) semaphore(%arg9 : memref<!tpu.dma_semaphore, #tpu.memory_space<semaphore_mem>>)
      %dma_wait3A_39 = arith.constant 0 : i32
      %dma_wait3A_40 = tpu.memref_slice %arg5[%mul3A_28, %dma_wait3A_39] : memref<125x80xi32, #tpu.memory_space<vmem>> -> memref<1x80xi32, #tpu.memory_space<vmem>>
      %dma_wait3A_41 = tpu.memref_squeeze %dma_wait3A_40 : memref<1x80xi32, #tpu.memory_space<vmem>> -> memref<80xi32, #tpu.memory_space<vmem>>
      %dma_wait3A_42 = arith.constant 0 : i32
      %dma_wait3A_43 = arith.constant 0 : i32
      %dma_wait3A_44 = tpu.memref_slice %arg2[%dma_wait3A_42, %dma_wait3A_43] : memref<10240x128xf32, #tpu.memory_space<hbm>> -> memref<10240x128xf32, #tpu.memory_space<hbm>>
      tpu.wait_indirect_dma semaphore(%arg8 : memref<!tpu.dma_semaphore, #tpu.memory_space<semaphore_mem>>) src(%dma_wait3A_44 : memref<10240x128xf32, #tpu.memory_space<hbm>>) dst(%arg6 : memref<80x128xf32, #tpu.memory_space<vmem>>)
      %mul3A_45 = arith.constant 80 : i32
      %mul3A_46 = arith.muli %mul3A_28, %mul3A_45 : i32
      %add3A_47 = arith.addi %mul3A_2, %mul3A_46 : i32
      %dma_start3A_48 = arith.constant 0 : i32
      %dma_start3A_49 = tpu.memref_slice %arg4[%add3A_47, %dma_start3A_48] : memref<320000x128xf32, #tpu.memory_space<hbm>> -> memref<80x128xf32, #tpu.memory_space<hbm>>
      %dma_start3A_50 = arith.constant 0 : i32
      %dma_start3A_51 = tpu.memref_slice %arg4[%add3A_47, %dma_start3A_50] : memref<320000x128xf32, #tpu.memory_space<hbm>> -> memref<80x128xf32, #tpu.memory_space<hbm>>
      tpu.enqueue_dma source(%arg6 : memref<80x128xf32, #tpu.memory_space<vmem>>) target(%dma_start3A_51 : memref<80x128xf32, #tpu.memory_space<hbm>>) target_semaphore(%arg10 : memref<!tpu.dma_semaphore, #tpu.memory_space<semaphore_mem>>)
      %dma_wait3A_52 = arith.constant 0 : i32
      %dma_wait3A_53 = tpu.memref_slice %arg4[%mul3A_2, %dma_wait3A_52] : memref<320000x128xf32, #tpu.memory_space<hbm>> -> memref<80x128xf32, #tpu.memory_space<hbm>>
      %dma_wait3A_54 = arith.constant 0 : i32
      %dma_wait3A_55 = tpu.memref_slice %arg4[%mul3A_2, %dma_wait3A_54] : memref<320000x128xf32, #tpu.memory_space<hbm>> -> memref<80x128xf32, #tpu.memory_space<hbm>>
      tpu.wait_dma2 semaphore(%arg10 : memref<!tpu.dma_semaphore, #tpu.memory_space<semaphore_mem>>) src(%arg6 : memref<80x128xf32, #tpu.memory_space<vmem>>) dst(%dma_wait3A_55 : memref<80x128xf32, #tpu.memory_space<hbm>>)
      %add3A_56 = arith.constant 2 : i32
      %add3A_57 = arith.addi %mul3A_28, %add3A_56 : i32
      %lt3A = arith.constant 125 : i32
      %lt3A_58 = arith.cmpi slt, %add3A_57, %lt3A : i32
      %convert_element_type3A_59 = arith.extui %lt3A_58 : i1 to i32
      %cond3A_60 = arith.constant 0 : i32
      %cond3A_61 = arith.cmpi ne, %convert_element_type3A_59, %cond3A_60 : i32
      scf.if %cond3A_61 {
        %add3A_75 = arith.constant 2 : i32
        %add3A_76 = arith.addi %mul3A_28, %add3A_75 : i32
        %dma_start3A_77 = arith.constant 0 : i32
        %dma_start3A_78 = tpu.memref_slice %arg5[%add3A_76, %dma_start3A_77] : memref<125x80xi32, #tpu.memory_space<vmem>> -> memref<1x80xi32, #tpu.memory_space<vmem>>
        %dma_start3A_79 = tpu.memref_squeeze %dma_start3A_78 : memref<1x80xi32, #tpu.memory_space<vmem>> -> memref<80xi32, #tpu.memory_space<vmem>>
        %dma_start3A_80 = arith.constant 0 : i32
        %dma_start3A_81 = arith.constant 0 : i32
        %dma_start3A_82 = tpu.memref_slice %arg2[%dma_start3A_80, %dma_start3A_81] : memref<10240x128xf32, #tpu.memory_space<hbm>> -> memref<10240x128xf32, #tpu.memory_space<hbm>>
        tpu.enqueue_indirect_dma source(%dma_start3A_82 : memref<10240x128xf32, #tpu.memory_space<hbm>>) target(%arg6 : memref<80x128xf32, #tpu.memory_space<vmem>>) offsets(%dma_start3A_79 : memref<80xi32, #tpu.memory_space<vmem>>) semaphore(%arg8 : memref<!tpu.dma_semaphore, #tpu.memory_space<semaphore_mem>>)
      } else {
      }
      %dma_wait3A_62 = arith.constant 0 : i32
      %dma_wait3A_63 = tpu.memref_slice %arg5[%add3A_30, %dma_wait3A_62] : memref<125x80xi32, #tpu.memory_space<vmem>> -> memref<1x80xi32, #tpu.memory_space<vmem>>
      %dma_wait3A_64 = tpu.memref_squeeze %dma_wait3A_63 : memref<1x80xi32, #tpu.memory_space<vmem>> -> memref<80xi32, #tpu.memory_space<vmem>>
      %dma_wait3A_65 = arith.constant 0 : i32
      %dma_wait3A_66 = arith.constant 0 : i32
      %dma_wait3A_67 = tpu.memref_slice %arg2[%dma_wait3A_65, %dma_wait3A_66] : memref<10240x128xf32, #tpu.memory_space<hbm>> -> memref<10240x128xf32, #tpu.memory_space<hbm>>
      tpu.wait_indirect_dma semaphore(%arg9 : memref<!tpu.dma_semaphore, #tpu.memory_space<semaphore_mem>>) src(%dma_wait3A_67 : memref<10240x128xf32, #tpu.memory_space<hbm>>) dst(%arg7 : memref<80x128xf32, #tpu.memory_space<vmem>>)
      %mul3A_68 = arith.constant 80 : i32
      %mul3A_69 = arith.muli %add3A_30, %mul3A_68 : i32
      %add3A_70 = arith.addi %mul3A_2, %mul3A_69 : i32
      %dma_start3A_71 = arith.constant 0 : i32
      %dma_start3A_72 = tpu.memref_slice %arg4[%add3A_70, %dma_start3A_71] : memref<320000x128xf32, #tpu.memory_space<hbm>> -> memref<80x128xf32, #tpu.memory_space<hbm>>
      %dma_start3A_73 = arith.constant 0 : i32
      %dma_start3A_74 = tpu.memref_slice %arg4[%add3A_70, %dma_start3A_73] : memref<320000x128xf32, #tpu.memory_space<hbm>> -> memref<80x128xf32, #tpu.memory_space<hbm>>
      tpu.enqueue_dma source(%arg7 : memref<80x128xf32, #tpu.memory_space<vmem>>) target(%dma_start3A_74 : memref<80x128xf32, #tpu.memory_space<hbm>>) target_semaphore(%arg11 : memref<!tpu.dma_semaphore, #tpu.memory_space<semaphore_mem>>)
    }
    %scan3A_13 = arith.constant 62 : i32
    %dma_wait3A = arith.constant 0 : i32
    %dma_wait3A_14 = tpu.memref_slice %arg4[%mul3A_2, %dma_wait3A] : memref<320000x128xf32, #tpu.memory_space<hbm>> -> memref<80x128xf32, #tpu.memory_space<hbm>>
    %dma_wait3A_15 = arith.constant 0 : i32
    %dma_wait3A_16 = tpu.memref_slice %arg4[%mul3A_2, %dma_wait3A_15] : memref<320000x128xf32, #tpu.memory_space<hbm>> -> memref<80x128xf32, #tpu.memory_space<hbm>>
    tpu.wait_dma2 semaphore(%arg11 : memref<!tpu.dma_semaphore, #tpu.memory_space<semaphore_mem>>) src(%arg7 : memref<80x128xf32, #tpu.memory_space<vmem>>) dst(%dma_wait3A_16 : memref<80x128xf32, #tpu.memory_space<hbm>>)
    %dma_wait3A_17 = arith.constant 124 : i32
    %dma_wait3A_18 = arith.constant 0 : i32
    %dma_wait3A_19 = tpu.memref_slice %arg5[%dma_wait3A_17, %dma_wait3A_18] : memref<125x80xi32, #tpu.memory_space<vmem>> -> memref<1x80xi32, #tpu.memory_space<vmem>>
    %dma_wait3A_20 = tpu.memref_squeeze %dma_wait3A_19 : memref<1x80xi32, #tpu.memory_space<vmem>> -> memref<80xi32, #tpu.memory_space<vmem>>
    %dma_wait3A_21 = arith.constant 0 : i32
    %dma_wait3A_22 = arith.constant 0 : i32
    %dma_wait3A_23 = tpu.memref_slice %arg2[%dma_wait3A_21, %dma_wait3A_22] : memref<10240x128xf32, #tpu.memory_space<hbm>> -> memref<10240x128xf32, #tpu.memory_space<hbm>>
    tpu.wait_indirect_dma semaphore(%arg8 : memref<!tpu.dma_semaphore, #tpu.memory_space<semaphore_mem>>) src(%dma_wait3A_23 : memref<10240x128xf32, #tpu.memory_space<hbm>>) dst(%arg6 : memref<80x128xf32, #tpu.memory_space<vmem>>)
    %add3A_24 = arith.constant 9920 : i32
    %add3A_25 = arith.addi %mul3A_2, %add3A_24 : i32
    "tpu.region"() ({
      %run_scoped3A = tpu.sem_alloc : memref<!tpu.dma_semaphore, #tpu.memory_space<semaphore_mem>>
      %dma_start3A_26 = arith.constant 0 : i32
      %dma_start3A_27 = tpu.memref_slice %arg4[%add3A_25, %dma_start3A_26] : memref<320000x128xf32, #tpu.memory_space<hbm>> -> memref<80x128xf32, #tpu.memory_space<hbm>>
      %dma_start3A_28 = arith.constant 0 : i32
      %dma_start3A_29 = tpu.memref_slice %arg4[%add3A_25, %dma_start3A_28] : memref<320000x128xf32, #tpu.memory_space<hbm>> -> memref<80x128xf32, #tpu.memory_space<hbm>>
      tpu.enqueue_dma source(%arg6 : memref<80x128xf32, #tpu.memory_space<vmem>>) target(%dma_start3A_29 : memref<80x128xf32, #tpu.memory_space<hbm>>) target_semaphore(%run_scoped3A : memref<!tpu.dma_semaphore, #tpu.memory_space<semaphore_mem>>)
      %dma_wait3A_30 = arith.constant 0 : i32
      %dma_wait3A_31 = tpu.memref_slice %arg4[%add3A_25, %dma_wait3A_30] : memref<320000x128xf32, #tpu.memory_space<hbm>> -> memref<80x128xf32, #tpu.memory_space<hbm>>
      %dma_wait3A_32 = arith.constant 0 : i32
      %dma_wait3A_33 = tpu.memref_slice %arg4[%add3A_25, %dma_wait3A_32] : memref<320000x128xf32, #tpu.memory_space<hbm>> -> memref<80x128xf32, #tpu.memory_space<hbm>>
      tpu.wait_dma2 semaphore(%run_scoped3A : memref<!tpu.dma_semaphore, #tpu.memory_space<semaphore_mem>>) src(%arg6 : memref<80x128xf32, #tpu.memory_space<vmem>>) dst(%dma_wait3A_33 : memref<80x128xf32, #tpu.memory_space<hbm>>)
      tpu.yield
    }) : () -> ()
    return
  }
}

#map = affine_map<(d0, d1) -> (0, 0)>
#map1 = affine_map<(d0, d1) -> (0, 0, 0)>
module attributes {stable_mosaic.version = 14 : i64} {
  func.func @gather_k(%arg0: i32, %arg1: i32, %arg2: memref<10000x128xf32, #tpu.memory_space<hbm>>, %arg3: memref<32x125x80xi32, #tpu.memory_space<hbm>>, %arg4: memref<320000x128xf32, #tpu.memory_space<hbm>>, %arg5: memref<125x80xi32, #tpu.memory_space<vmem>>, %arg6: memref<80x128xf32, #tpu.memory_space<vmem>>, %arg7: memref<80x128xf32, #tpu.memory_space<vmem>>, %arg8: memref<!tpu.dma_semaphore, #tpu.memory_space<semaphore_mem>>, %arg9: memref<!tpu.dma_semaphore, #tpu.memory_space<semaphore_mem>>, %arg10: memref<!tpu.dma_semaphore, #tpu.memory_space<semaphore_mem>>, %arg11: memref<!tpu.dma_semaphore, #tpu.memory_space<semaphore_mem>>) attributes {dimension_semantics = [#tpu.dimension_semantics<core_parallel>, #tpu.dimension_semantics<subcore_parallel>], iteration_bounds = array<i64: 2, 16>, scalar_prefetch = 0 : i64, scratch_operands = 7 : i64, tpu.core_type = #tpu.core_type<sc_vector_subcore>, window_params = [{transform_indices = #map}, {transform_indices = #map1}, {transform_indices = #map}]} {
    %mul3A = arith.constant 2 : i32
    %mul3A_0 = arith.muli %arg1, %mul3A : i32
    %add3A = arith.addi %mul3A_0, %arg0 : i32
    %mul3A_1 = arith.constant 10000 : i32
    %mul3A_2 = arith.muli %add3A, %mul3A_1 : i32
    "tpu.region"() ({
      %run_scoped3A = tpu.sem_alloc : memref<!tpu.dma_semaphore, #tpu.memory_space<semaphore_mem>>
      %dma_start3A_26 = arith.constant 0 : i32
      %dma_start3A_27 = arith.constant 0 : i32
      %dma_start3A_28 = tpu.memref_slice %arg3[%add3A, %dma_start3A_26, %dma_start3A_27] : memref<32x125x80xi32, #tpu.memory_space<hbm>> -> memref<1x125x80xi32, #tpu.memory_space<hbm>>
      %dma_start3A_29 = tpu.memref_squeeze %dma_start3A_28 : memref<1x125x80xi32, #tpu.memory_space<hbm>> -> memref<125x80xi32, #tpu.memory_space<hbm>>
      %dma_start3A_30 = arith.constant 0 : i32
      %dma_start3A_31 = arith.constant 0 : i32
      %dma_start3A_32 = tpu.memref_slice %arg3[%add3A, %dma_start3A_30, %dma_start3A_31] : memref<32x125x80xi32, #tpu.memory_space<hbm>> -> memref<1x125x80xi32, #tpu.memory_space<hbm>>
      %dma_start3A_33 = tpu.memref_squeeze %dma_start3A_32 : memref<1x125x80xi32, #tpu.memory_space<hbm>> -> memref<125x80xi32, #tpu.memory_space<hbm>>
      tpu.enqueue_dma source(%dma_start3A_33 : memref<125x80xi32, #tpu.memory_space<hbm>>) target(%arg5 : memref<125x80xi32, #tpu.memory_space<vmem>>) target_semaphore(%run_scoped3A : memref<!tpu.dma_semaphore, #tpu.memory_space<semaphore_mem>>)
      %dma_wait3A_34 = arith.constant 0 : i32
      %dma_wait3A_35 = arith.constant 0 : i32
      %dma_wait3A_36 = tpu.memref_slice %arg3[%add3A, %dma_wait3A_34, %dma_wait3A_35] : memref<32x125x80xi32, #tpu.memory_space<hbm>> -> memref<1x125x80xi32, #tpu.memory_space<hbm>>
      %dma_wait3A_37 = tpu.memref_squeeze %dma_wait3A_36 : memref<1x125x80xi32, #tpu.memory_space<hbm>> -> memref<125x80xi32, #tpu.memory_space<hbm>>
      %dma_wait3A_38 = arith.constant 0 : i32
      %dma_wait3A_39 = arith.constant 0 : i32
      %dma_wait3A_40 = tpu.memref_slice %arg3[%add3A, %dma_wait3A_38, %dma_wait3A_39] : memref<32x125x80xi32, #tpu.memory_space<hbm>> -> memref<1x125x80xi32, #tpu.memory_space<hbm>>
      %dma_wait3A_41 = tpu.memref_squeeze %dma_wait3A_40 : memref<1x125x80xi32, #tpu.memory_space<hbm>> -> memref<125x80xi32, #tpu.memory_space<hbm>>
      tpu.wait_dma2 semaphore(%run_scoped3A : memref<!tpu.dma_semaphore, #tpu.memory_space<semaphore_mem>>) src(%dma_wait3A_41 : memref<125x80xi32, #tpu.memory_space<hbm>>) dst(%arg5 : memref<125x80xi32, #tpu.memory_space<vmem>>)
      tpu.yield
    }) : () -> ()
    %dma_start3A = arith.constant 0 : i32
    %dma_start3A_3 = arith.constant 0 : i32
    %dma_start3A_4 = tpu.memref_slice %arg5[%dma_start3A, %dma_start3A_3] : memref<125x80xi32, #tpu.memory_space<vmem>> -> memref<1x80xi32, #tpu.memory_space<vmem>>
    %dma_start3A_5 = tpu.memref_squeeze %dma_start3A_4 : memref<1x80xi32, #tpu.memory_space<vmem>> -> memref<80xi32, #tpu.memory_space<vmem>>
    %dma_start3A_6 = arith.constant 0 : i32
    %dma_start3A_7 = arith.constant 0 : i32
    %dma_start3A_8 = tpu.memref_slice %arg2[%dma_start3A_6, %dma_start3A_7] : memref<10000x128xf32, #tpu.memory_space<hbm>> -> memref<10000x128xf32, #tpu.memory_space<hbm>>
    tpu.enqueue_indirect_dma source(%dma_start3A_8 : memref<10000x128xf32, #tpu.memory_space<hbm>>) target(%arg6 : memref<80x128xf32, #tpu.memory_space<vmem>>) offsets(%dma_start3A_5 : memref<80xi32, #tpu.memory_space<vmem>>) semaphore(%arg8 : memref<!tpu.dma_semaphore, #tpu.memory_space<semaphore_mem>>)
    %scan3A = arith.constant 0 : i32
    %scan3A_9 = arith.constant 0 : i32
    %scan3A_10 = arith.constant 62 : i32
    %scan3A_11 = arith.addi %scan3A_9, %scan3A_10 : i32
    %scan3A_12 = arith.constant 1 : i32
    scf.for %scan3A_26 = %scan3A_9 to %scan3A_11 step %scan3A_12  : i32 {
      %mul3A_27 = arith.constant 2 : i32
      %mul3A_28 = arith.muli %mul3A_27, %scan3A_26 : i32
      %add3A_29 = arith.constant 1 : i32
      %add3A_30 = arith.addi %mul3A_28, %add3A_29 : i32
      %gt3A = arith.constant 0 : i32
      %gt3A_31 = arith.cmpi sgt, %scan3A_26, %gt3A : i32
      %convert_element_type3A = arith.extui %gt3A_31 : i1 to i32
      %cond3A = arith.constant 0 : i32
      %cond3A_32 = arith.cmpi ne, %convert_element_type3A, %cond3A : i32
      scf.if %cond3A_32 {
        %dma_wait3A_75 = arith.constant 0 : i32
        %dma_wait3A_76 = tpu.memref_slice %arg4[%mul3A_2, %dma_wait3A_75] : memref<320000x128xf32, #tpu.memory_space<hbm>> -> memref<80x128xf32, #tpu.memory_space<hbm>>
        %dma_wait3A_77 = arith.constant 0 : i32
        %dma_wait3A_78 = tpu.memref_slice %arg4[%mul3A_2, %dma_wait3A_77] : memref<320000x128xf32, #tpu.memory_space<hbm>> -> memref<80x128xf32, #tpu.memory_space<hbm>>
        tpu.wait_dma2 semaphore(%arg11 : memref<!tpu.dma_semaphore, #tpu.memory_space<semaphore_mem>>) src(%arg7 : memref<80x128xf32, #tpu.memory_space<vmem>>) dst(%dma_wait3A_78 : memref<80x128xf32, #tpu.memory_space<hbm>>)
      } else {
      }
      %dma_start3A_33 = arith.constant 0 : i32
      %dma_start3A_34 = tpu.memref_slice %arg5[%add3A_30, %dma_start3A_33] : memref<125x80xi32, #tpu.memory_space<vmem>> -> memref<1x80xi32, #tpu.memory_space<vmem>>
      %dma_start3A_35 = tpu.memref_squeeze %dma_start3A_34 : memref<1x80xi32, #tpu.memory_space<vmem>> -> memref<80xi32, #tpu.memory_space<vmem>>
      %dma_start3A_36 = arith.constant 0 : i32
      %dma_start3A_37 = arith.constant 0 : i32
      %dma_start3A_38 = tpu.memref_slice %arg2[%dma_start3A_36, %dma_start3A_37] : memref<10000x128xf32, #tpu.memory_space<hbm>> -> memref<10000x128xf32, #tpu.memory_space<hbm>>
      tpu.enqueue_indirect_dma source(%dma_start3A_38 : memref<10000x128xf32, #tpu.memory_space<hbm>>) target(%arg7 : memref<80x128xf32, #tpu.memory_space<vmem>>) offsets(%dma_start3A_35 : memref<80xi32, #tpu.memory_space<vmem>>) semaphore(%arg9 : memref<!tpu.dma_semaphore, #tpu.memory_space<semaphore_mem>>)
      %dma_wait3A_39 = arith.constant 0 : i32
      %dma_wait3A_40 = tpu.memref_slice %arg5[%mul3A_28, %dma_wait3A_39] : memref<125x80xi32, #tpu.memory_space<vmem>> -> memref<1x80xi32, #tpu.memory_space<vmem>>
      %dma_wait3A_41 = tpu.memref_squeeze %dma_wait3A_40 : memref<1x80xi32, #tpu.memory_space<vmem>> -> memref<80xi32, #tpu.memory_space<vmem>>
      %dma_wait3A_42 = arith.constant 0 : i32
      %dma_wait3A_43 = arith.constant 0 : i32
      %dma_wait3A_44 = tpu.memref_slice %arg2[%dma_wait3A_42, %dma_wait3A_43] : memref<10000x128xf32, #tpu.memory_space<hbm>> -> memref<10000x128xf32, #tpu.memory_space<hbm>>
      tpu.wait_indirect_dma semaphore(%arg8 : memref<!tpu.dma_semaphore, #tpu.memory_space<semaphore_mem>>) src(%dma_wait3A_44 : memref<10000x128xf32, #tpu.memory_space<hbm>>) dst(%arg6 : memref<80x128xf32, #tpu.memory_space<vmem>>)
      %mul3A_45 = arith.constant 80 : i32
      %mul3A_46 = arith.muli %mul3A_28, %mul3A_45 : i32
      %add3A_47 = arith.addi %mul3A_2, %mul3A_46 : i32
      %dma_start3A_48 = arith.constant 0 : i32
      %dma_start3A_49 = tpu.memref_slice %arg4[%add3A_47, %dma_start3A_48] : memref<320000x128xf32, #tpu.memory_space<hbm>> -> memref<80x128xf32, #tpu.memory_space<hbm>>
      %dma_start3A_50 = arith.constant 0 : i32
      %dma_start3A_51 = tpu.memref_slice %arg4[%add3A_47, %dma_start3A_50] : memref<320000x128xf32, #tpu.memory_space<hbm>> -> memref<80x128xf32, #tpu.memory_space<hbm>>
      tpu.enqueue_dma source(%arg6 : memref<80x128xf32, #tpu.memory_space<vmem>>) target(%dma_start3A_51 : memref<80x128xf32, #tpu.memory_space<hbm>>) target_semaphore(%arg10 : memref<!tpu.dma_semaphore, #tpu.memory_space<semaphore_mem>>)
      %dma_wait3A_52 = arith.constant 0 : i32
      %dma_wait3A_53 = tpu.memref_slice %arg4[%mul3A_2, %dma_wait3A_52] : memref<320000x128xf32, #tpu.memory_space<hbm>> -> memref<80x128xf32, #tpu.memory_space<hbm>>
      %dma_wait3A_54 = arith.constant 0 : i32
      %dma_wait3A_55 = tpu.memref_slice %arg4[%mul3A_2, %dma_wait3A_54] : memref<320000x128xf32, #tpu.memory_space<hbm>> -> memref<80x128xf32, #tpu.memory_space<hbm>>
      tpu.wait_dma2 semaphore(%arg10 : memref<!tpu.dma_semaphore, #tpu.memory_space<semaphore_mem>>) src(%arg6 : memref<80x128xf32, #tpu.memory_space<vmem>>) dst(%dma_wait3A_55 : memref<80x128xf32, #tpu.memory_space<hbm>>)
      %add3A_56 = arith.constant 2 : i32
      %add3A_57 = arith.addi %mul3A_28, %add3A_56 : i32
      %lt3A = arith.constant 125 : i32
      %lt3A_58 = arith.cmpi slt, %add3A_57, %lt3A : i32
      %convert_element_type3A_59 = arith.extui %lt3A_58 : i1 to i32
      %cond3A_60 = arith.constant 0 : i32
      %cond3A_61 = arith.cmpi ne, %convert_element_type3A_59, %cond3A_60 : i32
      scf.if %cond3A_61 {
        %add3A_75 = arith.constant 2 : i32
        %add3A_76 = arith.addi %mul3A_28, %add3A_75 : i32
        %dma_start3A_77 = arith.constant 0 : i32
        %dma_start3A_78 = tpu.memref_slice %arg5[%add3A_76, %dma_start3A_77] : memref<125x80xi32, #tpu.memory_space<vmem>> -> memref<1x80xi32, #tpu.memory_space<vmem>>
        %dma_start3A_79 = tpu.memref_squeeze %dma_start3A_78 : memref<1x80xi32, #tpu.memory_space<vmem>> -> memref<80xi32, #tpu.memory_space<vmem>>
        %dma_start3A_80 = arith.constant 0 : i32
        %dma_start3A_81 = arith.constant 0 : i32
        %dma_start3A_82 = tpu.memref_slice %arg2[%dma_start3A_80, %dma_start3A_81] : memref<10000x128xf32, #tpu.memory_space<hbm>> -> memref<10000x128xf32, #tpu.memory_space<hbm>>
        tpu.enqueue_indirect_dma source(%dma_start3A_82 : memref<10000x128xf32, #tpu.memory_space<hbm>>) target(%arg6 : memref<80x128xf32, #tpu.memory_space<vmem>>) offsets(%dma_start3A_79 : memref<80xi32, #tpu.memory_space<vmem>>) semaphore(%arg8 : memref<!tpu.dma_semaphore, #tpu.memory_space<semaphore_mem>>)
      } else {
      }
      %dma_wait3A_62 = arith.constant 0 : i32
      %dma_wait3A_63 = tpu.memref_slice %arg5[%add3A_30, %dma_wait3A_62] : memref<125x80xi32, #tpu.memory_space<vmem>> -> memref<1x80xi32, #tpu.memory_space<vmem>>
      %dma_wait3A_64 = tpu.memref_squeeze %dma_wait3A_63 : memref<1x80xi32, #tpu.memory_space<vmem>> -> memref<80xi32, #tpu.memory_space<vmem>>
      %dma_wait3A_65 = arith.constant 0 : i32
      %dma_wait3A_66 = arith.constant 0 : i32
      %dma_wait3A_67 = tpu.memref_slice %arg2[%dma_wait3A_65, %dma_wait3A_66] : memref<10000x128xf32, #tpu.memory_space<hbm>> -> memref<10000x128xf32, #tpu.memory_space<hbm>>
      tpu.wait_indirect_dma semaphore(%arg9 : memref<!tpu.dma_semaphore, #tpu.memory_space<semaphore_mem>>) src(%dma_wait3A_67 : memref<10000x128xf32, #tpu.memory_space<hbm>>) dst(%arg7 : memref<80x128xf32, #tpu.memory_space<vmem>>)
      %mul3A_68 = arith.constant 80 : i32
      %mul3A_69 = arith.muli %add3A_30, %mul3A_68 : i32
      %add3A_70 = arith.addi %mul3A_2, %mul3A_69 : i32
      %dma_start3A_71 = arith.constant 0 : i32
      %dma_start3A_72 = tpu.memref_slice %arg4[%add3A_70, %dma_start3A_71] : memref<320000x128xf32, #tpu.memory_space<hbm>> -> memref<80x128xf32, #tpu.memory_space<hbm>>
      %dma_start3A_73 = arith.constant 0 : i32
      %dma_start3A_74 = tpu.memref_slice %arg4[%add3A_70, %dma_start3A_73] : memref<320000x128xf32, #tpu.memory_space<hbm>> -> memref<80x128xf32, #tpu.memory_space<hbm>>
      tpu.enqueue_dma source(%arg7 : memref<80x128xf32, #tpu.memory_space<vmem>>) target(%dma_start3A_74 : memref<80x128xf32, #tpu.memory_space<hbm>>) target_semaphore(%arg11 : memref<!tpu.dma_semaphore, #tpu.memory_space<semaphore_mem>>)
    }
    %scan3A_13 = arith.constant 62 : i32
    %dma_wait3A = arith.constant 0 : i32
    %dma_wait3A_14 = tpu.memref_slice %arg4[%mul3A_2, %dma_wait3A] : memref<320000x128xf32, #tpu.memory_space<hbm>> -> memref<80x128xf32, #tpu.memory_space<hbm>>
    %dma_wait3A_15 = arith.constant 0 : i32
    %dma_wait3A_16 = tpu.memref_slice %arg4[%mul3A_2, %dma_wait3A_15] : memref<320000x128xf32, #tpu.memory_space<hbm>> -> memref<80x128xf32, #tpu.memory_space<hbm>>
    tpu.wait_dma2 semaphore(%arg11 : memref<!tpu.dma_semaphore, #tpu.memory_space<semaphore_mem>>) src(%arg7 : memref<80x128xf32, #tpu.memory_space<vmem>>) dst(%dma_wait3A_16 : memref<80x128xf32, #tpu.memory_space<hbm>>)
    %dma_wait3A_17 = arith.constant 124 : i32
    %dma_wait3A_18 = arith.constant 0 : i32
    %dma_wait3A_19 = tpu.memref_slice %arg5[%dma_wait3A_17, %dma_wait3A_18] : memref<125x80xi32, #tpu.memory_space<vmem>> -> memref<1x80xi32, #tpu.memory_space<vmem>>
    %dma_wait3A_20 = tpu.memref_squeeze %dma_wait3A_19 : memref<1x80xi32, #tpu.memory_space<vmem>> -> memref<80xi32, #tpu.memory_space<vmem>>
    %dma_wait3A_21 = arith.constant 0 : i32
    %dma_wait3A_22 = arith.constant 0 : i32
    %dma_wait3A_23 = tpu.memref_slice %arg2[%dma_wait3A_21, %dma_wait3A_22] : memref<10000x128xf32, #tpu.memory_space<hbm>> -> memref<10000x128xf32, #tpu.memory_space<hbm>>
    tpu.wait_indirect_dma semaphore(%arg8 : memref<!tpu.dma_semaphore, #tpu.memory_space<semaphore_mem>>) src(%dma_wait3A_23 : memref<10000x128xf32, #tpu.memory_space<hbm>>) dst(%arg6 : memref<80x128xf32, #tpu.memory_space<vmem>>)
    %add3A_24 = arith.constant 9920 : i32
    %add3A_25 = arith.addi %mul3A_2, %add3A_24 : i32
    "tpu.region"() ({
      %run_scoped3A = tpu.sem_alloc : memref<!tpu.dma_semaphore, #tpu.memory_space<semaphore_mem>>
      %dma_start3A_26 = arith.constant 0 : i32
      %dma_start3A_27 = tpu.memref_slice %arg4[%add3A_25, %dma_start3A_26] : memref<320000x128xf32, #tpu.memory_space<hbm>> -> memref<80x128xf32, #tpu.memory_space<hbm>>
      %dma_start3A_28 = arith.constant 0 : i32
      %dma_start3A_29 = tpu.memref_slice %arg4[%add3A_25, %dma_start3A_28] : memref<320000x128xf32, #tpu.memory_space<hbm>> -> memref<80x128xf32, #tpu.memory_space<hbm>>
      tpu.enqueue_dma source(%arg6 : memref<80x128xf32, #tpu.memory_space<vmem>>) target(%dma_start3A_29 : memref<80x128xf32, #tpu.memory_space<hbm>>) target_semaphore(%run_scoped3A : memref<!tpu.dma_semaphore, #tpu.memory_space<semaphore_mem>>)
      %dma_wait3A_30 = arith.constant 0 : i32
      %dma_wait3A_31 = tpu.memref_slice %arg4[%add3A_25, %dma_wait3A_30] : memref<320000x128xf32, #tpu.memory_space<hbm>> -> memref<80x128xf32, #tpu.memory_space<hbm>>
      %dma_wait3A_32 = arith.constant 0 : i32
      %dma_wait3A_33 = tpu.memref_slice %arg4[%add3A_25, %dma_wait3A_32] : memref<320000x128xf32, #tpu.memory_space<hbm>> -> memref<80x128xf32, #tpu.memory_space<hbm>>
      tpu.wait_dma2 semaphore(%run_scoped3A : memref<!tpu.dma_semaphore, #tpu.memory_space<semaphore_mem>>) src(%arg6 : memref<80x128xf32, #tpu.memory_space<vmem>>) dst(%dma_wait3A_33 : memref<80x128xf32, #tpu.memory_space<hbm>>)
      tpu.yield
    }) : () -> ()
    return
  }
}

#map = affine_map<(d0, d1) -> (0, 0)>
#map1 = affine_map<(d0, d1) -> (0, 0, 0)>
module attributes {stable_mosaic.version = 14 : i64} {
  func.func @scatter_k(%arg0: i32, %arg1: i32, %arg2: memref<320000x128xf32, #tpu.memory_space<hbm>>, %arg3: memref<32x125x80xi32, #tpu.memory_space<hbm>>, %arg4: memref<640x128xf32, #tpu.memory_space<hbm>>, %arg5: memref<2x10240x128xf32, #tpu.memory_space<hbm>>, %arg6: memref<125x80xi32, #tpu.memory_space<vmem>>, %arg7: memref<80x128xf32, #tpu.memory_space<vmem>>, %arg8: memref<80x128xf32, #tpu.memory_space<vmem>>, %arg9: memref<10240x128xf32, #tpu.memory_space<vmem_shared>>, %arg10: memref<!tpu.dma_semaphore, #tpu.memory_space<semaphore_mem>>, %arg11: memref<!tpu.dma_semaphore, #tpu.memory_space<semaphore_mem>>) attributes {dimension_semantics = [#tpu.dimension_semantics<core_parallel>, #tpu.dimension_semantics<subcore_parallel>], iteration_bounds = array<i64: 2, 16>, scalar_prefetch = 0 : i64, scratch_operands = 6 : i64, tpu.core_type = #tpu.core_type<sc_vector_subcore>, window_params = [{transform_indices = #map}, {transform_indices = #map1}, {transform_indices = #map}, {transform_indices = #map1}]} {
    %mul3A = arith.constant 640 : i32
    %mul3A_0 = arith.muli %arg1, %mul3A : i32
    "tpu.region"() ({
      %run_scoped3A_19 = tpu.sem_alloc : memref<!tpu.dma_semaphore, #tpu.memory_space<semaphore_mem>>
      %dma_start3A_20 = arith.constant 0 : i32
      %dma_start3A_21 = tpu.memref_slice %arg9[%mul3A_0, %dma_start3A_20] : memref<10240x128xf32, #tpu.memory_space<vmem_shared>> -> memref<640x128xf32, #tpu.memory_space<vmem_shared>>
      tpu.enqueue_dma source(%arg4 : memref<640x128xf32, #tpu.memory_space<hbm>>) target(%dma_start3A_21 : memref<640x128xf32, #tpu.memory_space<vmem_shared>>) target_semaphore(%run_scoped3A_19 : memref<!tpu.dma_semaphore, #tpu.memory_space<semaphore_mem>>)
      %dma_wait3A_22 = arith.constant 0 : i32
      %dma_wait3A_23 = tpu.memref_slice %arg9[%mul3A_0, %dma_wait3A_22] : memref<10240x128xf32, #tpu.memory_space<vmem_shared>> -> memref<640x128xf32, #tpu.memory_space<vmem_shared>>
      tpu.wait_dma2 semaphore(%run_scoped3A_19 : memref<!tpu.dma_semaphore, #tpu.memory_space<semaphore_mem>>) src(%arg4 : memref<640x128xf32, #tpu.memory_space<hbm>>) dst(%dma_wait3A_23 : memref<640x128xf32, #tpu.memory_space<vmem_shared>>)
      tpu.yield
    }) : () -> ()
    %mul3A_1 = arith.constant 16 : i32
    %mul3A_2 = arith.muli %arg0, %mul3A_1 : i32
    %add3A = arith.addi %mul3A_2, %arg1 : i32
    %mul3A_3 = arith.constant 10000 : i32
    %mul3A_4 = arith.muli %add3A, %mul3A_3 : i32
    "tpu.region"() ({
      %run_scoped3A_19 = tpu.sem_alloc : memref<!tpu.dma_semaphore, #tpu.memory_space<semaphore_mem>>
      %dma_start3A_20 = arith.constant 0 : i32
      %dma_start3A_21 = arith.constant 0 : i32
      %dma_start3A_22 = tpu.memref_slice %arg3[%add3A, %dma_start3A_20, %dma_start3A_21] : memref<32x125x80xi32, #tpu.memory_space<hbm>> -> memref<1x125x80xi32, #tpu.memory_space<hbm>>
      %dma_start3A_23 = tpu.memref_squeeze %dma_start3A_22 : memref<1x125x80xi32, #tpu.memory_space<hbm>> -> memref<125x80xi32, #tpu.memory_space<hbm>>
      %dma_start3A_24 = arith.constant 0 : i32
      %dma_start3A_25 = arith.constant 0 : i32
      %dma_start3A_26 = tpu.memref_slice %arg3[%add3A, %dma_start3A_24, %dma_start3A_25] : memref<32x125x80xi32, #tpu.memory_space<hbm>> -> memref<1x125x80xi32, #tpu.memory_space<hbm>>
      %dma_start3A_27 = tpu.memref_squeeze %dma_start3A_26 : memref<1x125x80xi32, #tpu.memory_space<hbm>> -> memref<125x80xi32, #tpu.memory_space<hbm>>
      tpu.enqueue_dma source(%dma_start3A_27 : memref<125x80xi32, #tpu.memory_space<hbm>>) target(%arg6 : memref<125x80xi32, #tpu.memory_space<vmem>>) target_semaphore(%run_scoped3A_19 : memref<!tpu.dma_semaphore, #tpu.memory_space<semaphore_mem>>)
      %dma_wait3A_28 = arith.constant 0 : i32
      %dma_wait3A_29 = arith.constant 0 : i32
      %dma_wait3A_30 = tpu.memref_slice %arg3[%add3A, %dma_wait3A_28, %dma_wait3A_29] : memref<32x125x80xi32, #tpu.memory_space<hbm>> -> memref<1x125x80xi32, #tpu.memory_space<hbm>>
      %dma_wait3A_31 = tpu.memref_squeeze %dma_wait3A_30 : memref<1x125x80xi32, #tpu.memory_space<hbm>> -> memref<125x80xi32, #tpu.memory_space<hbm>>
      %dma_wait3A_32 = arith.constant 0 : i32
      %dma_wait3A_33 = arith.constant 0 : i32
      %dma_wait3A_34 = tpu.memref_slice %arg3[%add3A, %dma_wait3A_32, %dma_wait3A_33] : memref<32x125x80xi32, #tpu.memory_space<hbm>> -> memref<1x125x80xi32, #tpu.memory_space<hbm>>
      %dma_wait3A_35 = tpu.memref_squeeze %dma_wait3A_34 : memref<1x125x80xi32, #tpu.memory_space<hbm>> -> memref<125x80xi32, #tpu.memory_space<hbm>>
      tpu.wait_dma2 semaphore(%run_scoped3A_19 : memref<!tpu.dma_semaphore, #tpu.memory_space<semaphore_mem>>) src(%dma_wait3A_35 : memref<125x80xi32, #tpu.memory_space<hbm>>) dst(%arg6 : memref<125x80xi32, #tpu.memory_space<vmem>>)
      tpu.yield
    }) : () -> ()
    %barrier3A = arith.constant 0 : index
    tpu.barrier barrier_id(%barrier3A)
    %add3A_5 = arith.constant 0 : i32
    %add3A_6 = arith.addi %mul3A_4, %add3A_5 : i32
    %dma_start3A = arith.constant 0 : i32
    %dma_start3A_7 = tpu.memref_slice %arg2[%add3A_6, %dma_start3A] : memref<320000x128xf32, #tpu.memory_space<hbm>> -> memref<80x128xf32, #tpu.memory_space<hbm>>
    %dma_start3A_8 = arith.constant 0 : i32
    %dma_start3A_9 = tpu.memref_slice %arg2[%add3A_6, %dma_start3A_8] : memref<320000x128xf32, #tpu.memory_space<hbm>> -> memref<80x128xf32, #tpu.memory_space<hbm>>
    tpu.enqueue_dma source(%dma_start3A_9 : memref<80x128xf32, #tpu.memory_space<hbm>>) target(%arg7 : memref<80x128xf32, #tpu.memory_space<vmem>>) target_semaphore(%arg10 : memref<!tpu.dma_semaphore, #tpu.memory_space<semaphore_mem>>)
    %scan3A = arith.constant 0 : i32
    %scan3A_10 = arith.constant 0 : i32
    %scan3A_11 = arith.constant 62 : i32
    %scan3A_12 = arith.addi %scan3A_10, %scan3A_11 : i32
    %scan3A_13 = arith.constant 1 : i32
    scf.for %scan3A_19 = %scan3A_10 to %scan3A_12 step %scan3A_13  : i32 {
      %mul3A_20 = arith.constant 2 : i32
      %mul3A_21 = arith.muli %mul3A_20, %scan3A_19 : i32
      %add3A_22 = arith.constant 1 : i32
      %add3A_23 = arith.addi %mul3A_21, %add3A_22 : i32
      %mul3A_24 = arith.constant 80 : i32
      %mul3A_25 = arith.muli %add3A_23, %mul3A_24 : i32
      %add3A_26 = arith.addi %mul3A_4, %mul3A_25 : i32
      %dma_start3A_27 = arith.constant 0 : i32
      %dma_start3A_28 = tpu.memref_slice %arg2[%add3A_26, %dma_start3A_27] : memref<320000x128xf32, #tpu.memory_space<hbm>> -> memref<80x128xf32, #tpu.memory_space<hbm>>
      %dma_start3A_29 = arith.constant 0 : i32
      %dma_start3A_30 = tpu.memref_slice %arg2[%add3A_26, %dma_start3A_29] : memref<320000x128xf32, #tpu.memory_space<hbm>> -> memref<80x128xf32, #tpu.memory_space<hbm>>
      tpu.enqueue_dma source(%dma_start3A_30 : memref<80x128xf32, #tpu.memory_space<hbm>>) target(%arg8 : memref<80x128xf32, #tpu.memory_space<vmem>>) target_semaphore(%arg11 : memref<!tpu.dma_semaphore, #tpu.memory_space<semaphore_mem>>)
      %dma_wait3A_31 = arith.constant 0 : i32
      %dma_wait3A_32 = tpu.memref_slice %arg2[%mul3A_4, %dma_wait3A_31] : memref<320000x128xf32, #tpu.memory_space<hbm>> -> memref<80x128xf32, #tpu.memory_space<hbm>>
      %dma_wait3A_33 = arith.constant 0 : i32
      %dma_wait3A_34 = tpu.memref_slice %arg2[%mul3A_4, %dma_wait3A_33] : memref<320000x128xf32, #tpu.memory_space<hbm>> -> memref<80x128xf32, #tpu.memory_space<hbm>>
      tpu.wait_dma2 semaphore(%arg10 : memref<!tpu.dma_semaphore, #tpu.memory_space<semaphore_mem>>) src(%dma_wait3A_34 : memref<80x128xf32, #tpu.memory_space<hbm>>) dst(%arg7 : memref<80x128xf32, #tpu.memory_space<vmem>>)
      "tpu.region"() ({
        %run_scoped3A_43 = tpu.sem_alloc : memref<!tpu.dma_semaphore, #tpu.memory_space<semaphore_mem>>
        %dma_start3A_44 = arith.constant 0 : i32
        %dma_start3A_45 = tpu.memref_slice %arg6[%mul3A_21, %dma_start3A_44] : memref<125x80xi32, #tpu.memory_space<vmem>> -> memref<1x80xi32, #tpu.memory_space<vmem>>
        %dma_start3A_46 = tpu.memref_squeeze %dma_start3A_45 : memref<1x80xi32, #tpu.memory_space<vmem>> -> memref<80xi32, #tpu.memory_space<vmem>>
        %dma_start3A_47 = arith.constant 0 : i32
        %dma_start3A_48 = arith.constant 0 : i32
        %dma_start3A_49 = tpu.memref_slice %arg9[%dma_start3A_47, %dma_start3A_48] : memref<10240x128xf32, #tpu.memory_space<vmem_shared>> -> memref<10240x128xf32, #tpu.memory_space<vmem_shared>>
        tpu.enqueue_indirect_dma source(%arg7 : memref<80x128xf32, #tpu.memory_space<vmem>>) target(%dma_start3A_49 : memref<10240x128xf32, #tpu.memory_space<vmem_shared>>) offsets(%dma_start3A_46 : memref<80xi32, #tpu.memory_space<vmem>>) semaphore(%run_scoped3A_43 : memref<!tpu.dma_semaphore, #tpu.memory_space<semaphore_mem>>) {add = true}
        %dma_wait3A_50 = arith.constant 0 : i32
        %dma_wait3A_51 = tpu.memref_slice %arg6[%mul3A_21, %dma_wait3A_50] : memref<125x80xi32, #tpu.memory_space<vmem>> -> memref<1x80xi32, #tpu.memory_space<vmem>>
        %dma_wait3A_52 = tpu.memref_squeeze %dma_wait3A_51 : memref<1x80xi32, #tpu.memory_space<vmem>> -> memref<80xi32, #tpu.memory_space<vmem>>
        %dma_wait3A_53 = arith.constant 0 : i32
        %dma_wait3A_54 = arith.constant 0 : i32
        %dma_wait3A_55 = tpu.memref_slice %arg9[%dma_wait3A_53, %dma_wait3A_54] : memref<10240x128xf32, #tpu.memory_space<vmem_shared>> -> memref<10240x128xf32, #tpu.memory_space<vmem_shared>>
        tpu.wait_indirect_dma semaphore(%run_scoped3A_43 : memref<!tpu.dma_semaphore, #tpu.memory_space<semaphore_mem>>) src(%arg7 : memref<80x128xf32, #tpu.memory_space<vmem>>) dst(%dma_wait3A_55 : memref<10240x128xf32, #tpu.memory_space<vmem_shared>>)
        tpu.yield
      }) : () -> ()
      %add3A_35 = arith.constant 2 : i32
      %add3A_36 = arith.addi %mul3A_21, %add3A_35 : i32
      %lt3A = arith.constant 125 : i32
      %lt3A_37 = arith.cmpi slt, %add3A_36, %lt3A : i32
      %convert_element_type3A = arith.extui %lt3A_37 : i1 to i32
      %cond3A = arith.constant 0 : i32
      %cond3A_38 = arith.cmpi ne, %convert_element_type3A, %cond3A : i32
      scf.if %cond3A_38 {
        %add3A_43 = arith.constant 2 : i32
        %add3A_44 = arith.addi %mul3A_21, %add3A_43 : i32
        %mul3A_45 = arith.constant 80 : i32
        %mul3A_46 = arith.muli %add3A_44, %mul3A_45 : i32
        %add3A_47 = arith.addi %mul3A_4, %mul3A_46 : i32
        %dma_start3A_48 = arith.constant 0 : i32
        %dma_start3A_49 = tpu.memref_slice %arg2[%add3A_47, %dma_start3A_48] : memref<320000x128xf32, #tpu.memory_space<hbm>> -> memref<80x128xf32, #tpu.memory_space<hbm>>
        %dma_start3A_50 = arith.constant 0 : i32
        %dma_start3A_51 = tpu.memref_slice %arg2[%add3A_47, %dma_start3A_50] : memref<320000x128xf32, #tpu.memory_space<hbm>> -> memref<80x128xf32, #tpu.memory_space<hbm>>
        tpu.enqueue_dma source(%dma_start3A_51 : memref<80x128xf32, #tpu.memory_space<hbm>>) target(%arg7 : memref<80x128xf32, #tpu.memory_space<vmem>>) target_semaphore(%arg10 : memref<!tpu.dma_semaphore, #tpu.memory_space<semaphore_mem>>)
      } else {
      }
      %dma_wait3A_39 = arith.constant 0 : i32
      %dma_wait3A_40 = tpu.memref_slice %arg2[%mul3A_4, %dma_wait3A_39] : memref<320000x128xf32, #tpu.memory_space<hbm>> -> memref<80x128xf32, #tpu.memory_space<hbm>>
      %dma_wait3A_41 = arith.constant 0 : i32
      %dma_wait3A_42 = tpu.memref_slice %arg2[%mul3A_4, %dma_wait3A_41] : memref<320000x128xf32, #tpu.memory_space<hbm>> -> memref<80x128xf32, #tpu.memory_space<hbm>>
      tpu.wait_dma2 semaphore(%arg11 : memref<!tpu.dma_semaphore, #tpu.memory_space<semaphore_mem>>) src(%dma_wait3A_42 : memref<80x128xf32, #tpu.memory_space<hbm>>) dst(%arg8 : memref<80x128xf32, #tpu.memory_space<vmem>>)
      "tpu.region"() ({
        %run_scoped3A_43 = tpu.sem_alloc : memref<!tpu.dma_semaphore, #tpu.memory_space<semaphore_mem>>
        %dma_start3A_44 = arith.constant 0 : i32
        %dma_start3A_45 = tpu.memref_slice %arg6[%add3A_23, %dma_start3A_44] : memref<125x80xi32, #tpu.memory_space<vmem>> -> memref<1x80xi32, #tpu.memory_space<vmem>>
        %dma_start3A_46 = tpu.memref_squeeze %dma_start3A_45 : memref<1x80xi32, #tpu.memory_space<vmem>> -> memref<80xi32, #tpu.memory_space<vmem>>
        %dma_start3A_47 = arith.constant 0 : i32
        %dma_start3A_48 = arith.constant 0 : i32
        %dma_start3A_49 = tpu.memref_slice %arg9[%dma_start3A_47, %dma_start3A_48] : memref<10240x128xf32, #tpu.memory_space<vmem_shared>> -> memref<10240x128xf32, #tpu.memory_space<vmem_shared>>
        tpu.enqueue_indirect_dma source(%arg8 : memref<80x128xf32, #tpu.memory_space<vmem>>) target(%dma_start3A_49 : memref<10240x128xf32, #tpu.memory_space<vmem_shared>>) offsets(%dma_start3A_46 : memref<80xi32, #tpu.memory_space<vmem>>) semaphore(%run_scoped3A_43 : memref<!tpu.dma_semaphore, #tpu.memory_space<semaphore_mem>>) {add = true}
        %dma_wait3A_50 = arith.constant 0 : i32
        %dma_wait3A_51 = tpu.memref_slice %arg6[%add3A_23, %dma_wait3A_50] : memref<125x80xi32, #tpu.memory_space<vmem>> -> memref<1x80xi32, #tpu.memory_space<vmem>>
        %dma_wait3A_52 = tpu.memref_squeeze %dma_wait3A_51 : memref<1x80xi32, #tpu.memory_space<vmem>> -> memref<80xi32, #tpu.memory_space<vmem>>
        %dma_wait3A_53 = arith.constant 0 : i32
        %dma_wait3A_54 = arith.constant 0 : i32
        %dma_wait3A_55 = tpu.memref_slice %arg9[%dma_wait3A_53, %dma_wait3A_54] : memref<10240x128xf32, #tpu.memory_space<vmem_shared>> -> memref<10240x128xf32, #tpu.memory_space<vmem_shared>>
        tpu.wait_indirect_dma semaphore(%run_scoped3A_43 : memref<!tpu.dma_semaphore, #tpu.memory_space<semaphore_mem>>) src(%arg8 : memref<80x128xf32, #tpu.memory_space<vmem>>) dst(%dma_wait3A_55 : memref<10240x128xf32, #tpu.memory_space<vmem_shared>>)
        tpu.yield
      }) : () -> ()
    }
    %scan3A_14 = arith.constant 62 : i32
    %dma_wait3A = arith.constant 0 : i32
    %dma_wait3A_15 = tpu.memref_slice %arg2[%mul3A_4, %dma_wait3A] : memref<320000x128xf32, #tpu.memory_space<hbm>> -> memref<80x128xf32, #tpu.memory_space<hbm>>
    %dma_wait3A_16 = arith.constant 0 : i32
    %dma_wait3A_17 = tpu.memref_slice %arg2[%mul3A_4, %dma_wait3A_16] : memref<320000x128xf32, #tpu.memory_space<hbm>> -> memref<80x128xf32, #tpu.memory_space<hbm>>
    tpu.wait_dma2 semaphore(%arg10 : memref<!tpu.dma_semaphore, #tpu.memory_space<semaphore_mem>>) src(%dma_wait3A_17 : memref<80x128xf32, #tpu.memory_space<hbm>>) dst(%arg7 : memref<80x128xf32, #tpu.memory_space<vmem>>)
    %run_scoped3A = arith.constant 124 : i32
    "tpu.region"() ({
      %run_scoped3A_19 = tpu.sem_alloc : memref<!tpu.dma_semaphore, #tpu.memory_space<semaphore_mem>>
      %dma_start3A_20 = arith.constant 0 : i32
      %dma_start3A_21 = tpu.memref_slice %arg6[%run_scoped3A, %dma_start3A_20] : memref<125x80xi32, #tpu.memory_space<vmem>> -> memref<1x80xi32, #tpu.memory_space<vmem>>
      %dma_start3A_22 = tpu.memref_squeeze %dma_start3A_21 : memref<1x80xi32, #tpu.memory_space<vmem>> -> memref<80xi32, #tpu.memory_space<vmem>>
      %dma_start3A_23 = arith.constant 0 : i32
      %dma_start3A_24 = arith.constant 0 : i32
      %dma_start3A_25 = tpu.memref_slice %arg9[%dma_start3A_23, %dma_start3A_24] : memref<10240x128xf32, #tpu.memory_space<vmem_shared>> -> memref<10240x128xf32, #tpu.memory_space<vmem_shared>>
      tpu.enqueue_indirect_dma source(%arg7 : memref<80x128xf32, #tpu.memory_space<vmem>>) target(%dma_start3A_25 : memref<10240x128xf32, #tpu.memory_space<vmem_shared>>) offsets(%dma_start3A_22 : memref<80xi32, #tpu.memory_space<vmem>>) semaphore(%run_scoped3A_19 : memref<!tpu.dma_semaphore, #tpu.memory_space<semaphore_mem>>) {add = true}
      %dma_wait3A_26 = arith.constant 0 : i32
      %dma_wait3A_27 = tpu.memref_slice %arg6[%run_scoped3A, %dma_wait3A_26] : memref<125x80xi32, #tpu.memory_space<vmem>> -> memref<1x80xi32, #tpu.memory_space<vmem>>
      %dma_wait3A_28 = tpu.memref_squeeze %dma_wait3A_27 : memref<1x80xi32, #tpu.memory_space<vmem>> -> memref<80xi32, #tpu.memory_space<vmem>>
      %dma_wait3A_29 = arith.constant 0 : i32
      %dma_wait3A_30 = arith.constant 0 : i32
      %dma_wait3A_31 = tpu.memref_slice %arg9[%dma_wait3A_29, %dma_wait3A_30] : memref<10240x128xf32, #tpu.memory_space<vmem_shared>> -> memref<10240x128xf32, #tpu.memory_space<vmem_shared>>
      tpu.wait_indirect_dma semaphore(%run_scoped3A_19 : memref<!tpu.dma_semaphore, #tpu.memory_space<semaphore_mem>>) src(%arg7 : memref<80x128xf32, #tpu.memory_space<vmem>>) dst(%dma_wait3A_31 : memref<10240x128xf32, #tpu.memory_space<vmem_shared>>)
      tpu.yield
    }) : () -> ()
    %barrier3A_18 = arith.constant 0 : index
    tpu.barrier barrier_id(%barrier3A_18)
    "tpu.region"() ({
      %run_scoped3A_19 = tpu.sem_alloc : memref<!tpu.dma_semaphore, #tpu.memory_space<semaphore_mem>>
      %dma_start3A_20 = arith.constant 0 : i32
      %dma_start3A_21 = tpu.memref_slice %arg5[%arg0, %mul3A_0, %dma_start3A_20] : memref<2x10240x128xf32, #tpu.memory_space<hbm>> -> memref<1x640x128xf32, #tpu.memory_space<hbm>>
      %dma_start3A_22 = tpu.memref_squeeze %dma_start3A_21 : memref<1x640x128xf32, #tpu.memory_space<hbm>> -> memref<640x128xf32, #tpu.memory_space<hbm>>
      %dma_start3A_23 = arith.constant 0 : i32
      %dma_start3A_24 = tpu.memref_slice %arg9[%mul3A_0, %dma_start3A_23] : memref<10240x128xf32, #tpu.memory_space<vmem_shared>> -> memref<640x128xf32, #tpu.memory_space<vmem_shared>>
      tpu.enqueue_dma source(%dma_start3A_24 : memref<640x128xf32, #tpu.memory_space<vmem_shared>>) target(%dma_start3A_22 : memref<640x128xf32, #tpu.memory_space<hbm>>) target_semaphore(%run_scoped3A_19 : memref<!tpu.dma_semaphore, #tpu.memory_space<semaphore_mem>>)
      %dma_wait3A_25 = arith.constant 0 : i32
      %dma_wait3A_26 = tpu.memref_slice %arg5[%arg0, %mul3A_0, %dma_wait3A_25] : memref<2x10240x128xf32, #tpu.memory_space<hbm>> -> memref<1x640x128xf32, #tpu.memory_space<hbm>>
      %dma_wait3A_27 = tpu.memref_squeeze %dma_wait3A_26 : memref<1x640x128xf32, #tpu.memory_space<hbm>> -> memref<640x128xf32, #tpu.memory_space<hbm>>
      %dma_wait3A_28 = arith.constant 0 : i32
      %dma_wait3A_29 = tpu.memref_slice %arg9[%mul3A_0, %dma_wait3A_28] : memref<10240x128xf32, #tpu.memory_space<vmem_shared>> -> memref<640x128xf32, #tpu.memory_space<vmem_shared>>
      tpu.wait_dma2 semaphore(%run_scoped3A_19 : memref<!tpu.dma_semaphore, #tpu.memory_space<semaphore_mem>>) src(%dma_wait3A_29 : memref<640x128xf32, #tpu.memory_space<vmem_shared>>) dst(%dma_wait3A_27 : memref<640x128xf32, #tpu.memory_space<hbm>>)
      tpu.yield
    }) : () -> ()
    return
  }
}

module attributes {stable_mosaic.version = 14 : i64} {
  func.func @_bmm_body(%arg0: i32, %arg1: memref<832xi32, #tpu.memory_space<smem>>, %arg2: memref<832xi32, #tpu.memory_space<smem>>, %arg3: memref<832xi32, #tpu.memory_space<smem>>, %arg4: memref<832xi32, #tpu.memory_space<smem>>, %arg5: memref<512x128xf32, #tpu.memory_space<vmem>>, %arg6: memref<512x1xf32, #tpu.memory_space<vmem>>, %arg7: memref<1x128x128xf32, #tpu.memory_space<vmem>>, %arg8: memref<512x128xf32, #tpu.memory_space<vmem>>) attributes {dimension_semantics = [#tpu.dimension_semantics<arbitrary>], iteration_bounds = array<i64: 832>, scalar_prefetch = 4 : i64, scratch_operands = 0 : i64, tpu.core_type = #tpu.core_type<tc>, window_params = [{transform_indices = @transform_0, window_bounds = array<i64: 512, 128>}, {transform_indices = @transform_1, window_bounds = array<i64: 512, 1>}, {transform_indices = @transform_2, window_bounds = array<i64: 1, 128, 128>}, {transform_indices = @transform_3, window_bounds = array<i64: 512, 128>}]} {
    %sub3A = arith.constant 1 : i32
    %sub3A_0 = arith.subi %arg0, %sub3A : i32
    %max3A = arith.constant 0 : i32
    %max3A_1 = arith.maxsi %sub3A_0, %max3A : i32
    %get3A = arith.index_cast %max3A_1 : i32 to index
    %get3A_2 = memref.load %arg1[%get3A] : memref<832xi32, #tpu.memory_space<smem>>
    %eq3A = arith.constant 0 : i32
    %eq3A_3 = arith.cmpi eq, %arg0, %eq3A : i32
    %get3A_4 = arith.index_cast %arg0 : i32 to index
    %get3A_5 = memref.load %arg1[%get3A_4] : memref<832xi32, #tpu.memory_space<smem>>
    %ne3A = arith.cmpi ne, %get3A_5, %get3A_2 : i32
    %or3A = arith.ori %eq3A_3, %ne3A : i1
    %convert_element_type3A = arith.extui %or3A : i1 to i32
    %cond3A = arith.constant 0 : i32
    %cond3A_6 = arith.cmpi ne, %convert_element_type3A, %cond3A : i32
    scf.if %cond3A_6 {
      %broadcast_in_dim3A_37 = arith.constant 0.000000e+00 : f32
      %broadcast_in_dim3A_38 = vector.broadcast %broadcast_in_dim3A_37 : f32 to vector<512x128xf32>
      %swap3A_39 = arith.constant 0 : index
      %swap3A_40 = arith.constant 0 : index
      %swap3A_41 = vector.load %arg8[%swap3A_39, %swap3A_40] : memref<512x128xf32, #tpu.memory_space<vmem>>, vector<512x128xf32>
      tpu.vector_store %arg8[%swap3A_39, %swap3A_40], %broadcast_in_dim3A_38 {strides = array<i32>} : memref<512x128xf32, #tpu.memory_space<vmem>>, vector<512x128xf32>,
    } else {
    }
    %get3A_7 = arith.index_cast %arg0 : i32 to index
    %get3A_8 = memref.load %arg1[%get3A_7] : memref<832xi32, #tpu.memory_space<smem>>
    %mul3A = arith.constant 512 : i32
    %mul3A_9 = arith.muli %get3A_8, %mul3A : i32
    %iota3A = tpu.iota {dimensions = array<i32: 0>} : vector<512x1xi32>
    %get3A_10 = arith.index_cast %arg0 : i32 to index
    %get3A_11 = memref.load %arg3[%get3A_10] : memref<832xi32, #tpu.memory_space<smem>>
    %sub3A_12 = arith.subi %get3A_11, %mul3A_9 : i32
    %ge3A = vector.broadcast %sub3A_12 : i32 to vector<512x1xi32>
    %ge3A_13 = arith.cmpi sge, %iota3A, %ge3A : vector<512x1xi32>
    %get3A_14 = arith.index_cast %arg0 : i32 to index
    %get3A_15 = memref.load %arg4[%get3A_14] : memref<832xi32, #tpu.memory_space<smem>>
    %sub3A_16 = arith.subi %get3A_15, %mul3A_9 : i32
    %lt3A = vector.broadcast %sub3A_16 : i32 to vector<512x1xi32>
    %lt3A_17 = arith.cmpi slt, %iota3A, %lt3A : vector<512x1xi32>
    %and3A = arith.andi %ge3A_13, %lt3A_17 : vector<512x1xi1>
    %get3A_18 = arith.constant 0 : index
    %get3A_19 = arith.constant 0 : index
    %get3A_20 = vector.load %arg6[%get3A_18, %get3A_19] : memref<512x1xf32, #tpu.memory_space<vmem>>, vector<512x1xf32>
    %jit3A = arith.constant 0.000000e+00 : f32
    %broadcast_in_dim3A = vector.broadcast %jit3A : f32 to vector<512x1xf32>
    %select_n3A = arith.select %and3A, %get3A_20, %broadcast_in_dim3A : vector<512x1xi1>, vector<512x1xf32>
    %get3A_21 = arith.constant 0 : index
    %get3A_22 = arith.constant 0 : index
    %get3A_23 = vector.load %arg5[%get3A_21, %get3A_22] : memref<512x128xf32, #tpu.memory_space<vmem>>, vector<512x128xf32>
    %get3A_24 = arith.constant 0 : index
    %get3A_25 = arith.constant 0 : index
    %get3A_26 = arith.constant 0 : index
    %get3A_27 = vector.load %arg7[%get3A_24, %get3A_25, %get3A_26] : memref<1x128x128xf32, #tpu.memory_space<vmem>>, vector<1x128x128xf32>
    %get3A_28 = vector.shape_cast %get3A_27 : vector<1x128x128xf32> to vector<128x128xf32>
    %dot_general3A = arith.constant dense<0.000000e+00> : vector<512x128xf32>
    %dot_general3A_29 = tpu.matmul %get3A_23, %get3A_28, %dot_general3A {dimension_numbers = #tpu.dot_dimension_numbers<[1], [0], [0], [1], [0, 0, 1, 1], [], []>, transpose_lhs_hint = false} : vector<512x128xf32>, vector<128x128xf32>, vector<512x128xf32> -> vector<512x128xf32>
    %get3A_30 = arith.constant 0 : index
    %get3A_31 = arith.constant 0 : index
    %get3A_32 = vector.load %arg8[%get3A_30, %get3A_31] : memref<512x128xf32, #tpu.memory_space<vmem>>, vector<512x128xf32>
    %mul3A_33 = vector.broadcast %select_n3A : vector<512x1xf32> to vector<512x128xf32>
    %mul3A_34 = arith.mulf %dot_general3A_29, %mul3A_33 : vector<512x128xf32>
    %add3A = arith.addf %get3A_32, %mul3A_34 : vector<512x128xf32>
    %swap3A = arith.constant 0 : index
    %swap3A_35 = arith.constant 0 : index
    %swap3A_36 = vector.load %arg8[%swap3A, %swap3A_35] : memref<512x128xf32, #tpu.memory_space<vmem>>, vector<512x128xf32>
    tpu.vector_store %arg8[%swap3A, %swap3A_35], %add3A {strides = array<i32>} : memref<512x128xf32, #tpu.memory_space<vmem>>, vector<512x128xf32>,
    return
  }
  func.func @transform_0(%arg0: i32, %arg1: memref<832xi32, #tpu.memory_space<smem>>, %arg2: memref<832xi32, #tpu.memory_space<smem>>, %arg3: memref<832xi32, #tpu.memory_space<smem>>, %arg4: memref<832xi32, #tpu.memory_space<smem>>) -> (i32, i32) {
    %get3A = arith.index_cast %arg0 : i32 to index
    %get3A_0 = memref.load %arg1[%get3A] : memref<832xi32, #tpu.memory_space<smem>>
    %c0_i32 = arith.constant 0 : i32
    %c0_i32_1 = arith.constant 0 : i32
    return %get3A_0, %c0_i32 : i32, i32
  }
  func.func @transform_1(%arg0: i32, %arg1: memref<832xi32, #tpu.memory_space<smem>>, %arg2: memref<832xi32, #tpu.memory_space<smem>>, %arg3: memref<832xi32, #tpu.memory_space<smem>>, %arg4: memref<832xi32, #tpu.memory_space<smem>>) -> (i32, i32) {
    %get3A = arith.index_cast %arg0 : i32 to index
    %get3A_0 = memref.load %arg1[%get3A] : memref<832xi32, #tpu.memory_space<smem>>
    %c0_i32 = arith.constant 0 : i32
    %c0_i32_1 = arith.constant 0 : i32
    return %get3A_0, %c0_i32 : i32, i32
  }
  func.func @transform_2(%arg0: i32, %arg1: memref<832xi32, #tpu.memory_space<smem>>, %arg2: memref<832xi32, #tpu.memory_space<smem>>, %arg3: memref<832xi32, #tpu.memory_space<smem>>, %arg4: memref<832xi32, #tpu.memory_space<smem>>) -> (i32, i32, i32) {
    %get3A = arith.index_cast %arg0 : i32 to index
    %get3A_0 = memref.load %arg2[%get3A] : memref<832xi32, #tpu.memory_space<smem>>
    %c0_i32 = arith.constant 0 : i32
    %c0_i32_1 = arith.constant 0 : i32
    %c0_i32_2 = arith.constant 0 : i32
    return %get3A_0, %c0_i32, %c0_i32_1 : i32, i32, i32
  }
  func.func @transform_3(%arg0: i32, %arg1: memref<832xi32, #tpu.memory_space<smem>>, %arg2: memref<832xi32, #tpu.memory_space<smem>>, %arg3: memref<832xi32, #tpu.memory_space<smem>>, %arg4: memref<832xi32, #tpu.memory_space<smem>>) -> (i32, i32) {
    %get3A = arith.index_cast %arg0 : i32 to index
    %get3A_0 = memref.load %arg1[%get3A] : memref<832xi32, #tpu.memory_space<smem>>
    %c0_i32 = arith.constant 0 : i32
    %c0_i32_1 = arith.constant 0 : i32
    return %get3A_0, %c0_i32 : i32, i32
  }
}

module attributes {stable_mosaic.version = 14 : i64} {
  func.func @_finish_body_relu(%arg0: memref<2x10000x128xf32, #tpu.memory_space<vmem>>, %arg1: memref<10000x128xf32, #tpu.memory_space<vmem>>, %arg2: memref<128x128xf32, #tpu.memory_space<vmem>>, %arg3: memref<1x128xf32, #tpu.memory_space<vmem>>, %arg4: memref<10000x128xf32, #tpu.memory_space<vmem>>) attributes {dimension_semantics = [], scalar_prefetch = 0 : i64, scratch_operands = 0 : i64, tpu.core_type = #tpu.core_type<tc>} {
    %get3A = arith.constant 0 : index
    %get3A_0 = arith.constant 0 : index
    %get3A_1 = arith.constant 0 : index
    %get3A_2 = vector.load %arg0[%get3A, %get3A_0, %get3A_1] : memref<2x10000x128xf32, #tpu.memory_space<vmem>>, vector<1x10000x128xf32>
    %get3A_3 = vector.shape_cast %get3A_2 : vector<1x10000x128xf32> to vector<10000x128xf32>
    %get3A_4 = arith.constant 1 : index
    %get3A_5 = arith.constant 0 : index
    %get3A_6 = arith.constant 0 : index
    %get3A_7 = vector.load %arg0[%get3A_4, %get3A_5, %get3A_6] : memref<2x10000x128xf32, #tpu.memory_space<vmem>>, vector<1x10000x128xf32>
    %get3A_8 = vector.shape_cast %get3A_7 : vector<1x10000x128xf32> to vector<10000x128xf32>
    %add3A = arith.addf %get3A_3, %get3A_8 : vector<10000x128xf32>
    %get3A_9 = arith.constant 0 : index
    %get3A_10 = arith.constant 0 : index
    %get3A_11 = vector.load %arg3[%get3A_9, %get3A_10] : memref<1x128xf32, #tpu.memory_space<vmem>>, vector<1x128xf32>
    %add3A_12 = vector.broadcast %get3A_11 : vector<1x128xf32> to vector<10000x128xf32>
    %add3A_13 = arith.addf %add3A, %add3A_12 : vector<10000x128xf32>
    %get3A_14 = arith.constant 0 : index
    %get3A_15 = arith.constant 0 : index
    %get3A_16 = vector.load %arg1[%get3A_14, %get3A_15] : memref<10000x128xf32, #tpu.memory_space<vmem>>, vector<10000x128xf32>
    %get3A_17 = arith.constant 0 : index
    %get3A_18 = arith.constant 0 : index
    %get3A_19 = vector.load %arg2[%get3A_17, %get3A_18] : memref<128x128xf32, #tpu.memory_space<vmem>>, vector<128x128xf32>
    %dot_general3A = arith.constant dense<0.000000e+00> : vector<10000x128xf32>
    %dot_general3A_20 = tpu.matmul %get3A_16, %get3A_19, %dot_general3A {dimension_numbers = #tpu.dot_dimension_numbers<[1], [0], [0], [1], [0, 0, 1, 1], [], []>, transpose_lhs_hint = false} : vector<10000x128xf32>, vector<128x128xf32>, vector<10000x128xf32> -> vector<10000x128xf32>
    %add3A_21 = arith.addf %add3A_13, %dot_general3A_20 : vector<10000x128xf32>
    %max3A = arith.constant 0.000000e+00 : f32
    %max3A_22 = vector.broadcast %max3A : f32 to vector<10000x128xf32>
    %max3A_23 = arith.maximumf %add3A_21, %max3A_22 : vector<10000x128xf32>
    %swap3A = arith.constant 0 : index
    %swap3A_24 = arith.constant 0 : index
    %swap3A_25 = vector.load %arg4[%swap3A, %swap3A_24] : memref<10000x128xf32, #tpu.memory_space<vmem>>, vector<10000x128xf32>
    tpu.vector_store %arg4[%swap3A, %swap3A_24], %max3A_23 {strides = array<i32>} : memref<10000x128xf32, #tpu.memory_space<vmem>>, vector<10000x128xf32>,
    return
  }
}

module attributes {stable_mosaic.version = 14 : i64} {
  func.func @_finish_body_lin(%arg0: memref<2x10000x128xf32, #tpu.memory_space<vmem>>, %arg1: memref<10000x128xf32, #tpu.memory_space<vmem>>, %arg2: memref<128x128xf32, #tpu.memory_space<vmem>>, %arg3: memref<1x128xf32, #tpu.memory_space<vmem>>, %arg4: memref<10000x128xf32, #tpu.memory_space<vmem>>) attributes {dimension_semantics = [], scalar_prefetch = 0 : i64, scratch_operands = 0 : i64, tpu.core_type = #tpu.core_type<tc>} {
    %get3A = arith.constant 0 : index
    %get3A_0 = arith.constant 0 : index
    %get3A_1 = arith.constant 0 : index
    %get3A_2 = vector.load %arg0[%get3A, %get3A_0, %get3A_1] : memref<2x10000x128xf32, #tpu.memory_space<vmem>>, vector<1x10000x128xf32>
    %get3A_3 = vector.shape_cast %get3A_2 : vector<1x10000x128xf32> to vector<10000x128xf32>
    %get3A_4 = arith.constant 1 : index
    %get3A_5 = arith.constant 0 : index
    %get3A_6 = arith.constant 0 : index
    %get3A_7 = vector.load %arg0[%get3A_4, %get3A_5, %get3A_6] : memref<2x10000x128xf32, #tpu.memory_space<vmem>>, vector<1x10000x128xf32>
    %get3A_8 = vector.shape_cast %get3A_7 : vector<1x10000x128xf32> to vector<10000x128xf32>
    %add3A = arith.addf %get3A_3, %get3A_8 : vector<10000x128xf32>
    %get3A_9 = arith.constant 0 : index
    %get3A_10 = arith.constant 0 : index
    %get3A_11 = vector.load %arg3[%get3A_9, %get3A_10] : memref<1x128xf32, #tpu.memory_space<vmem>>, vector<1x128xf32>
    %add3A_12 = vector.broadcast %get3A_11 : vector<1x128xf32> to vector<10000x128xf32>
    %add3A_13 = arith.addf %add3A, %add3A_12 : vector<10000x128xf32>
    %get3A_14 = arith.constant 0 : index
    %get3A_15 = arith.constant 0 : index
    %get3A_16 = vector.load %arg1[%get3A_14, %get3A_15] : memref<10000x128xf32, #tpu.memory_space<vmem>>, vector<10000x128xf32>
    %get3A_17 = arith.constant 0 : index
    %get3A_18 = arith.constant 0 : index
    %get3A_19 = vector.load %arg2[%get3A_17, %get3A_18] : memref<128x128xf32, #tpu.memory_space<vmem>>, vector<128x128xf32>
    %dot_general3A = arith.constant dense<0.000000e+00> : vector<10000x128xf32>
    %dot_general3A_20 = tpu.matmul %get3A_16, %get3A_19, %dot_general3A {dimension_numbers = #tpu.dot_dimension_numbers<[1], [0], [0], [1], [0, 0, 1, 1], [], []>, transpose_lhs_hint = false} : vector<10000x128xf32>, vector<128x128xf32>, vector<10000x128xf32> -> vector<10000x128xf32>
    %add3A_21 = arith.addf %add3A_13, %dot_general3A_20 : vector<10000x128xf32>
    %swap3A = arith.constant 0 : index
    %swap3A_22 = arith.constant 0 : index
    %swap3A_23 = vector.load %arg4[%swap3A, %swap3A_22] : memref<10000x128xf32, #tpu.memory_space<vmem>>, vector<10000x128xf32>
    tpu.vector_store %arg4[%swap3A, %swap3A_22], %add3A_21 {strides = array<i32>} : memref<10000x128xf32, #tpu.memory_space<vmem>>, vector<10000x128xf32>,
    return
  }
}

</mosaic_0001>

<sc_bundles>
// kernel: kernel.12.cloned.1.call-start
scs
__scs_entry_jumppad:
0x0: {  	(pc) =	sbr.rel $0x88, $3  }
0x1: {  	(tag) =	ssettag $0x0;
	lr =	simm.s32 $0x1  }
0x2: {  	[smem:$0x3F96] =	sst lr;
	_ =	strace $0xD0000000  }
0x3: {  	_ = 	snop  }
0x4: {  	_ = 	snop  }
0x5: {  	_ = 	snop  }
0x6: {  	_ = 	snop  }
0x7: {  	_ = 	snop  }
__scs_overlays_trampoline_lowered:
0x8: {  	[smem:$0x3FA5] =	sst s0  }
0x9: {  	[smem:$0x3FA6] =	sst s1  }
0xa: {  	[smem:$0x3FA7] =	sst s2  }
0xb: {  	[smem:$0x3FA8] =	sst s3  }
0xc: {  	[smem:$0x3FA9] =	sst s4  }
0xd: {  	[smem:$0x3FAA] =	sst s5  }
0xe: {  	[smem:$0x3FAB] =	sst s6  }
0xf: {  	[smem:$0x3FAC] =	sst s7  }
0x10: {  	[smem:$0x3FAD] =	sst s8  }
0x11: {  	[smem:$0x3FAE] =	sst s9;
	s0 =	simm.s32 @!p0 $0x0  }
0x12: {  	s1 =	sld [smem:$0x3F94];
	s0 =	simm.s32 @p0 $0x1  }
0x13: {  	[smem:$0x3FAF] =	sst s0;
	s0 =	simm.s32 @!p1 $0x0  }
0x14: {  	s2 =	sld [smem:$0x3F93];
	s0 =	simm.s32 @p1 $0x1  }
0x15: {  	[smem:$0x3FB0] =	sst s0;
	s0 =	simm.s32 @!p2 $0x0  }
0x16: {  	s3 =	sld [smem:$0x3FDB];
	s0 =	simm.s32 @p2 $0x1  }
0x17: {  	s4 =	simm.s32 $0x1BF5;
	[smem:$0x3FB2] =	sst s0  }
0x18: {  	s0 =	sld [smem:$0x3F95];
	_ =	swait.ge [sflag:s4], $0x0  }
0x19: {  	s7 =	sld [smem:$0x3F96]  }
0x1a: {  	s8 =	sadd.s32 $0xFFFFE003, lr  }
0x1b: {  	s9 =	sadd.s32 $0xFFFFFEF7, lr;
	s5 =	simm.s32 $0xFFFFFFFF;
	p2 =	slt.u32 s8, $0xFFFFF086  }
0x1c: {  	p1 =	slt.u32 s9, $0xF7A;
	s5 =	simm.s32 @!p2 $0x0  }
0x1d: {  	s5 =	simm.s32 @p1 $0x1;
	p0 =	seq.s32 s7, s2  }
0x1e: {  	s7 =	smul.u32 @!p0 $0xF7A, s2;
	p2 =	seq.s32 @!p0 s5, $0x0  }
0x1f: {  	s9 =	smul.u32 $0xF7A, s1;
	s8 =	simm.s32 @!p0 $0x1BF5;
	p2 =	por !p2, p0  }
0x20: {  	[sflag:s8] =	ssyncset.s32 @!p0 $0xFFFFF086;
	s6 =	sadd.s32 @!p0 s3, s7;
	s7 =	simm.s32 @!p0 $0x108  }
0x21: {  	s3 =	sadd.s32 s3, s9;
	s6 =	sadd.s32 @!p0 $0x88, s6;
	s7 =	simm.s32 @p2 $0x1082  }
0x22: {  	[simem:s7], [sflag:s8] =	dma.local @!p0 [hbm:s6], $0xF7A  }
0x23: {  	s9 =	sor.u32 $0xD0000000, s2;
	s6 =	simm.s32 $0x108;
	_ =	swait.ge @!p0 [sflag:s8], $0x0  }
0x24: {  	s3 =	sadd.s32 $0x88, s3;
	s6 =	simm.s32 @!p1 $0x1082;
	[sflag:s4] =	ssyncset.s32 $0xFFFFF086  }
0x25: {  	[simem:s6], [sflag:s4] =	dma.local [hbm:s3], $0xF7A  }
0x26: {  	[smem:$0x3F96] =	sst s1;
	(tag) =	ssettag s2;
	_ =	strace s9  }
0x27: {  	s1 =	sld [smem:$0x3FA6]  }
0x28: {  	s2 =	sld [smem:$0x3FA7]  }
0x29: {  	s4 =	sld [smem:$0x3FA9]  }
0x2a: {  	p0 =	seq.s32 s5, $0x0;
	s5 =	sld [smem:$0x3FAA]  }
0x2b: {  	s6 =	sld [smem:$0x3FAB]  }
0x2c: {  	s7 =	sld [smem:$0x3FAC]  }
0x2d: {  	s3 =	simm.s32 $0x108;
	s8 =	sld [smem:$0x3FAD]  }
0x2e: {  	s3 =	simm.s32 @!p0 $0x1082;
	s9 =	sld [smem:$0x3FAE]  }
0x2f: {  	lr =	sadd.s32 s0, s3;
	s0 =	sld [smem:$0x3FA5]  }
0x30: {  	s3 =	sld [smem:$0x3FA8]  }
0x31: {  	[smem:$0x3FB1] =	sst s10  }
0x32: {  	s10 =	sld [smem:$0x3FAF];
	_ =	sdelay $0x3  }
0x33: {  	p0 =	seq.s32 s10, $0x1;
	s10 =	sld [smem:$0x3FB1];
	_ =	sdelay $0x3  }
0x34: {  	[smem:$0x3FB1] =	sst s10  }
0x35: {  	s10 =	sld [smem:$0x3FB0];
	_ =	sdelay $0x3  }
0x36: {  	p1 =	seq.s32 s10, $0x1;
	s10 =	sld [smem:$0x3FB1];
	_ =	sdelay $0x3  }
0x37: {  	[smem:$0x3FB1] =	sst s10  }
0x38: {  	s10 =	sld [smem:$0x3FB2]  }
0x39: {  	_ = 	snop;
	(pc) =	sbr.ind lr, $3  }
0x3a: {  	_ = 	snop  }
0x3b: {  	_ = 	snop  }
0x3c: {  	p2 =	seq.s32 s10, $0x1;
	s10 =	sld [smem:$0x3FB1]  }
0x3d: {  	_ =	shalt  }
0x3e: {  	_ =	shalt  }
0x3f: {  	_ =	shalt  }
0x40: {  	_ =	shalt  }
0x41: {  	_ =	shalt  }
0x42: {  	_ =	shalt  }
0x43: {  	_ =	shalt  }
0x44: {  	_ =	shalt  }
0x45: {  	_ =	shalt  }
0x46: {  	_ =	shalt  }
0x47: {  	_ =	shalt  }
0x48: {  	_ =	shalt  }
0x49: {  	_ =	shalt  }
0x4a: {  	_ =	shalt  }
0x4b: {  	_ =	shalt  }
0x4c: {  	_ =	shalt  }
0x4d: {  	_ =	shalt  }
0x4e: {  	_ =	shalt  }
0x4f: {  	_ =	shalt  }
0x50: {  	_ =	shalt  }
0x51: {  	_ =	shalt  }
0x52: {  	_ =	shalt  }
0x53: {  	_ =	shalt  }
0x54: {  	_ =	shalt  }
0x55: {  	_ =	shalt  }
0x56: {  	_ =	shalt  }
0x57: {  	_ =	shalt  }
0x58: {  	_ =	shalt  }
0x59: {  	_ =	shalt  }
0x5a: {  	_ =	shalt  }
0x5b: {  	_ =	shalt  }
0x5c: {  	_ =	shalt  }
0x5d: {  	_ =	shalt  }
0x5e: {  	_ =	shalt  }
0x5f: {  	_ =	shalt  }
0x60: {  	_ =	shalt  }
0x61: {  	_ =	shalt  }
0x62: {  	_ =	shalt  }
0x63: {  	_ =	shalt  }
0x64: {  	_ =	shalt  }
0x65: {  	_ =	shalt  }
0x66: {  	_ =	shalt  }
0x67: {  	_ =	shalt  }
0x68: {  	_ =	shalt  }
0x69: {  	_ =	shalt  }
0x6a: {  	_ =	shalt  }
0x6b: {  	_ =	shalt  }
0x6c: {  	_ =	shalt  }
0x6d: {  	_ =	shalt  }
0x6e: {  	_ =	shalt  }
0x6f: {  	_ =	shalt  }
0x70: {  	_ =	shalt  }
0x71: {  	_ =	shalt  }
0x72: {  	_ =	shalt  }
0x73: {  	_ =	shalt  }
0x74: {  	_ =	shalt  }
0x75: {  	_ =	shalt  }
0x76: {  	_ =	shalt  }
0x77: {  	_ =	shalt  }
0x78: {  	_ =	shalt  }
0x79: {  	_ =	shalt  }
0x7a: {  	_ =	shalt  }
0x7b: {  	_ =	shalt  }
0x7c: {  	_ =	shalt  }
0x7d: {  	_ =	shalt  }
0x7e: {  	_ =	shalt  }
0x7f: {  	_ =	shalt  }
0x80: {  	_ =	shalt  }
0x81: {  	_ =	shalt  }
0x82: {  	_ =	shalt  }
0x83: {  	_ =	shalt  }
0x84: {  	_ =	shalt  }
0x85: {  	_ =	shalt  }
0x86: {  	_ =	shalt  }
0x87: {  	_ =	shalt  }
.Lfunc_end0:
.L_simem_size_0:
called_computation_lowered:
.L_overlay_start_0:
0x88: {  	s2 =	sld [smem:$0x3FD9]  }
0x89: {  	s3 =	sld [smem:$0x3FFE];
	_ =	sdelay $0x1  }
0x8a: {  	s1 =	srdreg.scid  }
0x8b: {  	s0 =	sand.u32 $0x1, s1  }
0x8c: {  	s17 =	sshll.u32 s0, $0xA;
	s2 =	sadd.s32 s3, s2  }
0x8d: {  	s2 =	sadd.s32 s2, s17  }
0x8e: {  	[smem:$0x3FBD] =	sst s2  }
0x8f: {  	_ = 	snop  }
0x90: {  	s2 =	sld [smem:$0x3FD0];
	(tm) =	ssettm $0x1  }
0x91: {  	s18 =	sld [smem:$0x3FFB];
	_ =	sdelay $0x3  }
0x92: {  	_ =	strace s18  }
0x93: {  	s3 =	sld [smem:$0x3FFC];
	_ =	sdelay $0x3  }
0x94: {  	_ =	strace s3  }
0x95: {  	s3 =	sld [smem:$0x3FFD];
	_ =	sdelay $0x3  }
0x96: {  	_ =	strace s3  }
0x97: {  	_ =	strace $0x8FFFFFFF  }
0x98: {  	s19 =	sld [smem:$0x3FDB];
	_ =	sdelay $0x1  }
0x99: {  	s4 =	simm.s32 $_scs_section_size  }
0x9a: {  	s5 =	simm.s32 $_size__tile_overlayer_lowered;
	s6 =	simm.s32 $_tile_overlayer_lowered  }
0x9b: {  	s22 =	simm.s32 $0x1BFF;
	s21 =	sshll.u32 s6, $0x1;
	s3 =	sadd.s32 s4, s19  }
0x9c: {  	s7 =	simm.s32 $0x0;
	s20 =	sshll.u32 s5, $0x1;
	s5 =	sadd.s32 s21, s3  }
0x9d: {  	[timem:s7], [sflag:s22] =	dma.local [hbm:s5], s20  }
0x9e: {  	_ =	swait.ge [sflag:s22], s20  }
0x9f: {  	s4 =	ssub.s32 $0x0, s20;
	[sflag:s22] =	ssyncset.done $0x0  }
0xa0: {  	[sflag:s22] =	ssyncadd.s32 s4;
	_ =	sdelay $0x1  }
0xa1: {  	s23 =	simm.s32 $0x1B8B  }
0xa2: {  	_ =	swait.ge [sflag:s23], $0x1  }
0xa3: {  	[sflag:s23] =	ssyncset.done $0x0  }
0xa4: {  	s25 =	simm.s32 $0x1B8E;
	s24 =	sld [smem:$0x3FFE];
	[sflag:s23] =	ssyncadd.s32 $0xFFFFFFFF  }
0xa5: {  	s26 =	simm.s32 $execute0_lowered;
	[smem:$0x3FD2] =	sst s25  }
0xa6: {  	s5 =	sshll.u32 s26, $0x1;
	_ =	strace $0x80000046;
	[dreg:$0x1] =	wrdreg $0xFFFFFFFF  }
0xa7: {  	s28 =	simm.s32 $_size_execute0_lowered;
	s3 =	sadd.s32 s3, s5;
	[dreg:$0x0] =	wrdreg $0x0  }
0xa8: {  	s5 =	sshll.u32 s28, $0x1;
	[dreg:$0x2] =	wrdreg s3  }
0xa9: {  	[dreg:$0x3] =	wrdreg s5  }
0xaa: {  	[dreg:$0x4] =	wrdreg $0xC0  }
0xab: {  	_ =	task [dreg:s7], $0x5FFFF  }
0xac: {  	[dreg:$0x1] =	wrdreg $0xFFFFFFFF  }
0xad: {  	[dreg:$0x0] =	wrdreg $0x60  }
0xae: {  	[dreg:$0x2] =	wrdreg s24  }
0xaf: {  	[dreg:$0x3] =	wrdreg s2  }
0xb0: {  	[dreg:$0x4] =	wrdreg $0x9  }
0xb1: {  	_ =	task.clear_ibuf [dreg:s7], $0x5FFFF;
	_ =	strace $0x90000046  }
0xb2: {  	s29 =	simm.s32 $0x9;
	_ =	strace $0x80000048  }
0xb3: {  	_ =	swait.ge [sflag:s29], $0x1  }
0xb4: {  	[sflag:s29] =	ssyncadd.s32 $0xFFFFFFFF  }
0xb5: {  	_ =	strace $0x90000048  }
0xb6: {  	_ =	sfence  }
0xb7: {  	s30 =	sld [smem:$0x0];
	_ =	sdelay $0x2  }
0xb8: {  	s31 =	sshll.u32 s1, $0xD;
	s1 =	sshrl.u32 s1, $0x2  }
0xb9: {  	s3 =	sand.u32 $0x4000, s31;
	s1 =	sadd.s32 s1, s30  }
0xba: {  	s0 =	sor.u32 s3, s0;
	s1 =	sshll.u32 s1, $0x11  }
0xbb: {  	s0 =	sor.u32 s1, s0  }
0xbc: {  	s0 =	sadd.s32 $0x8F2B, s0  }
0xbd: {  	[sflag:s0] =	ssyncadd.remote.s32 $0x1  }
0xbe: {  	_ =	sfence.sel $0xFFFF  }
0xbf: {  	[dreg:$0x0] =	wrdreg $0xFFFFFFFF;
	(pc) =	sbr.abs _section_cstart, $3  }
0xc0: {  	[dreg:$0x1] =	wrdreg $0xFFFFFFFF  }
0xc1: {  	_ =	task.clear_ibuf [dreg:s7], $0x2FFFF;
	_ =	strace $0x9FFFFFFF  }
0xc2: {  	(tm) =	ssettm $0x7FFFFFFF  }
0xc3: {  	_ =	shalt  }
tec
execute0_lowered:
.L_overlay_start_1:
0x0: {  	(tag) =	ssettag $0x1  }
0x1: {  	s8 =	rddreg [dreg:$0x0]  }
0x2: {  	s9 =	rddreg [dreg:$0x1]  }
0x3: {  	s0 =	rddreg [dreg:$0x2]  }
0x4: {  	s1 =	simm.s32 $0x0;
	s10 =	srdreg.scid;
	s3 =	stileid.u32  }
0x5: {  	s16 =	simm.s32 $0x4000;
	s17 =	simm.s32 $0x4080;
	s18 =	simm.s32 $0x4100  }
0x6: {  	s19 =	simm.s32 $0x1;
	s20 =	simm.s32 $0x2;
	s21 =	simm.s32 $0x50  }
0x7: {  	s22 =	simm.s32 $0x0;
	[smem:$0x7FF] =	sst s1;
	s2 =	sadd.s32 $0x16400, s8  }
0x8: {  	s4 =	sadd.s32 $0xC600, s8;
	s5 =	sadd.s32 $0x20200, s8;
	s6 =	sadd.s32 $0x2A000, s8  }
0x9: {  	s7 =	sadd.s32 $0x3DC00, s8;
	s11 =	sand.u32 $0x1, s10;
	s29 =	sshll.u32 s3, $0x1  }
0xa: {  	s8 =	sadd.s32 $0x33E00, s8;
	s15 =	smul.u32 $0x4E20, s3;
	s12 =	ssub.s32 $0x2, s11  }
0xb: {  	s10 =	sor.u32 s11, s29;
	s31 =	smul.u32 $0x2710, s11;
	s13 =	sshrl.u32 s12, $0x1  }
0xc: {  	s14 =	smul.u32 $0x2710, s10;
	s10 =	sshll.u32 s10, $0xB;
	s12 =	ssub.s32 s12, s13  }
0xd: {  	_ =	strace $0x80000047;
	s9 =	sadd.s32 s9, s10;
	s10 =	smax.u32 s12, $0x1  }
0xe: {  	s30 =	sshrl.u32 s14, $0x3;
	s14 =	sadd.s32 s31, s15;
	s15 =	simm.s32 $0x3  }
0xf: {  	s11 =	sadd.s32 s6, s30;
	s12 =	sadd.s32 s7, s30;
	s13 =	sadd.s32 s8, s30  }
.LBB2_1:
0x10: {  	[tilespmem:s1], [sflag:$0x3] =	stream.linear.gather [hbm4b:s9+s1], $0x3E80, $0x38;
	[tilespmem:$0x4180] =	vst v63  }
0x11: {  	_ =	swait.ge [sflag:s15], $0x3E80  }
0x12: {  	[sflag:s15] =	ssyncset.done $0x0  }
0x13: {  	[sflag:s15] =	ssyncadd.s32 $0xFFFFC180  }
0x14: {  	[tilespmem:s16], [sflag:$0x1] =	stream.indirect.gather [hbm4b:s2+s21], $0x1, s1, s21, $0xb8;
	[tilespmem:$0x4180] =	vst v63  }
0x15: {  	_ = 	snop  }
0x16: {  	[tilespmem:s17], [sflag:$0x1] =	stream.indirect.gather [hbm4b:s4+s21], $0x1, s1, s21, $0xb8;
	[tilespmem:$0x4180] =	vst v63  }
0x17: {  	_ = 	snop  }
0x18: {  	[tilespmem:s18], [sflag:$0x1] =	stream.indirect.gather [hbm4b:s5+s21], $0x1, s1, s21, $0xb8;
	[tilespmem:$0x4180] =	vst v63  }
0x19: {  	_ =	swait.ge [sflag:s19], $0x50  }
0x1a: {  	[sflag:s19] =	ssyncset.done $0x0  }
0x1b: {  	[sflag:s19] =	ssyncadd.s32 $0xFFFFFFB0  }
0x1c: {  	_ =	swait.ge [sflag:s19], $0x50  }
0x1d: {  	[sflag:s19] =	ssyncset.done $0x0  }
0x1e: {  	[sflag:s19] =	ssyncadd.s32 $0xFFFFFFB0  }
0x1f: {  	_ =	swait.ge [sflag:s19], $0x50  }
0x20: {  	[sflag:s19] =	ssyncset.done $0x0  }
0x21: {  	[sflag:s19] =	ssyncadd.s32 $0xFFFFFFB0  }
0x22: {  	[hbm4b:s11+s1] =	stream.linear.scatter [tilespmem:s16], [sflag:$0x2], $0x50, $0x38;
	[tilespmem:$0x4180] =	vst v63  }
0x23: {  	_ = 	snop  }
0x24: {  	[hbm4b:s12+s1] =	stream.linear.scatter [tilespmem:s17], [sflag:$0x2], $0x50, $0x38;
	[tilespmem:$0x4180] =	vst v63  }
0x25: {  	_ = 	snop  }
0x26: {  	[hbm4b:s13+s1] =	stream.linear.scatter [tilespmem:s18], [sflag:$0x2], $0x50, $0x38;
	[tilespmem:$0x4180] =	vst v63  }
0x27: {  	_ =	swait.ge [sflag:s20], $0x50  }
0x28: {  	[sflag:s20] =	ssyncset.done $0x0  }
0x29: {  	[sflag:s20] =	ssyncadd.s32 $0xFFFFFFB0  }
0x2a: {  	_ =	swait.ge [sflag:s20], $0x50  }
0x2b: {  	[sflag:s20] =	ssyncset.done $0x0  }
0x2c: {  	[sflag:s20] =	ssyncadd.s32 $0xFFFFFFB0  }
0x2d: {  	_ =	swait.ge [sflag:s20], $0x50  }
0x2e: {  	[sflag:s20] =	ssyncset.done $0x0  }
0x2f: {  	s23 =	simm.s32 $0x80;
	[sflag:s20] =	ssyncadd.s32 $0xFFFFFFB0  }
0x30: {  	[tilespmem:s16], [sflag:$0x1] =	stream.indirect.gather [hbm4b:s2+s21], $0x1, s23, s21, $0xb8;
	[tilespmem:$0x4180] =	vst v63  }
0x31: {  	_ = 	snop  }
0x32: {  	[tilespmem:s17], [sflag:$0x1] =	stream.indirect.gather [hbm4b:s4+s21], $0x1, s23, s21, $0xb8;
	[tilespmem:$0x4180] =	vst v63  }
0x33: {  	_ = 	snop  }
0x34: {  	[tilespmem:s18], [sflag:$0x1] =	stream.indirect.gather [hbm4b:s5+s21], $0x1, s23, s21, $0xb8;
	[tilespmem:$0x4180] =	vst v63  }
0x35: {  	_ =	swait.ge [sflag:s19], $0x50  }
0x36: {  	[sflag:s19] =	ssyncset.done $0x0  }
0x37: {  	[sflag:s19] =	ssyncadd.s32 $0xFFFFFFB0  }
0x38: {  	_ =	swait.ge [sflag:s19], $0x50  }
0x39: {  	[sflag:s19] =	ssyncset.done $0x0  }
0x3a: {  	[sflag:s19] =	ssyncadd.s32 $0xFFFFFFB0  }
0x3b: {  	s30 =	sadd.s32 $0x50, s14;
	_ =	swait.ge [sflag:s19], $0x50  }
0x3c: {  	s24 =	sshrl.u32 s30, $0x3;
	[sflag:s19] =	ssyncset.done $0x0  }
0x3d: {  	s31 =	sadd.s32 s7, s24;
	s23 =	sadd.s32 s6, s24;
	[sflag:s19] =	ssyncadd.s32 $0xFFFFFFB0  }
0x3e: {  	[hbm4b:s23+s1] =	stream.linear.scatter [tilespmem:s16], [sflag:$0x2], $0x50, $0x38;
	[tilespmem:$0x4180] =	vst v63  }
0x3f: {  	s25 =	sadd.s32 s8, s24;
	s24 =	simm.s32 $0x100;
	s23 =	simm.s32 $0xA0  }
0x40: {  	[hbm4b:s31+s1] =	stream.linear.scatter [tilespmem:s17], [sflag:$0x2], $0x50, $0x38;
	[tilespmem:$0x4180] =	vst v63  }
.LBB2_2:
0x41: {  	[hbm4b:s25+s1] =	stream.linear.scatter [tilespmem:s18], [sflag:$0x2], $0x50, $0x38;
	[tilespmem:$0x4180] =	vst v63  }
0x42: {  	s25 =	smov.u32 s23  }
0x43: {  	p0 =	sne.s32 s23, $0x26C0;
	s23 =	sadd.s32 $0x50, s23;
	_ =	swait.ge [sflag:s20], $0x50  }
0x44: {  	[sflag:s20] =	ssyncset.done $0x0  }
0x45: {  	[sflag:s20] =	ssyncadd.s32 $0xFFFFFFB0  }
0x46: {  	_ =	swait.ge [sflag:s20], $0x50  }
0x47: {  	[sflag:s20] =	ssyncset.done $0x0  }
0x48: {  	[sflag:s20] =	ssyncadd.s32 $0xFFFFFFB0  }
0x49: {  	_ =	swait.ge [sflag:s20], $0x50  }
0x4a: {  	[sflag:s20] =	ssyncset.done $0x0  }
0x4b: {  	[sflag:s20] =	ssyncadd.s32 $0xFFFFFFB0  }
0x4c: {  	[tilespmem:s16], [sflag:$0x1] =	stream.indirect.gather [hbm4b:s2+s21], $0x1, s24, s21, $0xb8;
	[tilespmem:$0x4180] =	vst v63  }
0x4d: {  	_ = 	snop  }
0x4e: {  	[tilespmem:s17], [sflag:$0x1] =	stream.indirect.gather [hbm4b:s4+s21], $0x1, s24, s21, $0xb8;
	[tilespmem:$0x4180] =	vst v63  }
0x4f: {  	_ = 	snop  }
0x50: {  	[tilespmem:s18], [sflag:$0x1] =	stream.indirect.gather [hbm4b:s5+s21], $0x1, s24, s21, $0xb8;
	[tilespmem:$0x4180] =	vst v63  }
0x51: {  	_ =	swait.ge [sflag:s19], $0x50  }
0x52: {  	[sflag:s19] =	ssyncset.done $0x0  }
0x53: {  	[sflag:s19] =	ssyncadd.s32 $0xFFFFFFB0  }
0x54: {  	_ =	swait.ge [sflag:s19], $0x50  }
0x55: {  	[sflag:s19] =	ssyncset.done $0x0  }
0x56: {  	[sflag:s19] =	ssyncadd.s32 $0xFFFFFFB0  }
0x57: {  	s25 =	sadd.s32 s25, s14;
	_ =	swait.ge [sflag:s19], $0x50  }
0x58: {  	s25 =	sshrl.u32 s25, $0x3;
	[sflag:s19] =	ssyncset.done $0x0  }
.Ltmp0:
0x59: {  	s26 =	sadd.s32 s6, s25;
	[sflag:s19] =	ssyncadd.s32 $0xFFFFFFB0;
	(pc) =	sbr.rel @p0 .LBB2_2-.Ltmp0, $4  }
0x5a: {  	[hbm4b:s26+s1] =	stream.linear.scatter [tilespmem:s16], [sflag:$0x2], $0x50, $0x38;
	[tilespmem:$0x4180] =	vst v63  }
0x5b: {  	s26 =	sadd.s32 s7, s25  }
0x5c: {  	[hbm4b:s26+s1] =	stream.linear.scatter [tilespmem:s17], [sflag:$0x2], $0x50, $0x38;
	[tilespmem:$0x4180] =	vst v63  }
0x5d: {  	s24 =	sadd.s32 $0x80, s24;
	s25 =	sadd.s32 s8, s25  }
0x5e: {  	[hbm4b:s25+s1] =	stream.linear.scatter [tilespmem:s18], [sflag:$0x2], $0x50, $0x38;
	[tilespmem:$0x4180] =	vst v63  }
0x5f: {  	_ =	swait.ge [sflag:s20], $0x50  }
0x60: {  	[sflag:s20] =	ssyncset.done $0x0  }
0x61: {  	s22 =	sadd.s32 $0x1, s22;
	[sflag:s20] =	ssyncadd.s32 $0xFFFFFFB0  }
0x62: {  	p0 =	sne.s32 s22, s10;
	_ =	swait.ge [sflag:s20], $0x50  }
.Ltmp1:
0x63: {  	[sflag:s20] =	ssyncset.done $0x0;
	(pc) =	sbr.rel @p0 .LBB2_1-.Ltmp1, $4  }
0x64: {  	[sflag:s20] =	ssyncadd.s32 $0xFFFFFFB0  }
0x65: {  	_ =	swait.ge [sflag:s20], $0x50  }
0x66: {  	[sflag:s20] =	ssyncset.done $0x0  }
0x67: {  	[sflag:s20] =	ssyncadd.s32 $0xFFFFFFB0  }
0x68: {  	_ =	sfence.sel $0x180000  }
0x69: {  	[bflag:$0x0] =	sbarrier.arrive $0xFFFF  }
0x6a: {  	p0 =	sne.s32 s3, $0x0;
	_ =	strace $0x90000047  }
0x6b: {  	s0 =	sadd.s32 @!p0 $0x100000, s0;
	[bflag:$0x2] =	sbarrier.arrive $0xFFFF  }
0x6c: {  	[sflag:s0] =	ssyncadd.tile.s32 @!p0 $0x1;
	_ =	shalt  }
.Lfunc_end2:
_tile_overlayer_lowered:
.L_overlay_start_2:
0x6d: {  	(tag) =	ssettag $0x2  }
0x6e: {  	s0 =	rddreg [dreg:$0x0];
	s2 =	stileid.u32  }
0x6f: {  	s1 =	rddreg [dreg:$0x1];
	p0 =	sne.s32 s2, $0x0  }
0x70: {  	s3 =	rddreg [dreg:$0x2];
	[bflag:$0x3] =	sbarrier.arrive $0xFFFF;
	s2 =	simm.s32 @!p0 $0x1C03  }
0x71: {  	[timem:s3], [sflag:s2] =	dma.local @!p0 [hbm:s0], s1  }
0x72: {  	s0 =	simm.s32 @!p0 $0x3  }
0x73: {  	_ =	swait.ge @!p0 [sflag:s0], s1  }
0x74: {  	s1 =	ssub.s32 @!p0 $0x0, s1;
	[sflag:s0] =	ssyncset.done @!p0 $0x0  }
0x75: {  	[sflag:s0] =	ssyncadd.s32 @!p0 s1  }
0x76: {  	[bflag:$0x3] =	sbarrier.arrive $0xFFFF  }
0x77: {  	_ =	shalt  }

// kernel: kernel.15.cloned.1.call-start
scs
__scs_entry_jumppad:
0x0: {  	(pc) =	sbr.rel $0x88, $3  }
0x1: {  	(tag) =	ssettag $0x0;
	lr =	simm.s32 $0x1  }
0x2: {  	[smem:$0x3F96] =	sst lr;
	_ =	strace $0xD0000000  }
0x3: {  	_ = 	snop  }
0x4: {  	_ = 	snop  }
0x5: {  	_ = 	snop  }
0x6: {  	_ = 	snop  }
0x7: {  	_ = 	snop  }
__scs_overlays_trampoline_lowered:
0x8: {  	[smem:$0x3FA5] =	sst s0  }
0x9: {  	[smem:$0x3FA6] =	sst s1  }
0xa: {  	[smem:$0x3FA7] =	sst s2  }
0xb: {  	[smem:$0x3FA8] =	sst s3  }
0xc: {  	[smem:$0x3FA9] =	sst s4  }
0xd: {  	[smem:$0x3FAA] =	sst s5  }
0xe: {  	[smem:$0x3FAB] =	sst s6  }
0xf: {  	[smem:$0x3FAC] =	sst s7  }
0x10: {  	[smem:$0x3FAD] =	sst s8  }
0x11: {  	[smem:$0x3FAE] =	sst s9;
	s0 =	simm.s32 @!p0 $0x0  }
0x12: {  	s1 =	sld [smem:$0x3F94];
	s0 =	simm.s32 @p0 $0x1  }
0x13: {  	[smem:$0x3FAF] =	sst s0;
	s0 =	simm.s32 @!p1 $0x0  }
0x14: {  	s2 =	sld [smem:$0x3F93];
	s0 =	simm.s32 @p1 $0x1  }
0x15: {  	[smem:$0x3FB0] =	sst s0;
	s0 =	simm.s32 @!p2 $0x0  }
0x16: {  	s3 =	sld [smem:$0x3FDB];
	s0 =	simm.s32 @p2 $0x1  }
0x17: {  	s4 =	simm.s32 $0x1BF5;
	[smem:$0x3FB2] =	sst s0  }
0x18: {  	s0 =	sld [smem:$0x3F95];
	_ =	swait.ge [sflag:s4], $0x0  }
0x19: {  	s7 =	sld [smem:$0x3F96]  }
0x1a: {  	s8 =	sadd.s32 $0xFFFFE003, lr  }
0x1b: {  	s9 =	sadd.s32 $0xFFFFFEF7, lr;
	s5 =	simm.s32 $0xFFFFFFFF;
	p2 =	slt.u32 s8, $0xFFFFF086  }
0x1c: {  	p1 =	slt.u32 s9, $0xF7A;
	s5 =	simm.s32 @!p2 $0x0  }
0x1d: {  	s5 =	simm.s32 @p1 $0x1;
	p0 =	seq.s32 s7, s2  }
0x1e: {  	s7 =	smul.u32 @!p0 $0xF7A, s2;
	p2 =	seq.s32 @!p0 s5, $0x0  }
0x1f: {  	s9 =	smul.u32 $0xF7A, s1;
	s8 =	simm.s32 @!p0 $0x1BF5;
	p2 =	por !p2, p0  }
0x20: {  	[sflag:s8] =	ssyncset.s32 @!p0 $0xFFFFF086;
	s6 =	sadd.s32 @!p0 s3, s7;
	s7 =	simm.s32 @!p0 $0x108  }
0x21: {  	s3 =	sadd.s32 s3, s9;
	s6 =	sadd.s32 @!p0 $0x88, s6;
	s7 =	simm.s32 @p2 $0x1082  }
0x22: {  	[simem:s7], [sflag:s8] =	dma.local @!p0 [hbm:s6], $0xF7A  }
0x23: {  	s9 =	sor.u32 $0xD0000000, s2;
	s6 =	simm.s32 $0x108;
	_ =	swait.ge @!p0 [sflag:s8], $0x0  }
0x24: {  	s3 =	sadd.s32 $0x88, s3;
	s6 =	simm.s32 @!p1 $0x1082;
	[sflag:s4] =	ssyncset.s32 $0xFFFFF086  }
0x25: {  	[simem:s6], [sflag:s4] =	dma.local [hbm:s3], $0xF7A  }
0x26: {  	[smem:$0x3F96] =	sst s1;
	(tag) =	ssettag s2;
	_ =	strace s9  }
0x27: {  	s1 =	sld [smem:$0x3FA6]  }
0x28: {  	s2 =	sld [smem:$0x3FA7]  }
0x29: {  	s4 =	sld [smem:$0x3FA9]  }
0x2a: {  	p0 =	seq.s32 s5, $0x0;
	s5 =	sld [smem:$0x3FAA]  }
0x2b: {  	s6 =	sld [smem:$0x3FAB]  }
0x2c: {  	s7 =	sld [smem:$0x3FAC]  }
0x2d: {  	s3 =	simm.s32 $0x108;
	s8 =	sld [smem:$0x3FAD]  }
0x2e: {  	s3 =	simm.s32 @!p0 $0x1082;
	s9 =	sld [smem:$0x3FAE]  }
0x2f: {  	lr =	sadd.s32 s0, s3;
	s0 =	sld [smem:$0x3FA5]  }
0x30: {  	s3 =	sld [smem:$0x3FA8]  }
0x31: {  	[smem:$0x3FB1] =	sst s10  }
0x32: {  	s10 =	sld [smem:$0x3FAF];
	_ =	sdelay $0x3  }
0x33: {  	p0 =	seq.s32 s10, $0x1;
	s10 =	sld [smem:$0x3FB1];
	_ =	sdelay $0x3  }
0x34: {  	[smem:$0x3FB1] =	sst s10  }
0x35: {  	s10 =	sld [smem:$0x3FB0];
	_ =	sdelay $0x3  }
0x36: {  	p1 =	seq.s32 s10, $0x1;
	s10 =	sld [smem:$0x3FB1];
	_ =	sdelay $0x3  }
0x37: {  	[smem:$0x3FB1] =	sst s10  }
0x38: {  	s10 =	sld [smem:$0x3FB2]  }
0x39: {  	_ = 	snop;
	(pc) =	sbr.ind lr, $3  }
0x3a: {  	_ = 	snop  }
0x3b: {  	_ = 	snop  }
0x3c: {  	p2 =	seq.s32 s10, $0x1;
	s10 =	sld [smem:$0x3FB1]  }
0x3d: {  	_ =	shalt  }
0x3e: {  	_ =	shalt  }
0x3f: {  	_ =	shalt  }
0x40: {  	_ =	shalt  }
0x41: {  	_ =	shalt  }
0x42: {  	_ =	shalt  }
0x43: {  	_ =	shalt  }
0x44: {  	_ =	shalt  }
0x45: {  	_ =	shalt  }
0x46: {  	_ =	shalt  }
0x47: {  	_ =	shalt  }
0x48: {  	_ =	shalt  }
0x49: {  	_ =	shalt  }
0x4a: {  	_ =	shalt  }
0x4b: {  	_ =	shalt  }
0x4c: {  	_ =	shalt  }
0x4d: {  	_ =	shalt  }
0x4e: {  	_ =	shalt  }
0x4f: {  	_ =	shalt  }
0x50: {  	_ =	shalt  }
0x51: {  	_ =	shalt  }
0x52: {  	_ =	shalt  }
0x53: {  	_ =	shalt  }
0x54: {  	_ =	shalt  }
0x55: {  	_ =	shalt  }
0x56: {  	_ =	shalt  }
0x57: {  	_ =	shalt  }
0x58: {  	_ =	shalt  }
0x59: {  	_ =	shalt  }
0x5a: {  	_ =	shalt  }
0x5b: {  	_ =	shalt  }
0x5c: {  	_ =	shalt  }
0x5d: {  	_ =	shalt  }
0x5e: {  	_ =	shalt  }
0x5f: {  	_ =	shalt  }
0x60: {  	_ =	shalt  }
0x61: {  	_ =	shalt  }
0x62: {  	_ =	shalt  }
0x63: {  	_ =	shalt  }
0x64: {  	_ =	shalt  }
0x65: {  	_ =	shalt  }
0x66: {  	_ =	shalt  }
0x67: {  	_ =	shalt  }
0x68: {  	_ =	shalt  }
0x69: {  	_ =	shalt  }
0x6a: {  	_ =	shalt  }
0x6b: {  	_ =	shalt  }
0x6c: {  	_ =	shalt  }
0x6d: {  	_ =	shalt  }
0x6e: {  	_ =	shalt  }
0x6f: {  	_ =	shalt  }
0x70: {  	_ =	shalt  }
0x71: {  	_ =	shalt  }
0x72: {  	_ =	shalt  }
0x73: {  	_ =	shalt  }
0x74: {  	_ =	shalt  }
0x75: {  	_ =	shalt  }
0x76: {  	_ =	shalt  }
0x77: {  	_ =	shalt  }
0x78: {  	_ =	shalt  }
0x79: {  	_ =	shalt  }
0x7a: {  	_ =	shalt  }
0x7b: {  	_ =	shalt  }
0x7c: {  	_ =	shalt  }
0x7d: {  	_ =	shalt  }
0x7e: {  	_ =	shalt  }
0x7f: {  	_ =	shalt  }
0x80: {  	_ =	shalt  }
0x81: {  	_ =	shalt  }
0x82: {  	_ =	shalt  }
0x83: {  	_ =	shalt  }
0x84: {  	_ =	shalt  }
0x85: {  	_ =	shalt  }
0x86: {  	_ =	shalt  }
0x87: {  	_ =	shalt  }
.Lfunc_end0:
.L_simem_size_0:
called_computation.1_lowered:
.L_overlay_start_0:
0x88: {  	s2 =	sld [smem:$0x3FD9]  }
0x89: {  	s3 =	sld [smem:$0x3FFE];
	_ =	sdelay $0x1  }
0x8a: {  	s1 =	srdreg.scid  }
0x8b: {  	s0 =	sand.u32 $0x1, s1  }
0x8c: {  	s17 =	sshll.u32 s0, $0xA;
	s2 =	sadd.s32 s3, s2  }
0x8d: {  	s2 =	sadd.s32 s2, s17  }
0x8e: {  	[smem:$0x3FBD] =	sst s2  }
0x8f: {  	_ = 	snop  }
0x90: {  	s18 =	sld [smem:$0x3FC5];
	(tm) =	ssettm $0x1  }
0x91: {  	s19 =	sld [smem:$0x3FFB];
	_ =	sdelay $0x3  }
0x92: {  	_ =	strace s19  }
0x93: {  	s2 =	sld [smem:$0x3FFC];
	_ =	sdelay $0x3  }
0x94: {  	_ =	strace s2  }
0x95: {  	s2 =	sld [smem:$0x3FFD];
	_ =	sdelay $0x3  }
0x96: {  	_ =	strace s2  }
0x97: {  	_ =	strace $0x8FFFFFFF  }
0x98: {  	s20 =	sld [smem:$0x3FDB];
	_ =	sdelay $0x1  }
0x99: {  	s4 =	simm.s32 $_scs_section_size  }
0x9a: {  	s5 =	simm.s32 $_size__tile_overlayer_lowered;
	s6 =	simm.s32 $_tile_overlayer_lowered  }
0x9b: {  	s7 =	simm.s32 $0x1BFF;
	s21 =	sshll.u32 s6, $0x1;
	s4 =	sadd.s32 s4, s20  }
0x9c: {  	s22 =	simm.s32 $0x0;
	s5 =	sshll.u32 s5, $0x1;
	s6 =	sadd.s32 s21, s4  }
0x9d: {  	[timem:s22], [sflag:s7] =	dma.local [hbm:s6], s5  }
0x9e: {  	_ =	swait.ge [sflag:s7], s5  }
0x9f: {  	s5 =	ssub.s32 $0x0, s5;
	[sflag:s7] =	ssyncset.done $0x0  }
0xa0: {  	[sflag:s7] =	ssyncadd.s32 s5;
	_ =	sdelay $0x1  }
0xa1: {  	s23 =	simm.s32 $0x1B8B  }
0xa2: {  	_ =	swait.ge [sflag:s23], $0x1  }
0xa3: {  	[sflag:s23] =	ssyncset.done $0x0  }
0xa4: {  	[sflag:s23] =	ssyncadd.s32 $0xFFFFFFFF  }
0xa5: {  	s5 =	sld [smem:$0x0]  }
0xa6: {  	s6 =	sand.u32 $0xFFFFFFFE, s1  }
0xa7: {  	p0 =	sne.s32 s1, s6  }
0xa8: {  	s6 =	sshll.u32 @p0 s6, $0xE  }
0xa9: {  	s6 =	sadd.s32 @p0 $0x11B8D, s6;
	s7 =	sshll.u32 @p0 s5, $0x11  }
0xaa: {  	s6 =	sor.u32 @p0 s7, s6  }
0xab: {  	[sflag:s6] =	ssyncadd.remote.s32 @p0 $0x1;
	_ =	sdelay $0x1  }
0xac: {  	s6 =	simm.s32 @p0 $0x1B8D  }
0xad: {  	_ =	swait.eq @p0 [sflag:s6], $0x1  }
0xae: {  	[sflag:s6] =	ssyncadd.s32 @p0 $0xFFFFFFFF  }
0xaf: {  	s7 =	sshll.u32 @!p0 s1, $0xE  }
0xb0: {  	s7 =	sor.u32 @!p0 $0x4000, s7;
	s6 =	simm.s32 @!p0 $0x1B8D  }
0xb1: {  	s5 =	sshll.u32 @!p0 s5, $0x11;
	s7 =	sadd.s32 @!p0 $0x11B8D, s7;
	_ =	swait.eq @!p0 [sflag:s6], $0x1  }
0xb2: {  	s5 =	sor.u32 @!p0 s5, s7;
	[sflag:s6] =	ssyncadd.s32 @!p0 $0xFFFFFFFF  }
0xb3: {  	s25 =	simm.s32 $0x1B8E;
	s24 =	sld [smem:$0x3FFE];
	[sflag:s5] =	ssyncadd.remote.s32 @!p0 $0x1  }
0xb4: {  	s26 =	simm.s32 $execute0_lowered;
	[smem:$0x3FD2] =	sst s25  }
0xb5: {  	s6 =	sshll.u32 s26, $0x1;
	_ =	strace $0x80000049;
	[dreg:$0x1] =	wrdreg $0xFFFFFFFF  }
0xb6: {  	s28 =	simm.s32 $_size_execute0_lowered;
	s4 =	sadd.s32 s4, s6;
	[dreg:$0x0] =	wrdreg $0x0  }
0xb7: {  	s6 =	sshll.u32 s28, $0x1;
	[dreg:$0x2] =	wrdreg s4  }
0xb8: {  	[dreg:$0x3] =	wrdreg s6  }
0xb9: {  	[dreg:$0x4] =	wrdreg $0xC0  }
0xba: {  	_ =	task [dreg:s22], $0x5FFFF  }
0xbb: {  	[dreg:$0x1] =	wrdreg $0xFFFFFFFF  }
0xbc: {  	[dreg:$0x0] =	wrdreg $0x60  }
0xbd: {  	[dreg:$0x2] =	wrdreg s18  }
0xbe: {  	[dreg:$0x3] =	wrdreg s24  }
0xbf: {  	[dreg:$0x4] =	wrdreg $0xA  }
0xc0: {  	_ =	task.clear_ibuf [dreg:s22], $0x5FFFF;
	_ =	strace $0x90000049  }
0xc1: {  	s29 =	simm.s32 $0xA;
	_ =	strace $0x8000004B  }
0xc2: {  	_ =	swait.ge [sflag:s29], $0x1  }
0xc3: {  	[sflag:s29] =	ssyncadd.s32 $0xFFFFFFFF  }
0xc4: {  	_ =	strace $0x9000004B  }
0xc5: {  	_ =	sfence  }
0xc6: {  	s30 =	sld [smem:$0x0];
	_ =	sdelay $0x2  }
0xc7: {  	s31 =	sshll.u32 s1, $0xD;
	s1 =	sshrl.u32 s1, $0x2  }
0xc8: {  	s4 =	sand.u32 $0x4000, s31;
	s1 =	sadd.s32 s1, s30  }
0xc9: {  	s0 =	sor.u32 s4, s0;
	s1 =	sshll.u32 s1, $0x11  }
0xca: {  	s0 =	sor.u32 s1, s0  }
0xcb: {  	s0 =	sadd.s32 $0x8F2B, s0  }
0xcc: {  	[sflag:s0] =	ssyncadd.remote.s32 $0x1  }
0xcd: {  	_ =	sfence.sel $0xFFFF  }
0xce: {  	[dreg:$0x0] =	wrdreg $0xFFFFFFFF;
	(pc) =	sbr.abs _section_cstart, $3  }
0xcf: {  	[dreg:$0x1] =	wrdreg $0xFFFFFFFF  }
0xd0: {  	_ =	task.clear_ibuf [dreg:s22], $0x2FFFF;
	_ =	strace $0x9FFFFFFF  }
0xd1: {  	(tm) =	ssettm $0x7FFFFFFF  }
tec
execute0_lowered:
.L_overlay_start_1:
0x0: {  	(tag) =	ssettag $0x1  }
0x1: {  	s1 =	srdreg.scid;
	s0 =	stileid.u32  }
0x2: {  	s19 =	sand.u32 $0x1, s1;
	s31 =	sshll.u32 s0, $0x1  }
0x3: {  	s2 =	rddreg [dreg:$0x0];
	s6 =	sor.u32 s19, s31  }
0x4: {  	s11 =	rddreg [dreg:$0x1];
	s3 =	simm.s32 $0x0;
	s4 =	sshll.u32 s6, $0x6  }
0x5: {  	s5 =	simm.s32 $0x5;
	[smem:$0x7FF] =	sst s3;
	s4 =	sadd.s32 s4, s11  }
0x6: {  	s1 =	rddreg [dreg:$0x2];
	_ =	strace $0x8000004A;
	s4 =	sadd.s32 $0x47A00, s4  }
0x7: {  	[tilespmem:s3], [sflag:$0x5] =	stream.linear.gather [hbm4b:s4+s3], $0x200, $0x38;
	[tilespmem:$0x5200] =	vst v63  }
0x8: {  	_ =	swait.ge [sflag:s5], $0x200  }
0x9: {  	s7 =	simm.s32 $0x200;
	[sflag:s5] =	ssyncset.done $0x0  }
0xa: {  	s12 =	smul.u32 $0x1400, s6;
	s6 =	simm.s32 $0x50;
	[sflag:s5] =	ssyncadd.s32 $0xFFFFFE00  }
0xb: {  	[tilespmem:s7], [sflag:$0x1] =	stream.indirect.gather [hbm4b:s2+s6], $0x80, s3, s6, $0xb8;
	[tilespmem:$0x5200] =	vst v63  }
0xc: {  	s8 =	simm.s32 $0x80;
	s9 =	simm.s32 $0x2A00;
	s10 =	simm.s32 $0x1  }
0xd: {  	[tilespmem:s9], [sflag:$0x2] =	stream.indirect.gather [hbm4b:s2+s6], $0x80, s8, s6, $0xb8;
	[tilespmem:$0x5200] =	vst v63  }
0xe: {  	_ =	swait.ge [sflag:s10], $0x2800  }
0xf: {  	s20 =	sadd.s32 s12, s11;
	[sflag:s10] =	ssyncset.done $0x0  }
0x10: {  	s12 =	simm.s32 $0x3;
	s11 =	sadd.s32 $0x48200, s20;
	[sflag:s10] =	ssyncadd.s32 $0xFFFFD800  }
0x11: {  	[hbm4b:s11+s3] =	stream.linear.scatter [tilespmem:s7], [sflag:$0x3], $0x2800, $0x38;
	[tilespmem:$0x5200] =	vst v63  }
0x12: {  	_ =	swait.ge [sflag:s12], $0x2800  }
0x13: {  	[sflag:s12] =	ssyncset.done $0x0  }
0x14: {  	s13 =	simm.s32 $0x100;
	s14 =	simm.s32 $0x2;
	[sflag:s12] =	ssyncadd.s32 $0xFFFFD800  }
0x15: {  	[tilespmem:s7], [sflag:$0x1] =	stream.indirect.gather [hbm4b:s2+s6], $0x80, s13, s6, $0xb8;
	[tilespmem:$0x5200] =	vst v63  }
0x16: {  	_ =	swait.ge [sflag:s14], $0x2800  }
0x17: {  	[sflag:s14] =	ssyncset.done $0x0  }
0x18: {  	s15 =	simm.s32 $0x4;
	s16 =	sadd.s32 $0x48700, s20;
	[sflag:s14] =	ssyncadd.s32 $0xFFFFD800  }
0x19: {  	[hbm4b:s16+s3] =	stream.linear.scatter [tilespmem:s9], [sflag:$0x4], $0x2800, $0x38;
	[tilespmem:$0x5200] =	vst v63  }
0x1a: {  	_ =	swait.ge [sflag:s15], $0x2800  }
0x1b: {  	[sflag:s15] =	ssyncset.done $0x0  }
0x1c: {  	s17 =	simm.s32 $0x180;
	[sflag:s15] =	ssyncadd.s32 $0xFFFFD800  }
0x1d: {  	[tilespmem:s9], [sflag:$0x2] =	stream.indirect.gather [hbm4b:s2+s6], $0x80, s17, s6, $0xb8;
	[tilespmem:$0x5200] =	vst v63  }
0x1e: {  	_ =	swait.ge [sflag:s10], $0x2800  }
0x1f: {  	[sflag:s10] =	ssyncset.done $0x0  }
0x20: {  	s19 =	ssub.s32 $0x2, s19;
	s18 =	sadd.s32 $0x48C00, s20;
	[sflag:s10] =	ssyncadd.s32 $0xFFFFD800  }
0x21: {  	[hbm4b:s18+s3] =	stream.linear.scatter [tilespmem:s7], [sflag:$0x3], $0x2800, $0x38;
	[tilespmem:$0x5200] =	vst v63  }
0x22: {  	s21 =	sshrl.u32 s19, $0x1;
	_ =	swait.ge [sflag:s12], $0x2800  }
0x23: {  	s19 =	ssub.s32 s19, s21;
	[sflag:s12] =	ssyncset.done $0x0  }
0x24: {  	s21 =	smax.u32 s19, $0x1;
	[sflag:s12] =	ssyncadd.s32 $0xFFFFD800  }
0x25: {  	p0 =	sne.s32 s21, $0x1;
	_ =	swait.ge [sflag:s14], $0x2800  }
.Ltmp0:
0x26: {  	[sflag:s14] =	ssyncset.done $0x0;
	(pc) =	sbr.rel @!p0 .LBB2_2-.Ltmp0, $4  }
0x27: {  	s19 =	sadd.s32 $0x49100, s20;
	[sflag:s14] =	ssyncadd.s32 $0xFFFFD800  }
0x28: {  	[hbm4b:s19+s3] =	stream.linear.scatter [tilespmem:s9], [sflag:$0x4], $0x2800, $0x38;
	[tilespmem:$0x5200] =	vst v63  }
0x29: {  	_ =	swait.ge [sflag:s15], $0x2800  }
0x2a: {  	s20 =	sadd.s32 $0xFFFFFFFF, s21;
	[sflag:s15] =	ssyncset.done $0x0  }
.LBB2_1:
0x2b: {  	p0 =	sne.s32 s20, $0x1;
	s20 =	sadd.s32 $0xFFFFFFFF, s20;
	[sflag:s15] =	ssyncadd.s32 $0xFFFFD800  }
0x2c: {  	[tilespmem:s3], [sflag:$0x5] =	stream.linear.gather [hbm4b:s4+s3], $0x200, $0x38;
	[tilespmem:$0x5200] =	vst v63  }
0x2d: {  	_ =	swait.ge [sflag:s5], $0x200  }
0x2e: {  	[sflag:s5] =	ssyncset.done $0x0  }
0x2f: {  	[sflag:s5] =	ssyncadd.s32 $0xFFFFFE00  }
0x30: {  	[tilespmem:s7], [sflag:$0x1] =	stream.indirect.gather [hbm4b:s2+s6], $0x80, s3, s6, $0xb8;
	[tilespmem:$0x5200] =	vst v63  }
0x31: {  	_ = 	snop  }
0x32: {  	[tilespmem:s9], [sflag:$0x2] =	stream.indirect.gather [hbm4b:s2+s6], $0x80, s8, s6, $0xb8;
	[tilespmem:$0x5200] =	vst v63  }
0x33: {  	_ =	swait.ge [sflag:s10], $0x2800  }
0x34: {  	[sflag:s10] =	ssyncset.done $0x0  }
0x35: {  	[sflag:s10] =	ssyncadd.s32 $0xFFFFD800  }
0x36: {  	[hbm4b:s11+s3] =	stream.linear.scatter [tilespmem:s7], [sflag:$0x3], $0x2800, $0x38;
	[tilespmem:$0x5200] =	vst v63  }
0x37: {  	_ =	swait.ge [sflag:s12], $0x2800  }
0x38: {  	[sflag:s12] =	ssyncset.done $0x0  }
0x39: {  	[sflag:s12] =	ssyncadd.s32 $0xFFFFD800  }
0x3a: {  	[tilespmem:s7], [sflag:$0x1] =	stream.indirect.gather [hbm4b:s2+s6], $0x80, s13, s6, $0xb8;
	[tilespmem:$0x5200] =	vst v63  }
0x3b: {  	_ =	swait.ge [sflag:s14], $0x2800  }
0x3c: {  	[sflag:s14] =	ssyncset.done $0x0  }
0x3d: {  	[sflag:s14] =	ssyncadd.s32 $0xFFFFD800  }
0x3e: {  	[hbm4b:s16+s3] =	stream.linear.scatter [tilespmem:s9], [sflag:$0x4], $0x2800, $0x38;
	[tilespmem:$0x5200] =	vst v63  }
0x3f: {  	_ =	swait.ge [sflag:s15], $0x2800  }
0x40: {  	[sflag:s15] =	ssyncset.done $0x0  }
0x41: {  	[sflag:s15] =	ssyncadd.s32 $0xFFFFD800  }
0x42: {  	[tilespmem:s9], [sflag:$0x2] =	stream.indirect.gather [hbm4b:s2+s6], $0x80, s17, s6, $0xb8;
	[tilespmem:$0x5200] =	vst v63  }
0x43: {  	_ =	swait.ge [sflag:s10], $0x2800  }
0x44: {  	[sflag:s10] =	ssyncset.done $0x0  }
0x45: {  	[sflag:s10] =	ssyncadd.s32 $0xFFFFD800  }
0x46: {  	[hbm4b:s18+s3] =	stream.linear.scatter [tilespmem:s7], [sflag:$0x3], $0x2800, $0x38;
	[tilespmem:$0x5200] =	vst v63  }
0x47: {  	_ =	swait.ge [sflag:s12], $0x2800  }
0x48: {  	[sflag:s12] =	ssyncset.done $0x0  }
0x49: {  	[sflag:s12] =	ssyncadd.s32 $0xFFFFD800  }
0x4a: {  	_ =	swait.ge [sflag:s14], $0x2800  }
.Ltmp1:
0x4b: {  	[sflag:s14] =	ssyncset.done $0x0;
	(pc) =	sbr.rel @p0 .LBB2_1-.Ltmp1, $4  }
0x4c: {  	[sflag:s14] =	ssyncadd.s32 $0xFFFFD800  }
0x4d: {  	[hbm4b:s19+s3] =	stream.linear.scatter [tilespmem:s9], [sflag:$0x4], $0x2800, $0x38;
	[tilespmem:$0x5200] =	vst v63  }
0x4e: {  	_ =	swait.ge [sflag:s15], $0x2800  }
0x4f: {  	[sflag:s15] =	ssyncset.done $0x0  }
.LBB2_2:
0x50: {  	[sflag:s15] =	ssyncadd.s32 $0xFFFFD800  }
0x51: {  	_ =	sfence.sel $0x180000  }
0x52: {  	[bflag:$0x0] =	sbarrier.arrive $0xFFFF  }
0x53: {  	p0 =	sne.s32 s0, $0x0;
	_ =	strace $0x9000004A  }
0x54: {  	s0 =	sadd.s32 @!p0 $0x100000, s1;
	[bflag:$0x2] =	sbarrier.arrive $0xFFFF  }
0x55: {  	[sflag:s0] =	ssyncadd.tile.s32 @!p0 $0x1;
	_ =	shalt  }
.Lfunc_end2:
_tile_overlayer_lowered:
.L_overlay_start_2:
0x56: {  	(tag) =	ssettag $0x2  }
0x57: {  	s0 =	rddreg [dreg:$0x0];
	s2 =	stileid.u32  }
0x58: {  	s1 =	rddreg [dreg:$0x1];
	p0 =	sne.s32 s2, $0x0  }
0x59: {  	s3 =	rddreg [dreg:$0x2];
	[bflag:$0x3] =	sbarrier.arrive $0xFFFF;
	s2 =	simm.s32 @!p0 $0x1C05  }
0x5a: {  	[timem:s3], [sflag:s2] =	dma.local @!p0 [hbm:s0], s1  }
0x5b: {  	s0 =	simm.s32 @!p0 $0x5  }
0x5c: {  	_ =	swait.ge @!p0 [sflag:s0], s1  }
0x5d: {  	s1 =	ssub.s32 @!p0 $0x0, s1;
	[sflag:s0] =	ssyncset.done @!p0 $0x0  }
0x5e: {  	[sflag:s0] =	ssyncadd.s32 @!p0 s1  }
0x5f: {  	[bflag:$0x3] =	sbarrier.arrive $0xFFFF  }
0x60: {  	_ =	shalt  }

// kernel: kernel.18.cloned.1.call-start
scs
__scs_entry_jumppad:
0x0: {  	(pc) =	sbr.rel $0x88, $3  }
0x1: {  	(tag) =	ssettag $0x0;
	lr =	simm.s32 $0x1  }
0x2: {  	[smem:$0x3F96] =	sst lr;
	_ =	strace $0xD0000000  }
0x3: {  	_ = 	snop  }
0x4: {  	_ = 	snop  }
0x5: {  	_ = 	snop  }
0x6: {  	_ = 	snop  }
0x7: {  	_ = 	snop  }
__scs_overlays_trampoline_lowered:
0x8: {  	[smem:$0x3FA5] =	sst s0  }
0x9: {  	[smem:$0x3FA6] =	sst s1  }
0xa: {  	[smem:$0x3FA7] =	sst s2  }
0xb: {  	[smem:$0x3FA8] =	sst s3  }
0xc: {  	[smem:$0x3FA9] =	sst s4  }
0xd: {  	[smem:$0x3FAA] =	sst s5  }
0xe: {  	[smem:$0x3FAB] =	sst s6  }
0xf: {  	[smem:$0x3FAC] =	sst s7  }
0x10: {  	[smem:$0x3FAD] =	sst s8  }
0x11: {  	[smem:$0x3FAE] =	sst s9;
	s0 =	simm.s32 @!p0 $0x0  }
0x12: {  	s1 =	sld [smem:$0x3F94];
	s0 =	simm.s32 @p0 $0x1  }
0x13: {  	[smem:$0x3FAF] =	sst s0;
	s0 =	simm.s32 @!p1 $0x0  }
0x14: {  	s2 =	sld [smem:$0x3F93];
	s0 =	simm.s32 @p1 $0x1  }
0x15: {  	[smem:$0x3FB0] =	sst s0;
	s0 =	simm.s32 @!p2 $0x0  }
0x16: {  	s3 =	sld [smem:$0x3FDB];
	s0 =	simm.s32 @p2 $0x1  }
0x17: {  	s4 =	simm.s32 $0x1BF5;
	[smem:$0x3FB2] =	sst s0  }
0x18: {  	s0 =	sld [smem:$0x3F95];
	_ =	swait.ge [sflag:s4], $0x0  }
0x19: {  	s7 =	sld [smem:$0x3F96]  }
0x1a: {  	s8 =	sadd.s32 $0xFFFFE003, lr  }
0x1b: {  	s9 =	sadd.s32 $0xFFFFFEF7, lr;
	s5 =	simm.s32 $0xFFFFFFFF;
	p2 =	slt.u32 s8, $0xFFFFF086  }
0x1c: {  	p1 =	slt.u32 s9, $0xF7A;
	s5 =	simm.s32 @!p2 $0x0  }
0x1d: {  	s5 =	simm.s32 @p1 $0x1;
	p0 =	seq.s32 s7, s2  }
0x1e: {  	s7 =	smul.u32 @!p0 $0xF7A, s2;
	p2 =	seq.s32 @!p0 s5, $0x0  }
0x1f: {  	s9 =	smul.u32 $0xF7A, s1;
	s8 =	simm.s32 @!p0 $0x1BF5;
	p2 =	por !p2, p0  }
0x20: {  	[sflag:s8] =	ssyncset.s32 @!p0 $0xFFFFF086;
	s6 =	sadd.s32 @!p0 s3, s7;
	s7 =	simm.s32 @!p0 $0x108  }
0x21: {  	s3 =	sadd.s32 s3, s9;
	s6 =	sadd.s32 @!p0 $0x88, s6;
	s7 =	simm.s32 @p2 $0x1082  }
0x22: {  	[simem:s7], [sflag:s8] =	dma.local @!p0 [hbm:s6], $0xF7A  }
0x23: {  	s9 =	sor.u32 $0xD0000000, s2;
	s6 =	simm.s32 $0x108;
	_ =	swait.ge @!p0 [sflag:s8], $0x0  }
0x24: {  	s3 =	sadd.s32 $0x88, s3;
	s6 =	simm.s32 @!p1 $0x1082;
	[sflag:s4] =	ssyncset.s32 $0xFFFFF086  }
0x25: {  	[simem:s6], [sflag:s4] =	dma.local [hbm:s3], $0xF7A  }
0x26: {  	[smem:$0x3F96] =	sst s1;
	(tag) =	ssettag s2;
	_ =	strace s9  }
0x27: {  	s1 =	sld [smem:$0x3FA6]  }
0x28: {  	s2 =	sld [smem:$0x3FA7]  }
0x29: {  	s4 =	sld [smem:$0x3FA9]  }
0x2a: {  	p0 =	seq.s32 s5, $0x0;
	s5 =	sld [smem:$0x3FAA]  }
0x2b: {  	s6 =	sld [smem:$0x3FAB]  }
0x2c: {  	s7 =	sld [smem:$0x3FAC]  }
0x2d: {  	s3 =	simm.s32 $0x108;
	s8 =	sld [smem:$0x3FAD]  }
0x2e: {  	s3 =	simm.s32 @!p0 $0x1082;
	s9 =	sld [smem:$0x3FAE]  }
0x2f: {  	lr =	sadd.s32 s0, s3;
	s0 =	sld [smem:$0x3FA5]  }
0x30: {  	s3 =	sld [smem:$0x3FA8]  }
0x31: {  	[smem:$0x3FB1] =	sst s10  }
0x32: {  	s10 =	sld [smem:$0x3FAF];
	_ =	sdelay $0x3  }
0x33: {  	p0 =	seq.s32 s10, $0x1;
	s10 =	sld [smem:$0x3FB1];
	_ =	sdelay $0x3  }
0x34: {  	[smem:$0x3FB1] =	sst s10  }
0x35: {  	s10 =	sld [smem:$0x3FB0];
	_ =	sdelay $0x3  }
0x36: {  	p1 =	seq.s32 s10, $0x1;
	s10 =	sld [smem:$0x3FB1];
	_ =	sdelay $0x3  }
0x37: {  	[smem:$0x3FB1] =	sst s10  }
0x38: {  	s10 =	sld [smem:$0x3FB2]  }
0x39: {  	_ = 	snop;
	(pc) =	sbr.ind lr, $3  }
0x3a: {  	_ = 	snop  }
0x3b: {  	_ = 	snop  }
0x3c: {  	p2 =	seq.s32 s10, $0x1;
	s10 =	sld [smem:$0x3FB1]  }
0x3d: {  	_ =	shalt  }
0x3e: {  	_ =	shalt  }
0x3f: {  	_ =	shalt  }
0x40: {  	_ =	shalt  }
0x41: {  	_ =	shalt  }
0x42: {  	_ =	shalt  }
0x43: {  	_ =	shalt  }
0x44: {  	_ =	shalt  }
0x45: {  	_ =	shalt  }
0x46: {  	_ =	shalt  }
0x47: {  	_ =	shalt  }
0x48: {  	_ =	shalt  }
0x49: {  	_ =	shalt  }
0x4a: {  	_ =	shalt  }
0x4b: {  	_ =	shalt  }
0x4c: {  	_ =	shalt  }
0x4d: {  	_ =	shalt  }
0x4e: {  	_ =	shalt  }
0x4f: {  	_ =	shalt  }
0x50: {  	_ =	shalt  }
0x51: {  	_ =	shalt  }
0x52: {  	_ =	shalt  }
0x53: {  	_ =	shalt  }
0x54: {  	_ =	shalt  }
0x55: {  	_ =	shalt  }
0x56: {  	_ =	shalt  }
0x57: {  	_ =	shalt  }
0x58: {  	_ =	shalt  }
0x59: {  	_ =	shalt  }
0x5a: {  	_ =	shalt  }
0x5b: {  	_ =	shalt  }
0x5c: {  	_ =	shalt  }
0x5d: {  	_ =	shalt  }
0x5e: {  	_ =	shalt  }
0x5f: {  	_ =	shalt  }
0x60: {  	_ =	shalt  }
0x61: {  	_ =	shalt  }
0x62: {  	_ =	shalt  }
0x63: {  	_ =	shalt  }
0x64: {  	_ =	shalt  }
0x65: {  	_ =	shalt  }
0x66: {  	_ =	shalt  }
0x67: {  	_ =	shalt  }
0x68: {  	_ =	shalt  }
0x69: {  	_ =	shalt  }
0x6a: {  	_ =	shalt  }
0x6b: {  	_ =	shalt  }
0x6c: {  	_ =	shalt  }
0x6d: {  	_ =	shalt  }
0x6e: {  	_ =	shalt  }
0x6f: {  	_ =	shalt  }
0x70: {  	_ =	shalt  }
0x71: {  	_ =	shalt  }
0x72: {  	_ =	shalt  }
0x73: {  	_ =	shalt  }
0x74: {  	_ =	shalt  }
0x75: {  	_ =	shalt  }
0x76: {  	_ =	shalt  }
0x77: {  	_ =	shalt  }
0x78: {  	_ =	shalt  }
0x79: {  	_ =	shalt  }
0x7a: {  	_ =	shalt  }
0x7b: {  	_ =	shalt  }
0x7c: {  	_ =	shalt  }
0x7d: {  	_ =	shalt  }
0x7e: {  	_ =	shalt  }
0x7f: {  	_ =	shalt  }
0x80: {  	_ =	shalt  }
0x81: {  	_ =	shalt  }
0x82: {  	_ =	shalt  }
0x83: {  	_ =	shalt  }
0x84: {  	_ =	shalt  }
0x85: {  	_ =	shalt  }
0x86: {  	_ =	shalt  }
0x87: {  	_ =	shalt  }
.Lfunc_end0:
.L_simem_size_0:
called_computation.2_lowered:
.L_overlay_start_0:
0x88: {  	s2 =	sld [smem:$0x3FD9]  }
0x89: {  	s3 =	sld [smem:$0x3FFE];
	_ =	sdelay $0x1  }
0x8a: {  	s1 =	srdreg.scid  }
0x8b: {  	s0 =	sand.u32 $0x1, s1  }
0x8c: {  	s16 =	sshll.u32 s0, $0xA;
	s2 =	sadd.s32 s3, s2  }
0x8d: {  	s2 =	sadd.s32 s2, s16  }
0x8e: {  	[smem:$0x3FBD] =	sst s2  }
0x8f: {  	_ = 	snop  }
0x90: {  	(tm) =	ssettm $0x1  }
0x91: {  	s17 =	sld [smem:$0x3FFB];
	_ =	sdelay $0x3  }
0x92: {  	_ =	strace s17  }
0x93: {  	s2 =	sld [smem:$0x3FFC];
	_ =	sdelay $0x3  }
0x94: {  	_ =	strace s2  }
0x95: {  	s2 =	sld [smem:$0x3FFD];
	_ =	sdelay $0x3  }
0x96: {  	_ =	strace s2  }
0x97: {  	_ =	strace $0x8FFFFFFF  }
0x98: {  	s18 =	sld [smem:$0x3FDB];
	_ =	sdelay $0x1  }
0x99: {  	s19 =	simm.s32 $_scs_section_size  }
0x9a: {  	s4 =	simm.s32 $_size__tile_overlayer_lowered;
	s5 =	simm.s32 $_tile_overlayer_lowered  }
0x9b: {  	s22 =	simm.s32 $0x1BFF;
	s21 =	sshll.u32 s5, $0x1;
	s2 =	sadd.s32 s19, s18  }
0x9c: {  	s6 =	simm.s32 $0x0;
	s20 =	sshll.u32 s4, $0x1;
	s4 =	sadd.s32 s21, s2  }
0x9d: {  	[timem:s6], [sflag:s22] =	dma.local [hbm:s4], s20  }
0x9e: {  	_ =	swait.ge [sflag:s22], s20  }
0x9f: {  	s3 =	ssub.s32 $0x0, s20;
	[sflag:s22] =	ssyncset.done $0x0  }
0xa0: {  	[sflag:s22] =	ssyncadd.s32 s3;
	_ =	sdelay $0x1  }
0xa1: {  	s23 =	simm.s32 $0x1B8B  }
0xa2: {  	_ =	swait.ge [sflag:s23], $0x1  }
0xa3: {  	[sflag:s23] =	ssyncset.done $0x0  }
0xa4: {  	s25 =	simm.s32 $0x1B8E;
	s24 =	sld [smem:$0x3FFE];
	[sflag:s23] =	ssyncadd.s32 $0xFFFFFFFF  }
0xa5: {  	s26 =	simm.s32 $execute0_lowered;
	[smem:$0x3FD2] =	sst s25  }
0xa6: {  	s4 =	sshll.u32 s26, $0x1;
	_ =	strace $0x8000004C;
	[dreg:$0x1] =	wrdreg $0xFFFFFFFF  }
0xa7: {  	s28 =	simm.s32 $_size_execute0_lowered;
	s2 =	sadd.s32 s2, s4;
	[dreg:$0x0] =	wrdreg $0x0  }
0xa8: {  	s4 =	sshll.u32 s28, $0x1;
	[dreg:$0x2] =	wrdreg s2  }
0xa9: {  	[dreg:$0x3] =	wrdreg s4  }
0xaa: {  	[dreg:$0x4] =	wrdreg $0xC0  }
0xab: {  	_ =	task [dreg:s6], $0x5FFFF  }
0xac: {  	[dreg:$0x1] =	wrdreg $0xFFFFFFFF  }
0xad: {  	[dreg:$0x0] =	wrdreg $0x60  }
0xae: {  	[dreg:$0x2] =	wrdreg s24  }
0xaf: {  	[dreg:$0x3] =	wrdreg $0x9  }
0xb0: {  	_ =	task.clear_ibuf [dreg:s6], $0x4FFFF;
	_ =	strace $0x9000004C  }
0xb1: {  	s29 =	simm.s32 $0x9;
	_ =	strace $0x8000004E  }
0xb2: {  	_ =	swait.ge [sflag:s29], $0x1  }
0xb3: {  	[sflag:s29] =	ssyncadd.s32 $0xFFFFFFFF  }
0xb4: {  	_ =	strace $0x9000004E  }
0xb5: {  	_ =	sfence  }
0xb6: {  	s30 =	sld [smem:$0x0];
	_ =	sdelay $0x2  }
0xb7: {  	s31 =	sshll.u32 s1, $0xD;
	s1 =	sshrl.u32 s1, $0x2  }
0xb8: {  	s3 =	sand.u32 $0x4000, s31;
	s1 =	sadd.s32 s1, s30  }
0xb9: {  	s0 =	sor.u32 s3, s0;
	s1 =	sshll.u32 s1, $0x11  }
0xba: {  	s0 =	sor.u32 s1, s0  }
0xbb: {  	s0 =	sadd.s32 $0x8F2B, s0  }
0xbc: {  	[sflag:s0] =	ssyncadd.remote.s32 $0x1  }
0xbd: {  	_ =	sfence.sel $0xFFFF  }
0xbe: {  	[dreg:$0x0] =	wrdreg $0xFFFFFFFF;
	(pc) =	sbr.abs _section_cstart, $3  }
0xbf: {  	[dreg:$0x1] =	wrdreg $0xFFFFFFFF  }
0xc0: {  	_ =	task.clear_ibuf [dreg:s6], $0x2FFFF;
	_ =	strace $0x9FFFFFFF  }
0xc1: {  	(tm) =	ssettm $0x7FFFFFFF  }
tec
execute0_lowered:
.L_overlay_start_1:
0x0: {  	(tag) =	ssettag $0x1  }
0x1: {  	s4 =	rddreg [dreg:$0x0]  }
0x2: {  	s0 =	rddreg [dreg:$0x1]  }
0x3: {  	s2 =	simm.s32 $0x0;
	s3 =	srdreg.scid;
	s1 =	stileid.u32  }
0x4: {  	s12 =	simm.s32 $0x4000;
	s13 =	simm.s32 $0x80;
	s14 =	simm.s32 $0x6800  }
0x5: {  	s15 =	simm.s32 $0x1;
	s16 =	simm.s32 $0x3;
	s17 =	simm.s32 $0x100  }
0x6: {  	s18 =	simm.s32 $0x2;
	s19 =	simm.s32 $0x4;
	s20 =	simm.s32 $0x0  }
0x7: {  	[smem:$0x7FF] =	sst s2;
	s7 =	sand.u32 $0x1, s3;
	s5 =	sshll.u32 s1, $0x1  }
0x8: {  	s3 =	sadd.s32 $0x48200, s4;
	s10 =	sadd.s32 $0x70200, s4;
	s30 =	smul.u32 $0x4E200, s1  }
0x9: {  	_ =	strace $0x8000004D;
	s5 =	sor.u32 s7, s5;
	s31 =	smul.u32 $0x27100, s7  }
0xa: {  	s8 =	ssub.s32 $0x2, s7;
	s6 =	sshll.u32 s5, $0xB;
	s9 =	smul.u32 $0x138800, s5  }
0xb: {  	s28 =	sshrl.u32 s8, $0x1;
	s11 =	smul.u32 $0x27100, s5;
	s6 =	sadd.s32 s6, s4  }
0xc: {  	s8 =	ssub.s32 s8, s28;
	s9 =	sshrl.u32 s9, $0x3;
	s4 =	sadd.s32 $0xC600, s6  }
0xd: {  	s6 =	sadd.s32 s10, s11;
	s7 =	smax.u32 s8, $0x1;
	s11 =	simm.s32 $0x50  }
0xe: {  	s29 =	sadd.s32 s10, s9;
	s8 =	sadd.s32 $0x500, s6;
	s9 =	sadd.s32 s30, s10  }
0xf: {  	s10 =	simm.s32 $0x5;
	s5 =	sadd.s32 $0x26C00, s29;
	s9 =	sadd.s32 s31, s9  }
.LBB2_1:
0x10: {  	[tilespmem:s2], [sflag:$0x5] =	stream.linear.gather [hbm4b:s4+s2], $0x3E80, $0x38;
	[tilespmem:$0x9000] =	vst v63  }
0x11: {  	_ =	swait.ge [sflag:s10], $0x3E80  }
0x12: {  	[sflag:s10] =	ssyncset.done $0x0  }
0x13: {  	[sflag:s10] =	ssyncadd.s32 $0xFFFFC180  }
0x14: {  	[tilespmem:s12], [sflag:$0x1] =	stream.indirect.gather [hbm4b:s3+s11], $0x80, s2, s11, $0xb8;
	[tilespmem:$0x9000] =	vst v63  }
0x15: {  	_ = 	snop  }
0x16: {  	[tilespmem:s14], [sflag:$0x2] =	stream.indirect.gather [hbm4b:s3+s11], $0x80, s13, s11, $0xb8;
	[tilespmem:$0x9000] =	vst v63  }
0x17: {  	_ =	swait.ge [sflag:s15], $0x2800  }
0x18: {  	[sflag:s15] =	ssyncset.done $0x0  }
0x19: {  	[sflag:s15] =	ssyncadd.s32 $0xFFFFD800  }
0x1a: {  	[hbm4b:s6+s2] =	stream.linear.scatter [tilespmem:s12], [sflag:$0x3], $0x2800, $0x38;
	[tilespmem:$0x9000] =	vst v63  }
0x1b: {  	_ =	swait.ge [sflag:s16], $0x2800  }
0x1c: {  	[sflag:s16] =	ssyncset.done $0x0  }
0x1d: {  	[sflag:s16] =	ssyncadd.s32 $0xFFFFD800  }
0x1e: {  	[tilespmem:s12], [sflag:$0x1] =	stream.indirect.gather [hbm4b:s3+s11], $0x80, s17, s11, $0xb8;
	[tilespmem:$0x9000] =	vst v63  }
0x1f: {  	_ =	swait.ge [sflag:s18], $0x2800  }
0x20: {  	[sflag:s18] =	ssyncset.done $0x0  }
0x21: {  	[sflag:s18] =	ssyncadd.s32 $0xFFFFD800  }
0x22: {  	[hbm4b:s8+s2] =	stream.linear.scatter [tilespmem:s14], [sflag:$0x4], $0x2800, $0x38;
	[tilespmem:$0x9000] =	vst v63  }
0x23: {  	_ =	swait.ge [sflag:s19], $0x2800  }
0x24: {  	[sflag:s19] =	ssyncset.done $0x0  }
0x25: {  	s21 =	simm.s32 $0x180;
	[sflag:s19] =	ssyncadd.s32 $0xFFFFD800  }
0x26: {  	[tilespmem:s14], [sflag:$0x2] =	stream.indirect.gather [hbm4b:s3+s11], $0x80, s21, s11, $0xb8;
	[tilespmem:$0x9000] =	vst v63  }
0x27: {  	_ =	swait.ge [sflag:s15], $0x2800  }
0x28: {  	s22 =	sadd.s32 $0x0, s9;
	[sflag:s15] =	ssyncset.done $0x0  }
0x29: {  	s30 =	sadd.s32 $0xA00, s22;
	[sflag:s15] =	ssyncadd.s32 $0xFFFFD800  }
0x2a: {  	[hbm4b:s30+s2] =	stream.linear.scatter [tilespmem:s12], [sflag:$0x3], $0x2800, $0x38;
	[tilespmem:$0x9000] =	vst v63  }
0x2b: {  	_ =	swait.ge [sflag:s16], $0x2800  }
0x2c: {  	[sflag:s16] =	ssyncset.done $0x0  }
0x2d: {  	s31 =	simm.s32 $0x200;
	[sflag:s16] =	ssyncadd.s32 $0xFFFFD800  }
0x2e: {  	[tilespmem:s12], [sflag:$0x1] =	stream.indirect.gather [hbm4b:s3+s11], $0x80, s31, s11, $0xb8;
	[tilespmem:$0x9000] =	vst v63  }
0x2f: {  	_ =	swait.ge [sflag:s18], $0x2800  }
0x30: {  	s23 =	sadd.s32 $0xF00, s22;
	[sflag:s18] =	ssyncset.done $0x0  }
0x31: {  	s22 =	simm.s32 $0x280;
	s21 =	simm.s32 $0xA00;
	[sflag:s18] =	ssyncadd.s32 $0xFFFFD800  }
.LBB2_2:
0x32: {  	[hbm4b:s23+s2] =	stream.linear.scatter [tilespmem:s14], [sflag:$0x4], $0x2800, $0x38;
	[tilespmem:$0x9000] =	vst v63  }
0x33: {  	s23 =	smov.u32 s21  }
0x34: {  	p0 =	sne.s32 s21, $0x25800;
	s21 =	sadd.s32 $0xA00, s21;
	_ =	swait.ge [sflag:s19], $0x2800  }
0x35: {  	[sflag:s19] =	ssyncset.done $0x0  }
0x36: {  	[sflag:s19] =	ssyncadd.s32 $0xFFFFD800  }
0x37: {  	[tilespmem:s14], [sflag:$0x2] =	stream.indirect.gather [hbm4b:s3+s11], $0x80, s22, s11, $0xb8;
	[tilespmem:$0x9000] =	vst v63  }
0x38: {  	_ =	swait.ge [sflag:s15], $0x2800  }
0x39: {  	s23 =	sadd.s32 s23, s9;
	[sflag:s15] =	ssyncset.done $0x0  }
0x3a: {  	s24 =	sadd.s32 $0xA00, s23;
	[sflag:s15] =	ssyncadd.s32 $0xFFFFD800  }
0x3b: {  	[hbm4b:s24+s2] =	stream.linear.scatter [tilespmem:s12], [sflag:$0x3], $0x2800, $0x38;
	[tilespmem:$0x9000] =	vst v63  }
0x3c: {  	_ =	swait.ge [sflag:s16], $0x2800  }
0x3d: {  	[sflag:s16] =	ssyncset.done $0x0  }
.Ltmp0:
0x3e: {  	s24 =	sadd.s32 $0x80, s22;
	[sflag:s16] =	ssyncadd.s32 $0xFFFFD800;
	(pc) =	sbr.rel @p0 .LBB2_2-.Ltmp0, $4  }
0x3f: {  	[tilespmem:s12], [sflag:$0x1] =	stream.indirect.gather [hbm4b:s3+s11], $0x80, s24, s11, $0xb8;
	[tilespmem:$0x9000] =	vst v63  }
0x40: {  	_ =	swait.ge [sflag:s18], $0x2800  }
0x41: {  	[sflag:s18] =	ssyncset.done $0x0  }
0x42: {  	s23 =	sadd.s32 $0xF00, s23;
	s22 =	sadd.s32 $0x100, s22;
	[sflag:s18] =	ssyncadd.s32 $0xFFFFD800  }
0x43: {  	[hbm4b:s23+s2] =	stream.linear.scatter [tilespmem:s14], [sflag:$0x4], $0x2800, $0x38;
	[tilespmem:$0x9000] =	vst v63  }
0x44: {  	_ =	swait.ge [sflag:s19], $0x2800  }
0x45: {  	[sflag:s19] =	ssyncset.done $0x0  }
0x46: {  	[sflag:s19] =	ssyncadd.s32 $0xFFFFD800  }
0x47: {  	s20 =	sadd.s32 $0x1, s20;
	_ =	swait.ge [sflag:s15], $0x2800  }
0x48: {  	p0 =	sne.s32 s20, s7;
	[sflag:s15] =	ssyncset.done $0x0  }
.Ltmp1:
0x49: {  	[sflag:s15] =	ssyncadd.s32 $0xFFFFD800;
	(pc) =	sbr.rel @p0 .LBB2_1-.Ltmp1, $4  }
0x4a: {  	[hbm4b:s5+s2] =	stream.linear.scatter [tilespmem:s12], [sflag:$0x5], $0x2800, $0x38;
	[tilespmem:$0x9000] =	vst v63  }
0x4b: {  	_ =	swait.ge [sflag:s10], $0x2800  }
0x4c: {  	[sflag:s10] =	ssyncset.done $0x0  }
0x4d: {  	[sflag:s10] =	ssyncadd.s32 $0xFFFFD800  }
0x4e: {  	_ =	sfence.sel $0x180000  }
0x4f: {  	[bflag:$0x0] =	sbarrier.arrive $0xFFFF  }
0x50: {  	p0 =	sne.s32 s1, $0x0;
	_ =	strace $0x9000004D  }
0x51: {  	s0 =	sadd.s32 @!p0 $0x100000, s0;
	[bflag:$0x2] =	sbarrier.arrive $0xFFFF  }
0x52: {  	[sflag:s0] =	ssyncadd.tile.s32 @!p0 $0x1;
	_ =	shalt  }
.Lfunc_end2:
_tile_overlayer_lowered:
.L_overlay_start_2:
0x53: {  	(tag) =	ssettag $0x2  }
0x54: {  	s0 =	rddreg [dreg:$0x0];
	s2 =	stileid.u32  }
0x55: {  	s1 =	rddreg [dreg:$0x1];
	p0 =	sne.s32 s2, $0x0  }
0x56: {  	s3 =	rddreg [dreg:$0x2];
	[bflag:$0x3] =	sbarrier.arrive $0xFFFF;
	s2 =	simm.s32 @!p0 $0x1C05  }
0x57: {  	[timem:s3], [sflag:s2] =	dma.local @!p0 [hbm:s0], s1  }
0x58: {  	s0 =	simm.s32 @!p0 $0x5  }
0x59: {  	_ =	swait.ge @!p0 [sflag:s0], s1  }
0x5a: {  	s1 =	ssub.s32 @!p0 $0x0, s1;
	[sflag:s0] =	ssyncset.done @!p0 $0x0  }
0x5b: {  	[sflag:s0] =	ssyncadd.s32 @!p0 s1  }
0x5c: {  	[bflag:$0x3] =	sbarrier.arrive $0xFFFF  }
0x5d: {  	_ =	shalt  }

// kernel: kernel.21.cloned.1.call-start
scs
__scs_entry_jumppad:
0x0: {  	(pc) =	sbr.rel $0x88, $3  }
0x1: {  	(tag) =	ssettag $0x0;
	lr =	simm.s32 $0x1  }
0x2: {  	[smem:$0x3F96] =	sst lr;
	_ =	strace $0xD0000000  }
0x3: {  	_ = 	snop  }
0x4: {  	_ = 	snop  }
0x5: {  	_ = 	snop  }
0x6: {  	_ = 	snop  }
0x7: {  	_ = 	snop  }
__scs_overlays_trampoline_lowered:
0x8: {  	[smem:$0x3FA5] =	sst s0  }
0x9: {  	[smem:$0x3FA6] =	sst s1  }
0xa: {  	[smem:$0x3FA7] =	sst s2  }
0xb: {  	[smem:$0x3FA8] =	sst s3  }
0xc: {  	[smem:$0x3FA9] =	sst s4  }
0xd: {  	[smem:$0x3FAA] =	sst s5  }
0xe: {  	[smem:$0x3FAB] =	sst s6  }
0xf: {  	[smem:$0x3FAC] =	sst s7  }
0x10: {  	[smem:$0x3FAD] =	sst s8  }
0x11: {  	[smem:$0x3FAE] =	sst s9;
	s0 =	simm.s32 @!p0 $0x0  }
0x12: {  	s1 =	sld [smem:$0x3F94];
	s0 =	simm.s32 @p0 $0x1  }
0x13: {  	[smem:$0x3FAF] =	sst s0;
	s0 =	simm.s32 @!p1 $0x0  }
0x14: {  	s2 =	sld [smem:$0x3F93];
	s0 =	simm.s32 @p1 $0x1  }
0x15: {  	[smem:$0x3FB0] =	sst s0;
	s0 =	simm.s32 @!p2 $0x0  }
0x16: {  	s3 =	sld [smem:$0x3FDB];
	s0 =	simm.s32 @p2 $0x1  }
0x17: {  	s4 =	simm.s32 $0x1BF5;
	[smem:$0x3FB2] =	sst s0  }
0x18: {  	s0 =	sld [smem:$0x3F95];
	_ =	swait.ge [sflag:s4], $0x0  }
0x19: {  	s7 =	sld [smem:$0x3F96]  }
0x1a: {  	s8 =	sadd.s32 $0xFFFFE003, lr  }
0x1b: {  	s9 =	sadd.s32 $0xFFFFFEF7, lr;
	s5 =	simm.s32 $0xFFFFFFFF;
	p2 =	slt.u32 s8, $0xFFFFF086  }
0x1c: {  	p1 =	slt.u32 s9, $0xF7A;
	s5 =	simm.s32 @!p2 $0x0  }
0x1d: {  	s5 =	simm.s32 @p1 $0x1;
	p0 =	seq.s32 s7, s2  }
0x1e: {  	s7 =	smul.u32 @!p0 $0xF7A, s2;
	p2 =	seq.s32 @!p0 s5, $0x0  }
0x1f: {  	s9 =	smul.u32 $0xF7A, s1;
	s8 =	simm.s32 @!p0 $0x1BF5;
	p2 =	por !p2, p0  }
0x20: {  	[sflag:s8] =	ssyncset.s32 @!p0 $0xFFFFF086;
	s6 =	sadd.s32 @!p0 s3, s7;
	s7 =	simm.s32 @!p0 $0x108  }
0x21: {  	s3 =	sadd.s32 s3, s9;
	s6 =	sadd.s32 @!p0 $0x88, s6;
	s7 =	simm.s32 @p2 $0x1082  }
0x22: {  	[simem:s7], [sflag:s8] =	dma.local @!p0 [hbm:s6], $0xF7A  }
0x23: {  	s9 =	sor.u32 $0xD0000000, s2;
	s6 =	simm.s32 $0x108;
	_ =	swait.ge @!p0 [sflag:s8], $0x0  }
0x24: {  	s3 =	sadd.s32 $0x88, s3;
	s6 =	simm.s32 @!p1 $0x1082;
	[sflag:s4] =	ssyncset.s32 $0xFFFFF086  }
0x25: {  	[simem:s6], [sflag:s4] =	dma.local [hbm:s3], $0xF7A  }
0x26: {  	[smem:$0x3F96] =	sst s1;
	(tag) =	ssettag s2;
	_ =	strace s9  }
0x27: {  	s1 =	sld [smem:$0x3FA6]  }
0x28: {  	s2 =	sld [smem:$0x3FA7]  }
0x29: {  	s4 =	sld [smem:$0x3FA9]  }
0x2a: {  	p0 =	seq.s32 s5, $0x0;
	s5 =	sld [smem:$0x3FAA]  }
0x2b: {  	s6 =	sld [smem:$0x3FAB]  }
0x2c: {  	s7 =	sld [smem:$0x3FAC]  }
0x2d: {  	s3 =	simm.s32 $0x108;
	s8 =	sld [smem:$0x3FAD]  }
0x2e: {  	s3 =	simm.s32 @!p0 $0x1082;
	s9 =	sld [smem:$0x3FAE]  }
0x2f: {  	lr =	sadd.s32 s0, s3;
	s0 =	sld [smem:$0x3FA5]  }
0x30: {  	s3 =	sld [smem:$0x3FA8]  }
0x31: {  	[smem:$0x3FB1] =	sst s10  }
0x32: {  	s10 =	sld [smem:$0x3FAF];
	_ =	sdelay $0x3  }
0x33: {  	p0 =	seq.s32 s10, $0x1;
	s10 =	sld [smem:$0x3FB1];
	_ =	sdelay $0x3  }
0x34: {  	[smem:$0x3FB1] =	sst s10  }
0x35: {  	s10 =	sld [smem:$0x3FB0];
	_ =	sdelay $0x3  }
0x36: {  	p1 =	seq.s32 s10, $0x1;
	s10 =	sld [smem:$0x3FB1];
	_ =	sdelay $0x3  }
0x37: {  	[smem:$0x3FB1] =	sst s10  }
0x38: {  	s10 =	sld [smem:$0x3FB2]  }
0x39: {  	_ = 	snop;
	(pc) =	sbr.ind lr, $3  }
0x3a: {  	_ = 	snop  }
0x3b: {  	_ = 	snop  }
0x3c: {  	p2 =	seq.s32 s10, $0x1;
	s10 =	sld [smem:$0x3FB1]  }
0x3d: {  	_ =	shalt  }
0x3e: {  	_ =	shalt  }
0x3f: {  	_ =	shalt  }
0x40: {  	_ =	shalt  }
0x41: {  	_ =	shalt  }
0x42: {  	_ =	shalt  }
0x43: {  	_ =	shalt  }
0x44: {  	_ =	shalt  }
0x45: {  	_ =	shalt  }
0x46: {  	_ =	shalt  }
0x47: {  	_ =	shalt  }
0x48: {  	_ =	shalt  }
0x49: {  	_ =	shalt  }
0x4a: {  	_ =	shalt  }
0x4b: {  	_ =	shalt  }
0x4c: {  	_ =	shalt  }
0x4d: {  	_ =	shalt  }
0x4e: {  	_ =	shalt  }
0x4f: {  	_ =	shalt  }
0x50: {  	_ =	shalt  }
0x51: {  	_ =	shalt  }
0x52: {  	_ =	shalt  }
0x53: {  	_ =	shalt  }
0x54: {  	_ =	shalt  }
0x55: {  	_ =	shalt  }
0x56: {  	_ =	shalt  }
0x57: {  	_ =	shalt  }
0x58: {  	_ =	shalt  }
0x59: {  	_ =	shalt  }
0x5a: {  	_ =	shalt  }
0x5b: {  	_ =	shalt  }
0x5c: {  	_ =	shalt  }
0x5d: {  	_ =	shalt  }
0x5e: {  	_ =	shalt  }
0x5f: {  	_ =	shalt  }
0x60: {  	_ =	shalt  }
0x61: {  	_ =	shalt  }
0x62: {  	_ =	shalt  }
0x63: {  	_ =	shalt  }
0x64: {  	_ =	shalt  }
0x65: {  	_ =	shalt  }
0x66: {  	_ =	shalt  }
0x67: {  	_ =	shalt  }
0x68: {  	_ =	shalt  }
0x69: {  	_ =	shalt  }
0x6a: {  	_ =	shalt  }
0x6b: {  	_ =	shalt  }
0x6c: {  	_ =	shalt  }
0x6d: {  	_ =	shalt  }
0x6e: {  	_ =	shalt  }
0x6f: {  	_ =	shalt  }
0x70: {  	_ =	shalt  }
0x71: {  	_ =	shalt  }
0x72: {  	_ =	shalt  }
0x73: {  	_ =	shalt  }
0x74: {  	_ =	shalt  }
0x75: {  	_ =	shalt  }
0x76: {  	_ =	shalt  }
0x77: {  	_ =	shalt  }
0x78: {  	_ =	shalt  }
0x79: {  	_ =	shalt  }
0x7a: {  	_ =	shalt  }
0x7b: {  	_ =	shalt  }
0x7c: {  	_ =	shalt  }
0x7d: {  	_ =	shalt  }
0x7e: {  	_ =	shalt  }
0x7f: {  	_ =	shalt  }
0x80: {  	_ =	shalt  }
0x81: {  	_ =	shalt  }
0x82: {  	_ =	shalt  }
0x83: {  	_ =	shalt  }
0x84: {  	_ =	shalt  }
0x85: {  	_ =	shalt  }
0x86: {  	_ =	shalt  }
0x87: {  	_ =	shalt  }
.Lfunc_end0:
.L_simem_size_0:
called_computation.3_lowered:
.L_overlay_start_0:
0x88: {  	s2 =	sld [smem:$0x3FD9]  }
0x89: {  	s3 =	sld [smem:$0x3FFE];
	_ =	sdelay $0x1  }
0x8a: {  	s1 =	srdreg.scid  }
0x8b: {  	s0 =	sand.u32 $0x1, s1  }
0x8c: {  	s16 =	sshll.u32 s0, $0xA;
	s2 =	sadd.s32 s3, s2  }
0x8d: {  	s2 =	sadd.s32 s2, s16  }
0x8e: {  	[smem:$0x3FBD] =	sst s2  }
0x8f: {  	_ = 	snop  }
0x90: {  	(tm) =	ssettm $0x1  }
0x91: {  	s17 =	sld [smem:$0x3FFB];
	_ =	sdelay $0x3  }
0x92: {  	_ =	strace s17  }
0x93: {  	s2 =	sld [smem:$0x3FFC];
	_ =	sdelay $0x3  }
0x94: {  	_ =	strace s2  }
0x95: {  	s2 =	sld [smem:$0x3FFD];
	_ =	sdelay $0x3  }
0x96: {  	_ =	strace s2  }
0x97: {  	_ =	strace $0x8FFFFFFF  }
0x98: {  	s18 =	sld [smem:$0x3FDB];
	_ =	sdelay $0x1  }
0x99: {  	s19 =	simm.s32 $_scs_section_size  }
0x9a: {  	s4 =	simm.s32 $_size__tile_overlayer_lowered;
	s5 =	simm.s32 $_tile_overlayer_lowered  }
0x9b: {  	s22 =	simm.s32 $0x1BFF;
	s21 =	sshll.u32 s5, $0x1;
	s2 =	sadd.s32 s19, s18  }
0x9c: {  	s6 =	simm.s32 $0x0;
	s20 =	sshll.u32 s4, $0x1;
	s4 =	sadd.s32 s21, s2  }
0x9d: {  	[timem:s6], [sflag:s22] =	dma.local [hbm:s4], s20  }
0x9e: {  	_ =	swait.ge [sflag:s22], s20  }
0x9f: {  	s3 =	ssub.s32 $0x0, s20;
	[sflag:s22] =	ssyncset.done $0x0  }
0xa0: {  	[sflag:s22] =	ssyncadd.s32 s3;
	_ =	sdelay $0x1  }
0xa1: {  	s23 =	simm.s32 $0x1B8B  }
0xa2: {  	_ =	swait.ge [sflag:s23], $0x1  }
0xa3: {  	[sflag:s23] =	ssyncset.done $0x0  }
0xa4: {  	s25 =	simm.s32 $0x1B8E;
	s24 =	sld [smem:$0x3FFE];
	[sflag:s23] =	ssyncadd.s32 $0xFFFFFFFF  }
0xa5: {  	s26 =	simm.s32 $execute0_lowered;
	[smem:$0x3FD2] =	sst s25  }
0xa6: {  	s4 =	sshll.u32 s26, $0x1;
	_ =	strace $0x8000004F;
	[dreg:$0x1] =	wrdreg $0xFFFFFFFF  }
0xa7: {  	s28 =	simm.s32 $_size_execute0_lowered;
	s2 =	sadd.s32 s2, s4;
	[dreg:$0x0] =	wrdreg $0x0  }
0xa8: {  	s4 =	sshll.u32 s28, $0x1;
	[dreg:$0x2] =	wrdreg s2  }
0xa9: {  	[dreg:$0x3] =	wrdreg s4  }
0xaa: {  	[dreg:$0x4] =	wrdreg $0xC0  }
0xab: {  	_ =	task [dreg:s6], $0x5FFFF  }
0xac: {  	[dreg:$0x1] =	wrdreg $0xFFFFFFFF  }
0xad: {  	[dreg:$0x0] =	wrdreg $0x60  }
0xae: {  	[dreg:$0x2] =	wrdreg s24  }
0xaf: {  	[dreg:$0x3] =	wrdreg $0x90000  }
0xb0: {  	[dreg:$0x4] =	wrdreg $0x9  }
0xb1: {  	_ =	task.clear_ibuf [dreg:s6], $0x5FFFF;
	_ =	strace $0x9000004F  }
0xb2: {  	s29 =	simm.s32 $0x9;
	_ =	strace $0x80000051  }
0xb3: {  	_ =	swait.ge [sflag:s29], $0x1  }
0xb4: {  	[sflag:s29] =	ssyncadd.s32 $0xFFFFFFFF  }
0xb5: {  	_ =	strace $0x90000051  }
0xb6: {  	_ =	sfence  }
0xb7: {  	s30 =	sld [smem:$0x0];
	_ =	sdelay $0x2  }
0xb8: {  	s31 =	sshll.u32 s1, $0xD;
	s1 =	sshrl.u32 s1, $0x2  }
0xb9: {  	s3 =	sand.u32 $0x4000, s31;
	s1 =	sadd.s32 s1, s30  }
0xba: {  	s0 =	sor.u32 s3, s0;
	s1 =	sshll.u32 s1, $0x11  }
0xbb: {  	s0 =	sor.u32 s1, s0  }
0xbc: {  	s0 =	sadd.s32 $0x8F2B, s0  }
0xbd: {  	[sflag:s0] =	ssyncadd.remote.s32 $0x1  }
0xbe: {  	_ =	sfence.sel $0xFFFF  }
0xbf: {  	[dreg:$0x0] =	wrdreg $0xFFFFFFFF;
	(pc) =	sbr.abs _section_cstart, $3  }
0xc0: {  	[dreg:$0x1] =	wrdreg $0xFFFFFFFF  }
0xc1: {  	_ =	task.clear_ibuf [dreg:s6], $0x2FFFF;
	_ =	strace $0x9FFFFFFF  }
0xc2: {  	(tm) =	ssettm $0x7FFFFFFF  }
0xc3: {  	_ =	shalt  }
tec
execute0_lowered:
.L_overlay_start_1:
0x0: {  	(tag) =	ssettag $0x1  }
0x1: {  	s5 =	rddreg [dreg:$0x0]  }
0x2: {  	s1 =	rddreg [dreg:$0x1]  }
0x3: {  	s2 =	srdreg.scid;
	s0 =	rddreg [dreg:$0x2];
	s3 =	simm.s32 $0x0  }
0x4: {  	s15 =	simm.s32 $0x1;
	s16 =	simm.s32 $0x50;
	s17 =	simm.s32 $0x2  }
0x5: {  	s18 =	simm.s32 $0x3E00;
	s6 =	sand.u32 $0x1, s2;
	s2 =	stileid.u32  }
0x6: {  	s19 =	simm.s32 $0x0;
	[smem:$0x7FF] =	sst s3;
	s8 =	smul.u32 $0x140000, s6  }
0x7: {  	s10 =	sadd.s32 $0xA34200, s5;
	s4 =	sshll.u32 s6, $0x4;
	s9 =	smul.u32 $0x14000, s2  }
0x8: {  	_ =	strace $0x80000050;
	s25 =	ssub.s32 $0x2, s6;
	s12 =	smul.u32 $0x50000, s2  }
0x9: {  	s6 =	smul.u32 $0x271000, s6;
	s28 =	sshll.u32 s2, $0x6;
	s7 =	sor.u32 s2, s4  }
0xa: {  	s29 =	smul.u32 $0x27100, s2;
	s13 =	sshrl.u32 s25, $0x1;
	s4 =	sshll.u32 s7, $0xB  }
0xb: {  	s8 =	sadd.s32 s9, s8;
	s7 =	smul.u32 $0x27100, s7;
	s9 =	ssub.s32 s25, s13  }
0xc: {  	s26 =	sshrl.u32 s12, $0x2;
	s30 =	sadd.s32 s6, s10;
	s12 =	simm.s32 $0x3  }
0xd: {  	s13 =	simm.s32 $0x4000;
	s11 =	sadd.s32 s4, s5;
	s4 =	sadd.s32 $0x2A00, s5  }
0xe: {  	s8 =	sshrl.u32 s8, $0x3;
	s14 =	sadd.s32 s26, s1;
	s31 =	sadd.s32 s29, s30  }
0xf: {  	s9 =	smax.u32 s9, $0x1;
	s8 =	sadd.s32 s8, s5;
	s5 =	sor.u32 $0x1C03, s28  }
0x10: {  	s6 =	sadd.s32 $0x1C600, s11;
	s7 =	sadd.s32 s10, s7;
	s10 =	sadd.s32 $0x500, s31  }
0x11: {  	s11 =	sshrl.u32 s14, $0x3;
	s14 =	simm.s32 $0x6800;
	s8 =	sadd.s32 $0x70200, s8  }
.LBB2_1:
0x12: {  	[spmem:s11], [sflag:s5] =	dma.local [hbm:s4], $0x2800  }
0x13: {  	_ =	swait.ge [sflag:s12], $0x2800  }
0x14: {  	[sflag:s12] =	ssyncset.done $0x0  }
0x15: {  	[sflag:s12] =	ssyncadd.s32 $0xFFFFD800  }
0x16: {  	[tilespmem:s3], [sflag:$0x3] =	stream.linear.gather [hbm4b:s6+s3], $0x3E80, $0x38;
	[tilespmem:$0x1D000] =	vst v63  }
0x17: {  	_ =	swait.ge [sflag:s12], $0x3E80  }
0x18: {  	[sflag:s12] =	ssyncset.done $0x0  }
0x19: {  	[sflag:s12] =	ssyncadd.s32 $0xFFFFC180  }
0x1a: {  	[bflag:$0x0] =	sbarrier.arrive $0xFFFF  }
0x1b: {  	[tilespmem:s13], [sflag:$0x1] =	stream.linear.gather [hbm4b:s7+s3], $0x2800, $0x38;
	[tilespmem:$0x1D000] =	vst v63  }
0x1c: {  	_ = 	snop  }
0x1d: {  	[tilespmem:s14], [sflag:$0x2] =	stream.linear.gather [hbm4b:s10+s3], $0x2800, $0x38;
	[tilespmem:$0x1D000] =	vst v63  }
0x1e: {  	_ =	swait.ge [sflag:s15], $0x2800  }
0x1f: {  	[sflag:s15] =	ssyncset.done $0x0  }
0x20: {  	s20 =	simm.s32 $0x0;
	[sflag:s15] =	ssyncadd.s32 $0xFFFFD800  }
0x21: {  	[spmem:s1] =	stream.indirect.scatter.add.f32 [tilespmem:s13], [sflag:$0x3], $0x80, s20, s16, $0xb8;
	[tilespmem:$0x1D000] =	vst v63  }
0x22: {  	_ =	swait.ge [sflag:s12], $0x2800  }
0x23: {  	[sflag:s12] =	ssyncset.done $0x0  }
0x24: {  	s30 =	sadd.s32 $0x500, s10;
	[sflag:s12] =	ssyncadd.s32 $0xFFFFD800  }
0x25: {  	[tilespmem:s13], [sflag:$0x1] =	stream.linear.gather [hbm4b:s30+s3], $0x2800, $0x38;
	[tilespmem:$0x1D000] =	vst v63  }
0x26: {  	_ =	swait.ge [sflag:s17], $0x2800  }
0x27: {  	[sflag:s17] =	ssyncset.done $0x0  }
0x28: {  	s31 =	simm.s32 $0x80;
	[sflag:s17] =	ssyncadd.s32 $0xFFFFD800  }
0x29: {  	[spmem:s1] =	stream.indirect.scatter.add.f32 [tilespmem:s14], [sflag:$0x3], $0x80, s31, s16, $0xb8;
	[tilespmem:$0x1D000] =	vst v63  }
0x2a: {  	_ =	swait.ge [sflag:s12], $0x2800  }
0x2b: {  	s21 =	smov.u32 s10;
	s20 =	simm.s32 $0x400;
	[sflag:s12] =	ssyncset.done $0x0  }
.LBB2_2:
0x2c: {  	p0 =	sne.s32 s20, $0xF400;
	[sflag:s12] =	ssyncadd.s32 $0xFFFFD800;
	s21 =	sadd.s32 $0xA00, s21  }
0x2d: {  	[tilespmem:s14], [sflag:$0x2] =	stream.linear.gather [hbm4b:s21+s3], $0x2800, $0x38;
	[tilespmem:$0x1D000] =	vst v63  }
0x2e: {  	s22 =	smov.u32 s20;
	s20 =	sadd.s32 $0x400, s20;
	_ =	swait.ge [sflag:s15], $0x2800  }
0x2f: {  	[sflag:s15] =	ssyncset.done $0x0  }
0x30: {  	s22 =	sshra.s32 s22, $0x2;
	[sflag:s15] =	ssyncadd.s32 $0xFFFFD800  }
0x31: {  	[spmem:s1] =	stream.indirect.scatter.add.f32 [tilespmem:s13], [sflag:$0x3], $0x80, s22, s16, $0xb8;
	[tilespmem:$0x1D000] =	vst v63  }
0x32: {  	_ =	swait.ge [sflag:s12], $0x2800  }
0x33: {  	[sflag:s12] =	ssyncset.done $0x0  }
0x34: {  	s23 =	sadd.s32 $0x500, s21;
	[sflag:s12] =	ssyncadd.s32 $0xFFFFD800  }
0x35: {  	[tilespmem:s13], [sflag:$0x1] =	stream.linear.gather [hbm4b:s23+s3], $0x2800, $0x38;
	[tilespmem:$0x1D000] =	vst v63  }
0x36: {  	_ =	swait.ge [sflag:s17], $0x2800  }
.Ltmp0:
0x37: {  	[sflag:s17] =	ssyncset.done $0x0;
	(pc) =	sbr.rel @p0 .LBB2_2-.Ltmp0, $4  }
0x38: {  	s22 =	sadd.s32 $0x80, s22;
	[sflag:s17] =	ssyncadd.s32 $0xFFFFD800  }
0x39: {  	[spmem:s1] =	stream.indirect.scatter.add.f32 [tilespmem:s14], [sflag:$0x3], $0x80, s22, s16, $0xb8;
	[tilespmem:$0x1D000] =	vst v63  }
0x3a: {  	_ =	swait.ge [sflag:s12], $0x2800  }
0x3b: {  	[sflag:s12] =	ssyncset.done $0x0  }
0x3c: {  	[sflag:s12] =	ssyncadd.s32 $0xFFFFD800  }
0x3d: {  	_ =	swait.ge [sflag:s15], $0x2800  }
0x3e: {  	[sflag:s15] =	ssyncset.done $0x0  }
0x3f: {  	[sflag:s15] =	ssyncadd.s32 $0xFFFFD800  }
0x40: {  	[spmem:s1] =	stream.indirect.scatter.add.f32 [tilespmem:s13], [sflag:$0x3], $0x80, s18, s16, $0xb8;
	[tilespmem:$0x1D000] =	vst v63  }
0x41: {  	_ =	swait.ge [sflag:s12], $0x2800  }
0x42: {  	s19 =	sadd.s32 $0x1, s19;
	[sflag:s12] =	ssyncset.done $0x0  }
0x43: {  	p0 =	sne.s32 s19, s9;
	[sflag:s12] =	ssyncadd.s32 $0xFFFFD800  }
.Ltmp1:
0x44: {  	[bflag:$0x0] =	sbarrier.arrive $0xFFFF;
	(pc) =	sbr.rel @p0 .LBB2_1-.Ltmp1, $4  }
0x45: {  	[hbm:s8], [sflag:s5] =	dma.local [spmem:s11], $0x2800  }
0x46: {  	_ =	swait.ge [sflag:s12], $0x2800  }
0x47: {  	[sflag:s12] =	ssyncset.done $0x0  }
0x48: {  	[sflag:s12] =	ssyncadd.s32 $0xFFFFD800  }
0x49: {  	_ =	sfence.sel $0x180000  }
0x4a: {  	[bflag:$0x0] =	sbarrier.arrive $0xFFFF  }
0x4b: {  	p0 =	sne.s32 s2, $0x0;
	_ =	strace $0x90000050  }
0x4c: {  	s0 =	sadd.s32 @!p0 $0x100000, s0;
	[bflag:$0x2] =	sbarrier.arrive $0xFFFF  }
0x4d: {  	[sflag:s0] =	ssyncadd.tile.s32 @!p0 $0x1;
	_ =	shalt  }
.Lfunc_end2:
_tile_overlayer_lowered:
.L_overlay_start_2:
0x4e: {  	(tag) =	ssettag $0x2  }
0x4f: {  	s0 =	rddreg [dreg:$0x0];
	s2 =	stileid.u32  }
0x50: {  	s1 =	rddreg [dreg:$0x1];
	p0 =	sne.s32 s2, $0x0  }
0x51: {  	s3 =	rddreg [dreg:$0x2];
	[bflag:$0x3] =	sbarrier.arrive $0xFFFF;
	s2 =	simm.s32 @!p0 $0x1C03  }
0x52: {  	[timem:s3], [sflag:s2] =	dma.local @!p0 [hbm:s0], s1  }
0x53: {  	s0 =	simm.s32 @!p0 $0x3  }
0x54: {  	_ =	swait.ge @!p0 [sflag:s0], s1  }
0x55: {  	s1 =	ssub.s32 @!p0 $0x0, s1;
	[sflag:s0] =	ssyncset.done @!p0 $0x0  }
0x56: {  	[sflag:s0] =	ssyncadd.s32 @!p0 s1  }
0x57: {  	[bflag:$0x3] =	sbarrier.arrive $0xFFFF  }
0x58: {  	_ =	shalt  }

// kernel: kernel.24.cloned.1.call-start
scs
__scs_entry_jumppad:
0x0: {  	(pc) =	sbr.rel $0x88, $3  }
0x1: {  	(tag) =	ssettag $0x0;
	lr =	simm.s32 $0x1  }
0x2: {  	[smem:$0x3F96] =	sst lr;
	_ =	strace $0xD0000000  }
0x3: {  	_ = 	snop  }
0x4: {  	_ = 	snop  }
0x5: {  	_ = 	snop  }
0x6: {  	_ = 	snop  }
0x7: {  	_ = 	snop  }
__scs_overlays_trampoline_lowered:
0x8: {  	[smem:$0x3FA5] =	sst s0  }
0x9: {  	[smem:$0x3FA6] =	sst s1  }
0xa: {  	[smem:$0x3FA7] =	sst s2  }
0xb: {  	[smem:$0x3FA8] =	sst s3  }
0xc: {  	[smem:$0x3FA9] =	sst s4  }
0xd: {  	[smem:$0x3FAA] =	sst s5  }
0xe: {  	[smem:$0x3FAB] =	sst s6  }
0xf: {  	[smem:$0x3FAC] =	sst s7  }
0x10: {  	[smem:$0x3FAD] =	sst s8  }
0x11: {  	[smem:$0x3FAE] =	sst s9;
	s0 =	simm.s32 @!p0 $0x0  }
0x12: {  	s1 =	sld [smem:$0x3F94];
	s0 =	simm.s32 @p0 $0x1  }
0x13: {  	[smem:$0x3FAF] =	sst s0;
	s0 =	simm.s32 @!p1 $0x0  }
0x14: {  	s2 =	sld [smem:$0x3F93];
	s0 =	simm.s32 @p1 $0x1  }
0x15: {  	[smem:$0x3FB0] =	sst s0;
	s0 =	simm.s32 @!p2 $0x0  }
0x16: {  	s3 =	sld [smem:$0x3FDB];
	s0 =	simm.s32 @p2 $0x1  }
0x17: {  	s4 =	simm.s32 $0x1BF5;
	[smem:$0x3FB2] =	sst s0  }
0x18: {  	s0 =	sld [smem:$0x3F95];
	_ =	swait.ge [sflag:s4], $0x0  }
0x19: {  	s7 =	sld [smem:$0x3F96]  }
0x1a: {  	s8 =	sadd.s32 $0xFFFFE003, lr  }
0x1b: {  	s9 =	sadd.s32 $0xFFFFFEF7, lr;
	s5 =	simm.s32 $0xFFFFFFFF;
	p2 =	slt.u32 s8, $0xFFFFF086  }
0x1c: {  	p1 =	slt.u32 s9, $0xF7A;
	s5 =	simm.s32 @!p2 $0x0  }
0x1d: {  	s5 =	simm.s32 @p1 $0x1;
	p0 =	seq.s32 s7, s2  }
0x1e: {  	s7 =	smul.u32 @!p0 $0xF7A, s2;
	p2 =	seq.s32 @!p0 s5, $0x0  }
0x1f: {  	s9 =	smul.u32 $0xF7A, s1;
	s8 =	simm.s32 @!p0 $0x1BF5;
	p2 =	por !p2, p0  }
0x20: {  	[sflag:s8] =	ssyncset.s32 @!p0 $0xFFFFF086;
	s6 =	sadd.s32 @!p0 s3, s7;
	s7 =	simm.s32 @!p0 $0x108  }
0x21: {  	s3 =	sadd.s32 s3, s9;
	s6 =	sadd.s32 @!p0 $0x88, s6;
	s7 =	simm.s32 @p2 $0x1082  }
0x22: {  	[simem:s7], [sflag:s8] =	dma.local @!p0 [hbm:s6], $0xF7A  }
0x23: {  	s9 =	sor.u32 $0xD0000000, s2;
	s6 =	simm.s32 $0x108;
	_ =	swait.ge @!p0 [sflag:s8], $0x0  }
0x24: {  	s3 =	sadd.s32 $0x88, s3;
	s6 =	simm.s32 @!p1 $0x1082;
	[sflag:s4] =	ssyncset.s32 $0xFFFFF086  }
0x25: {  	[simem:s6], [sflag:s4] =	dma.local [hbm:s3], $0xF7A  }
0x26: {  	[smem:$0x3F96] =	sst s1;
	(tag) =	ssettag s2;
	_ =	strace s9  }
0x27: {  	s1 =	sld [smem:$0x3FA6]  }
0x28: {  	s2 =	sld [smem:$0x3FA7]  }
0x29: {  	s4 =	sld [smem:$0x3FA9]  }
0x2a: {  	p0 =	seq.s32 s5, $0x0;
	s5 =	sld [smem:$0x3FAA]  }
0x2b: {  	s6 =	sld [smem:$0x3FAB]  }
0x2c: {  	s7 =	sld [smem:$0x3FAC]  }
0x2d: {  	s3 =	simm.s32 $0x108;
	s8 =	sld [smem:$0x3FAD]  }
0x2e: {  	s3 =	simm.s32 @!p0 $0x1082;
	s9 =	sld [smem:$0x3FAE]  }
0x2f: {  	lr =	sadd.s32 s0, s3;
	s0 =	sld [smem:$0x3FA5]  }
0x30: {  	s3 =	sld [smem:$0x3FA8]  }
0x31: {  	[smem:$0x3FB1] =	sst s10  }
0x32: {  	s10 =	sld [smem:$0x3FAF];
	_ =	sdelay $0x3  }
0x33: {  	p0 =	seq.s32 s10, $0x1;
	s10 =	sld [smem:$0x3FB1];
	_ =	sdelay $0x3  }
0x34: {  	[smem:$0x3FB1] =	sst s10  }
0x35: {  	s10 =	sld [smem:$0x3FB0];
	_ =	sdelay $0x3  }
0x36: {  	p1 =	seq.s32 s10, $0x1;
	s10 =	sld [smem:$0x3FB1];
	_ =	sdelay $0x3  }
0x37: {  	[smem:$0x3FB1] =	sst s10  }
0x38: {  	s10 =	sld [smem:$0x3FB2]  }
0x39: {  	_ = 	snop;
	(pc) =	sbr.ind lr, $3  }
0x3a: {  	_ = 	snop  }
0x3b: {  	_ = 	snop  }
0x3c: {  	p2 =	seq.s32 s10, $0x1;
	s10 =	sld [smem:$0x3FB1]  }
0x3d: {  	_ =	shalt  }
0x3e: {  	_ =	shalt  }
0x3f: {  	_ =	shalt  }
0x40: {  	_ =	shalt  }
0x41: {  	_ =	shalt  }
0x42: {  	_ =	shalt  }
0x43: {  	_ =	shalt  }
0x44: {  	_ =	shalt  }
0x45: {  	_ =	shalt  }
0x46: {  	_ =	shalt  }
0x47: {  	_ =	shalt  }
0x48: {  	_ =	shalt  }
0x49: {  	_ =	shalt  }
0x4a: {  	_ =	shalt  }
0x4b: {  	_ =	shalt  }
0x4c: {  	_ =	shalt  }
0x4d: {  	_ =	shalt  }
0x4e: {  	_ =	shalt  }
0x4f: {  	_ =	shalt  }
0x50: {  	_ =	shalt  }
0x51: {  	_ =	shalt  }
0x52: {  	_ =	shalt  }
0x53: {  	_ =	shalt  }
0x54: {  	_ =	shalt  }
0x55: {  	_ =	shalt  }
0x56: {  	_ =	shalt  }
0x57: {  	_ =	shalt  }
0x58: {  	_ =	shalt  }
0x59: {  	_ =	shalt  }
0x5a: {  	_ =	shalt  }
0x5b: {  	_ =	shalt  }
0x5c: {  	_ =	shalt  }
0x5d: {  	_ =	shalt  }
0x5e: {  	_ =	shalt  }
0x5f: {  	_ =	shalt  }
0x60: {  	_ =	shalt  }
0x61: {  	_ =	shalt  }
0x62: {  	_ =	shalt  }
0x63: {  	_ =	shalt  }
0x64: {  	_ =	shalt  }
0x65: {  	_ =	shalt  }
0x66: {  	_ =	shalt  }
0x67: {  	_ =	shalt  }
0x68: {  	_ =	shalt  }
0x69: {  	_ =	shalt  }
0x6a: {  	_ =	shalt  }
0x6b: {  	_ =	shalt  }
0x6c: {  	_ =	shalt  }
0x6d: {  	_ =	shalt  }
0x6e: {  	_ =	shalt  }
0x6f: {  	_ =	shalt  }
0x70: {  	_ =	shalt  }
0x71: {  	_ =	shalt  }
0x72: {  	_ =	shalt  }
0x73: {  	_ =	shalt  }
0x74: {  	_ =	shalt  }
0x75: {  	_ =	shalt  }
0x76: {  	_ =	shalt  }
0x77: {  	_ =	shalt  }
0x78: {  	_ =	shalt  }
0x79: {  	_ =	shalt  }
0x7a: {  	_ =	shalt  }
0x7b: {  	_ =	shalt  }
0x7c: {  	_ =	shalt  }
0x7d: {  	_ =	shalt  }
0x7e: {  	_ =	shalt  }
0x7f: {  	_ =	shalt  }
0x80: {  	_ =	shalt  }
0x81: {  	_ =	shalt  }
0x82: {  	_ =	shalt  }
0x83: {  	_ =	shalt  }
0x84: {  	_ =	shalt  }
0x85: {  	_ =	shalt  }
0x86: {  	_ =	shalt  }
0x87: {  	_ =	shalt  }
.Lfunc_end0:
.L_simem_size_0:
called_computation.4_lowered:
.L_overlay_start_0:
0x88: {  	s2 =	sld [smem:$0x3FD9]  }
0x89: {  	s3 =	sld [smem:$0x3FFE];
	_ =	sdelay $0x1  }
0x8a: {  	s1 =	srdreg.scid  }
0x8b: {  	s0 =	sand.u32 $0x1, s1  }
0x8c: {  	s17 =	sshll.u32 s0, $0xA;
	s2 =	sadd.s32 s3, s2  }
0x8d: {  	s2 =	sadd.s32 s2, s17  }
0x8e: {  	[smem:$0x3FBD] =	sst s2  }
0x8f: {  	_ = 	snop  }
0x90: {  	s2 =	sld [smem:$0x3FD0];
	(tm) =	ssettm $0x1  }
0x91: {  	s18 =	sld [smem:$0x3FFB];
	_ =	sdelay $0x3  }
0x92: {  	_ =	strace s18  }
0x93: {  	s3 =	sld [smem:$0x3FFC];
	_ =	sdelay $0x3  }
0x94: {  	_ =	strace s3  }
0x95: {  	s3 =	sld [smem:$0x3FFD];
	_ =	sdelay $0x3  }
0x96: {  	_ =	strace s3  }
0x97: {  	_ =	strace $0x8FFFFFFF  }
0x98: {  	s19 =	sld [smem:$0x3FDB];
	_ =	sdelay $0x1  }
0x99: {  	s4 =	simm.s32 $_scs_section_size  }
0x9a: {  	s5 =	simm.s32 $_size__tile_overlayer_lowered;
	s6 =	simm.s32 $_tile_overlayer_lowered  }
0x9b: {  	s22 =	simm.s32 $0x1BFF;
	s21 =	sshll.u32 s6, $0x1;
	s3 =	sadd.s32 s4, s19  }
0x9c: {  	s7 =	simm.s32 $0x0;
	s20 =	sshll.u32 s5, $0x1;
	s5 =	sadd.s32 s21, s3  }
0x9d: {  	[timem:s7], [sflag:s22] =	dma.local [hbm:s5], s20  }
0x9e: {  	_ =	swait.ge [sflag:s22], s20  }
0x9f: {  	s4 =	ssub.s32 $0x0, s20;
	[sflag:s22] =	ssyncset.done $0x0  }
0xa0: {  	[sflag:s22] =	ssyncadd.s32 s4;
	_ =	sdelay $0x1  }
0xa1: {  	s23 =	simm.s32 $0x1B8B  }
0xa2: {  	_ =	swait.ge [sflag:s23], $0x1  }
0xa3: {  	[sflag:s23] =	ssyncset.done $0x0  }
0xa4: {  	s25 =	simm.s32 $0x1B8E;
	s24 =	sld [smem:$0x3FFE];
	[sflag:s23] =	ssyncadd.s32 $0xFFFFFFFF  }
0xa5: {  	s26 =	simm.s32 $execute0_lowered;
	[smem:$0x3FD2] =	sst s25  }
0xa6: {  	s5 =	sshll.u32 s26, $0x1;
	_ =	strace $0x80000052;
	[dreg:$0x1] =	wrdreg $0xFFFFFFFF  }
0xa7: {  	s28 =	simm.s32 $_size_execute0_lowered;
	s3 =	sadd.s32 s3, s5;
	[dreg:$0x0] =	wrdreg $0x0  }
0xa8: {  	s5 =	sshll.u32 s28, $0x1;
	[dreg:$0x2] =	wrdreg s3  }
0xa9: {  	[dreg:$0x3] =	wrdreg s5  }
0xaa: {  	[dreg:$0x4] =	wrdreg $0xC0  }
0xab: {  	_ =	task [dreg:s7], $0x5FFFF  }
0xac: {  	[dreg:$0x1] =	wrdreg $0xFFFFFFFF  }
0xad: {  	[dreg:$0x0] =	wrdreg $0x60  }
0xae: {  	[dreg:$0x2] =	wrdreg s2  }
0xaf: {  	[dreg:$0x3] =	wrdreg s24  }
0xb0: {  	[dreg:$0x4] =	wrdreg $0x9  }
0xb1: {  	_ =	task.clear_ibuf [dreg:s7], $0x5FFFF;
	_ =	strace $0x90000052  }
0xb2: {  	s29 =	simm.s32 $0x9;
	_ =	strace $0x80000054  }
0xb3: {  	_ =	swait.ge [sflag:s29], $0x1  }
0xb4: {  	[sflag:s29] =	ssyncadd.s32 $0xFFFFFFFF  }
0xb5: {  	_ =	strace $0x90000054  }
0xb6: {  	_ =	sfence  }
0xb7: {  	s30 =	sld [smem:$0x0];
	_ =	sdelay $0x2  }
0xb8: {  	s31 =	sshll.u32 s1, $0xD;
	s1 =	sshrl.u32 s1, $0x2  }
0xb9: {  	s3 =	sand.u32 $0x4000, s31;
	s1 =	sadd.s32 s1, s30  }
0xba: {  	s0 =	sor.u32 s3, s0;
	s1 =	sshll.u32 s1, $0x11  }
0xbb: {  	s0 =	sor.u32 s1, s0  }
0xbc: {  	s0 =	sadd.s32 $0x8F2B, s0  }
0xbd: {  	[sflag:s0] =	ssyncadd.remote.s32 $0x1  }
0xbe: {  	_ =	sfence.sel $0xFFFF  }
0xbf: {  	[dreg:$0x0] =	wrdreg $0xFFFFFFFF;
	(pc) =	sbr.abs _section_cstart, $3  }
0xc0: {  	[dreg:$0x1] =	wrdreg $0xFFFFFFFF  }
0xc1: {  	_ =	task.clear_ibuf [dreg:s7], $0x2FFFF;
	_ =	strace $0x9FFFFFFF  }
0xc2: {  	(tm) =	ssettm $0x7FFFFFFF  }
0xc3: {  	_ =	shalt  }
tec
execute0_lowered:
.L_overlay_start_1:
0x0: {  	(tag) =	ssettag $0x1  }
0x1: {  	s1 =	rddreg [dreg:$0x0]  }
0x2: {  	s4 =	rddreg [dreg:$0x1]  }
0x3: {  	s0 =	rddreg [dreg:$0x2];
	s3 =	simm.s32 $0x0;
	s5 =	srdreg.scid  }
0x4: {  	s2 =	stileid.u32;
	s12 =	simm.s32 $0x4000;
	s13 =	simm.s32 $0x80  }
0x5: {  	s14 =	simm.s32 $0x6800;
	s15 =	simm.s32 $0x1;
	s16 =	simm.s32 $0x3  }
0x6: {  	s17 =	simm.s32 $0x100;
	s18 =	simm.s32 $0x2;
	s19 =	simm.s32 $0x4  }
0x7: {  	s20 =	simm.s32 $0x0;
	[smem:$0x7FF] =	sst s3;
	s7 =	sand.u32 $0x1, s5  }
0x8: {  	s26 =	sshll.u32 s2, $0x1;
	s10 =	sadd.s32 $0x48200, s4;
	s30 =	smul.u32 $0x4E200, s2  }
0x9: {  	_ =	strace $0x80000053;
	s5 =	sor.u32 s7, s26;
	s31 =	smul.u32 $0x27100, s7  }
0xa: {  	s8 =	ssub.s32 $0x2, s7;
	s6 =	sshll.u32 s5, $0xB;
	s9 =	smul.u32 $0x138800, s5  }
0xb: {  	s28 =	sshrl.u32 s8, $0x1;
	s11 =	smul.u32 $0x27100, s5;
	s6 =	sadd.s32 s6, s4  }
0xc: {  	s8 =	ssub.s32 s8, s28;
	s9 =	sshrl.u32 s9, $0x3;
	s4 =	sadd.s32 $0xC600, s6  }
0xd: {  	s6 =	sadd.s32 s10, s11;
	s7 =	smax.u32 s8, $0x1;
	s11 =	simm.s32 $0x50  }
0xe: {  	s29 =	sadd.s32 s10, s9;
	s8 =	sadd.s32 $0x500, s6;
	s9 =	sadd.s32 s30, s10  }
0xf: {  	s10 =	simm.s32 $0x5;
	s5 =	sadd.s32 $0x26C00, s29;
	s9 =	sadd.s32 s31, s9  }
.LBB2_1:
0x10: {  	[tilespmem:s3], [sflag:$0x5] =	stream.linear.gather [hbm4b:s4+s3], $0x3E80, $0x38;
	[tilespmem:$0x9000] =	vst v63  }
0x11: {  	_ =	swait.ge [sflag:s10], $0x3E80  }
0x12: {  	[sflag:s10] =	ssyncset.done $0x0  }
0x13: {  	[sflag:s10] =	ssyncadd.s32 $0xFFFFC180  }
0x14: {  	[tilespmem:s12], [sflag:$0x1] =	stream.indirect.gather [hbm4b:s1+s11], $0x80, s3, s11, $0xb8;
	[tilespmem:$0x9000] =	vst v63  }
0x15: {  	_ = 	snop  }
0x16: {  	[tilespmem:s14], [sflag:$0x2] =	stream.indirect.gather [hbm4b:s1+s11], $0x80, s13, s11, $0xb8;
	[tilespmem:$0x9000] =	vst v63  }
0x17: {  	_ =	swait.ge [sflag:s15], $0x2800  }
0x18: {  	[sflag:s15] =	ssyncset.done $0x0  }
0x19: {  	[sflag:s15] =	ssyncadd.s32 $0xFFFFD800  }
0x1a: {  	[hbm4b:s6+s3] =	stream.linear.scatter [tilespmem:s12], [sflag:$0x3], $0x2800, $0x38;
	[tilespmem:$0x9000] =	vst v63  }
0x1b: {  	_ =	swait.ge [sflag:s16], $0x2800  }
0x1c: {  	[sflag:s16] =	ssyncset.done $0x0  }
0x1d: {  	[sflag:s16] =	ssyncadd.s32 $0xFFFFD800  }
0x1e: {  	[tilespmem:s12], [sflag:$0x1] =	stream.indirect.gather [hbm4b:s1+s11], $0x80, s17, s11, $0xb8;
	[tilespmem:$0x9000] =	vst v63  }
0x1f: {  	_ =	swait.ge [sflag:s18], $0x2800  }
0x20: {  	[sflag:s18] =	ssyncset.done $0x0  }
0x21: {  	[sflag:s18] =	ssyncadd.s32 $0xFFFFD800  }
0x22: {  	[hbm4b:s8+s3] =	stream.linear.scatter [tilespmem:s14], [sflag:$0x4], $0x2800, $0x38;
	[tilespmem:$0x9000] =	vst v63  }
0x23: {  	_ =	swait.ge [sflag:s19], $0x2800  }
0x24: {  	[sflag:s19] =	ssyncset.done $0x0  }
0x25: {  	s21 =	simm.s32 $0x180;
	[sflag:s19] =	ssyncadd.s32 $0xFFFFD800  }
0x26: {  	[tilespmem:s14], [sflag:$0x2] =	stream.indirect.gather [hbm4b:s1+s11], $0x80, s21, s11, $0xb8;
	[tilespmem:$0x9000] =	vst v63  }
0x27: {  	_ =	swait.ge [sflag:s15], $0x2800  }
0x28: {  	s22 =	sadd.s32 $0x0, s9;
	[sflag:s15] =	ssyncset.done $0x0  }
0x29: {  	s30 =	sadd.s32 $0xA00, s22;
	[sflag:s15] =	ssyncadd.s32 $0xFFFFD800  }
0x2a: {  	[hbm4b:s30+s3] =	stream.linear.scatter [tilespmem:s12], [sflag:$0x3], $0x2800, $0x38;
	[tilespmem:$0x9000] =	vst v63  }
0x2b: {  	_ =	swait.ge [sflag:s16], $0x2800  }
0x2c: {  	[sflag:s16] =	ssyncset.done $0x0  }
0x2d: {  	s31 =	simm.s32 $0x200;
	[sflag:s16] =	ssyncadd.s32 $0xFFFFD800  }
0x2e: {  	[tilespmem:s12], [sflag:$0x1] =	stream.indirect.gather [hbm4b:s1+s11], $0x80, s31, s11, $0xb8;
	[tilespmem:$0x9000] =	vst v63  }
0x2f: {  	_ =	swait.ge [sflag:s18], $0x2800  }
0x30: {  	s23 =	sadd.s32 $0xF00, s22;
	[sflag:s18] =	ssyncset.done $0x0  }
0x31: {  	s22 =	simm.s32 $0x280;
	s21 =	simm.s32 $0xA00;
	[sflag:s18] =	ssyncadd.s32 $0xFFFFD800  }
.LBB2_2:
0x32: {  	[hbm4b:s23+s3] =	stream.linear.scatter [tilespmem:s14], [sflag:$0x4], $0x2800, $0x38;
	[tilespmem:$0x9000] =	vst v63  }
0x33: {  	s23 =	smov.u32 s21  }
0x34: {  	p0 =	sne.s32 s21, $0x25800;
	s21 =	sadd.s32 $0xA00, s21;
	_ =	swait.ge [sflag:s19], $0x2800  }
0x35: {  	[sflag:s19] =	ssyncset.done $0x0  }
0x36: {  	[sflag:s19] =	ssyncadd.s32 $0xFFFFD800  }
0x37: {  	[tilespmem:s14], [sflag:$0x2] =	stream.indirect.gather [hbm4b:s1+s11], $0x80, s22, s11, $0xb8;
	[tilespmem:$0x9000] =	vst v63  }
0x38: {  	_ =	swait.ge [sflag:s15], $0x2800  }
0x39: {  	s23 =	sadd.s32 s23, s9;
	[sflag:s15] =	ssyncset.done $0x0  }
0x3a: {  	s24 =	sadd.s32 $0xA00, s23;
	[sflag:s15] =	ssyncadd.s32 $0xFFFFD800  }
0x3b: {  	[hbm4b:s24+s3] =	stream.linear.scatter [tilespmem:s12], [sflag:$0x3], $0x2800, $0x38;
	[tilespmem:$0x9000] =	vst v63  }
0x3c: {  	_ =	swait.ge [sflag:s16], $0x2800  }
0x3d: {  	[sflag:s16] =	ssyncset.done $0x0  }
.Ltmp0:
0x3e: {  	s24 =	sadd.s32 $0x80, s22;
	[sflag:s16] =	ssyncadd.s32 $0xFFFFD800;
	(pc) =	sbr.rel @p0 .LBB2_2-.Ltmp0, $4  }
0x3f: {  	[tilespmem:s12], [sflag:$0x1] =	stream.indirect.gather [hbm4b:s1+s11], $0x80, s24, s11, $0xb8;
	[tilespmem:$0x9000] =	vst v63  }
0x40: {  	_ =	swait.ge [sflag:s18], $0x2800  }
0x41: {  	[sflag:s18] =	ssyncset.done $0x0  }
0x42: {  	s23 =	sadd.s32 $0xF00, s23;
	s22 =	sadd.s32 $0x100, s22;
	[sflag:s18] =	ssyncadd.s32 $0xFFFFD800  }
0x43: {  	[hbm4b:s23+s3] =	stream.linear.scatter [tilespmem:s14], [sflag:$0x4], $0x2800, $0x38;
	[tilespmem:$0x9000] =	vst v63  }
0x44: {  	_ =	swait.ge [sflag:s19], $0x2800  }
0x45: {  	[sflag:s19] =	ssyncset.done $0x0  }
0x46: {  	[sflag:s19] =	ssyncadd.s32 $0xFFFFD800  }
0x47: {  	s20 =	sadd.s32 $0x1, s20;
	_ =	swait.ge [sflag:s15], $0x2800  }
0x48: {  	p0 =	sne.s32 s20, s7;
	[sflag:s15] =	ssyncset.done $0x0  }
.Ltmp1:
0x49: {  	[sflag:s15] =	ssyncadd.s32 $0xFFFFD800;
	(pc) =	sbr.rel @p0 .LBB2_1-.Ltmp1, $4  }
0x4a: {  	[hbm4b:s5+s3] =	stream.linear.scatter [tilespmem:s12], [sflag:$0x5], $0x2800, $0x38;
	[tilespmem:$0x9000] =	vst v63  }
0x4b: {  	_ =	swait.ge [sflag:s10], $0x2800  }
0x4c: {  	[sflag:s10] =	ssyncset.done $0x0  }
0x4d: {  	[sflag:s10] =	ssyncadd.s32 $0xFFFFD800  }
0x4e: {  	_ =	sfence.sel $0x180000  }
0x4f: {  	[bflag:$0x0] =	sbarrier.arrive $0xFFFF  }
0x50: {  	p0 =	sne.s32 s2, $0x0;
	_ =	strace $0x90000053  }
0x51: {  	s0 =	sadd.s32 @!p0 $0x100000, s0;
	[bflag:$0x2] =	sbarrier.arrive $0xFFFF  }
0x52: {  	[sflag:s0] =	ssyncadd.tile.s32 @!p0 $0x1;
	_ =	shalt  }
.Lfunc_end2:
_tile_overlayer_lowered:
.L_overlay_start_2:
0x53: {  	(tag) =	ssettag $0x2  }
0x54: {  	s0 =	rddreg [dreg:$0x0];
	s2 =	stileid.u32  }
0x55: {  	s1 =	rddreg [dreg:$0x1];
	p0 =	sne.s32 s2, $0x0  }
0x56: {  	s3 =	rddreg [dreg:$0x2];
	[bflag:$0x3] =	sbarrier.arrive $0xFFFF;
	s2 =	simm.s32 @!p0 $0x1C05  }
0x57: {  	[timem:s3], [sflag:s2] =	dma.local @!p0 [hbm:s0], s1  }
0x58: {  	s0 =	simm.s32 @!p0 $0x5  }
0x59: {  	_ =	swait.ge @!p0 [sflag:s0], s1  }
0x5a: {  	s1 =	ssub.s32 @!p0 $0x0, s1;
	[sflag:s0] =	ssyncset.done @!p0 $0x0  }
0x5b: {  	[sflag:s0] =	ssyncadd.s32 @!p0 s1  }
0x5c: {  	[bflag:$0x3] =	sbarrier.arrive $0xFFFF  }
0x5d: {  	_ =	shalt  }

// kernel: kernel.27.cloned.1.call-start
scs
__scs_entry_jumppad:
0x0: {  	(pc) =	sbr.rel $0x88, $3  }
0x1: {  	(tag) =	ssettag $0x0;
	lr =	simm.s32 $0x1  }
0x2: {  	[smem:$0x3F96] =	sst lr;
	_ =	strace $0xD0000000  }
0x3: {  	_ = 	snop  }
0x4: {  	_ = 	snop  }
0x5: {  	_ = 	snop  }
0x6: {  	_ = 	snop  }
0x7: {  	_ = 	snop  }
__scs_overlays_trampoline_lowered:
0x8: {  	[smem:$0x3FA5] =	sst s0  }
0x9: {  	[smem:$0x3FA6] =	sst s1  }
0xa: {  	[smem:$0x3FA7] =	sst s2  }
0xb: {  	[smem:$0x3FA8] =	sst s3  }
0xc: {  	[smem:$0x3FA9] =	sst s4  }
0xd: {  	[smem:$0x3FAA] =	sst s5  }
0xe: {  	[smem:$0x3FAB] =	sst s6  }
0xf: {  	[smem:$0x3FAC] =	sst s7  }
0x10: {  	[smem:$0x3FAD] =	sst s8  }
0x11: {  	[smem:$0x3FAE] =	sst s9;
	s0 =	simm.s32 @!p0 $0x0  }
0x12: {  	s1 =	sld [smem:$0x3F94];
	s0 =	simm.s32 @p0 $0x1  }
0x13: {  	[smem:$0x3FAF] =	sst s0;
	s0 =	simm.s32 @!p1 $0x0  }
0x14: {  	s2 =	sld [smem:$0x3F93];
	s0 =	simm.s32 @p1 $0x1  }
0x15: {  	[smem:$0x3FB0] =	sst s0;
	s0 =	simm.s32 @!p2 $0x0  }
0x16: {  	s3 =	sld [smem:$0x3FDB];
	s0 =	simm.s32 @p2 $0x1  }
0x17: {  	s4 =	simm.s32 $0x1BF5;
	[smem:$0x3FB2] =	sst s0  }
0x18: {  	s0 =	sld [smem:$0x3F95];
	_ =	swait.ge [sflag:s4], $0x0  }
0x19: {  	s7 =	sld [smem:$0x3F96]  }
0x1a: {  	s8 =	sadd.s32 $0xFFFFE003, lr  }
0x1b: {  	s9 =	sadd.s32 $0xFFFFFEF7, lr;
	s5 =	simm.s32 $0xFFFFFFFF;
	p2 =	slt.u32 s8, $0xFFFFF086  }
0x1c: {  	p1 =	slt.u32 s9, $0xF7A;
	s5 =	simm.s32 @!p2 $0x0  }
0x1d: {  	s5 =	simm.s32 @p1 $0x1;
	p0 =	seq.s32 s7, s2  }
0x1e: {  	s7 =	smul.u32 @!p0 $0xF7A, s2;
	p2 =	seq.s32 @!p0 s5, $0x0  }
0x1f: {  	s9 =	smul.u32 $0xF7A, s1;
	s8 =	simm.s32 @!p0 $0x1BF5;
	p2 =	por !p2, p0  }
0x20: {  	[sflag:s8] =	ssyncset.s32 @!p0 $0xFFFFF086;
	s6 =	sadd.s32 @!p0 s3, s7;
	s7 =	simm.s32 @!p0 $0x108  }
0x21: {  	s3 =	sadd.s32 s3, s9;
	s6 =	sadd.s32 @!p0 $0x88, s6;
	s7 =	simm.s32 @p2 $0x1082  }
0x22: {  	[simem:s7], [sflag:s8] =	dma.local @!p0 [hbm:s6], $0xF7A  }
0x23: {  	s9 =	sor.u32 $0xD0000000, s2;
	s6 =	simm.s32 $0x108;
	_ =	swait.ge @!p0 [sflag:s8], $0x0  }
0x24: {  	s3 =	sadd.s32 $0x88, s3;
	s6 =	simm.s32 @!p1 $0x1082;
	[sflag:s4] =	ssyncset.s32 $0xFFFFF086  }
0x25: {  	[simem:s6], [sflag:s4] =	dma.local [hbm:s3], $0xF7A  }
0x26: {  	[smem:$0x3F96] =	sst s1;
	(tag) =	ssettag s2;
	_ =	strace s9  }
0x27: {  	s1 =	sld [smem:$0x3FA6]  }
0x28: {  	s2 =	sld [smem:$0x3FA7]  }
0x29: {  	s4 =	sld [smem:$0x3FA9]  }
0x2a: {  	p0 =	seq.s32 s5, $0x0;
	s5 =	sld [smem:$0x3FAA]  }
0x2b: {  	s6 =	sld [smem:$0x3FAB]  }
0x2c: {  	s7 =	sld [smem:$0x3FAC]  }
0x2d: {  	s3 =	simm.s32 $0x108;
	s8 =	sld [smem:$0x3FAD]  }
0x2e: {  	s3 =	simm.s32 @!p0 $0x1082;
	s9 =	sld [smem:$0x3FAE]  }
0x2f: {  	lr =	sadd.s32 s0, s3;
	s0 =	sld [smem:$0x3FA5]  }
0x30: {  	s3 =	sld [smem:$0x3FA8]  }
0x31: {  	[smem:$0x3FB1] =	sst s10  }
0x32: {  	s10 =	sld [smem:$0x3FAF];
	_ =	sdelay $0x3  }
0x33: {  	p0 =	seq.s32 s10, $0x1;
	s10 =	sld [smem:$0x3FB1];
	_ =	sdelay $0x3  }
0x34: {  	[smem:$0x3FB1] =	sst s10  }
0x35: {  	s10 =	sld [smem:$0x3FB0];
	_ =	sdelay $0x3  }
0x36: {  	p1 =	seq.s32 s10, $0x1;
	s10 =	sld [smem:$0x3FB1];
	_ =	sdelay $0x3  }
0x37: {  	[smem:$0x3FB1] =	sst s10  }
0x38: {  	s10 =	sld [smem:$0x3FB2]  }
0x39: {  	_ = 	snop;
	(pc) =	sbr.ind lr, $3  }
0x3a: {  	_ = 	snop  }
0x3b: {  	_ = 	snop  }
0x3c: {  	p2 =	seq.s32 s10, $0x1;
	s10 =	sld [smem:$0x3FB1]  }
0x3d: {  	_ =	shalt  }
0x3e: {  	_ =	shalt  }
0x3f: {  	_ =	shalt  }
0x40: {  	_ =	shalt  }
0x41: {  	_ =	shalt  }
0x42: {  	_ =	shalt  }
0x43: {  	_ =	shalt  }
0x44: {  	_ =	shalt  }
0x45: {  	_ =	shalt  }
0x46: {  	_ =	shalt  }
0x47: {  	_ =	shalt  }
0x48: {  	_ =	shalt  }
0x49: {  	_ =	shalt  }
0x4a: {  	_ =	shalt  }
0x4b: {  	_ =	shalt  }
0x4c: {  	_ =	shalt  }
0x4d: {  	_ =	shalt  }
0x4e: {  	_ =	shalt  }
0x4f: {  	_ =	shalt  }
0x50: {  	_ =	shalt  }
0x51: {  	_ =	shalt  }
0x52: {  	_ =	shalt  }
0x53: {  	_ =	shalt  }
0x54: {  	_ =	shalt  }
0x55: {  	_ =	shalt  }
0x56: {  	_ =	shalt  }
0x57: {  	_ =	shalt  }
0x58: {  	_ =	shalt  }
0x59: {  	_ =	shalt  }
0x5a: {  	_ =	shalt  }
0x5b: {  	_ =	shalt  }
0x5c: {  	_ =	shalt  }
0x5d: {  	_ =	shalt  }
0x5e: {  	_ =	shalt  }
0x5f: {  	_ =	shalt  }
0x60: {  	_ =	shalt  }
0x61: {  	_ =	shalt  }
0x62: {  	_ =	shalt  }
0x63: {  	_ =	shalt  }
0x64: {  	_ =	shalt  }
0x65: {  	_ =	shalt  }
0x66: {  	_ =	shalt  }
0x67: {  	_ =	shalt  }
0x68: {  	_ =	shalt  }
0x69: {  	_ =	shalt  }
0x6a: {  	_ =	shalt  }
0x6b: {  	_ =	shalt  }
0x6c: {  	_ =	shalt  }
0x6d: {  	_ =	shalt  }
0x6e: {  	_ =	shalt  }
0x6f: {  	_ =	shalt  }
0x70: {  	_ =	shalt  }
0x71: {  	_ =	shalt  }
0x72: {  	_ =	shalt  }
0x73: {  	_ =	shalt  }
0x74: {  	_ =	shalt  }
0x75: {  	_ =	shalt  }
0x76: {  	_ =	shalt  }
0x77: {  	_ =	shalt  }
0x78: {  	_ =	shalt  }
0x79: {  	_ =	shalt  }
0x7a: {  	_ =	shalt  }
0x7b: {  	_ =	shalt  }
0x7c: {  	_ =	shalt  }
0x7d: {  	_ =	shalt  }
0x7e: {  	_ =	shalt  }
0x7f: {  	_ =	shalt  }
0x80: {  	_ =	shalt  }
0x81: {  	_ =	shalt  }
0x82: {  	_ =	shalt  }
0x83: {  	_ =	shalt  }
0x84: {  	_ =	shalt  }
0x85: {  	_ =	shalt  }
0x86: {  	_ =	shalt  }
0x87: {  	_ =	shalt  }
.Lfunc_end0:
.L_simem_size_0:
called_computation.5_lowered:
.L_overlay_start_0:
0x88: {  	s2 =	sld [smem:$0x3FD9]  }
0x89: {  	s3 =	sld [smem:$0x3FFE];
	_ =	sdelay $0x1  }
0x8a: {  	s1 =	srdreg.scid  }
0x8b: {  	s0 =	sand.u32 $0x1, s1  }
0x8c: {  	s16 =	sshll.u32 s0, $0xA;
	s2 =	sadd.s32 s3, s2  }
0x8d: {  	s2 =	sadd.s32 s2, s16  }
0x8e: {  	[smem:$0x3FBD] =	sst s2  }
0x8f: {  	_ = 	snop  }
0x90: {  	(tm) =	ssettm $0x1  }
0x91: {  	s17 =	sld [smem:$0x3FFB];
	_ =	sdelay $0x3  }
0x92: {  	_ =	strace s17  }
0x93: {  	s2 =	sld [smem:$0x3FFC];
	_ =	sdelay $0x3  }
0x94: {  	_ =	strace s2  }
0x95: {  	s2 =	sld [smem:$0x3FFD];
	_ =	sdelay $0x3  }
0x96: {  	_ =	strace s2  }
0x97: {  	_ =	strace $0x8FFFFFFF  }
0x98: {  	s18 =	sld [smem:$0x3FDB];
	_ =	sdelay $0x1  }
0x99: {  	s19 =	simm.s32 $_scs_section_size  }
0x9a: {  	s4 =	simm.s32 $_size__tile_overlayer_lowered;
	s5 =	simm.s32 $_tile_overlayer_lowered  }
0x9b: {  	s22 =	simm.s32 $0x1BFF;
	s21 =	sshll.u32 s5, $0x1;
	s2 =	sadd.s32 s19, s18  }
0x9c: {  	s6 =	simm.s32 $0x0;
	s20 =	sshll.u32 s4, $0x1;
	s4 =	sadd.s32 s21, s2  }
0x9d: {  	[timem:s6], [sflag:s22] =	dma.local [hbm:s4], s20  }
0x9e: {  	_ =	swait.ge [sflag:s22], s20  }
0x9f: {  	s3 =	ssub.s32 $0x0, s20;
	[sflag:s22] =	ssyncset.done $0x0  }
0xa0: {  	[sflag:s22] =	ssyncadd.s32 s3;
	_ =	sdelay $0x1  }
0xa1: {  	s23 =	simm.s32 $0x1B8B  }
0xa2: {  	_ =	swait.ge [sflag:s23], $0x1  }
0xa3: {  	[sflag:s23] =	ssyncset.done $0x0  }
0xa4: {  	s25 =	simm.s32 $0x1B8E;
	s24 =	sld [smem:$0x3FFE];
	[sflag:s23] =	ssyncadd.s32 $0xFFFFFFFF  }
0xa5: {  	s26 =	simm.s32 $execute0_lowered;
	[smem:$0x3FD2] =	sst s25  }
0xa6: {  	s4 =	sshll.u32 s26, $0x1;
	_ =	strace $0x80000055;
	[dreg:$0x1] =	wrdreg $0xFFFFFFFF  }
0xa7: {  	s28 =	simm.s32 $_size_execute0_lowered;
	s2 =	sadd.s32 s2, s4;
	[dreg:$0x0] =	wrdreg $0x0  }
0xa8: {  	s4 =	sshll.u32 s28, $0x1;
	[dreg:$0x2] =	wrdreg s2  }
0xa9: {  	[dreg:$0x3] =	wrdreg s4  }
0xaa: {  	[dreg:$0x4] =	wrdreg $0xC0  }
0xab: {  	_ =	task [dreg:s6], $0x5FFFF  }
0xac: {  	[dreg:$0x1] =	wrdreg $0xFFFFFFFF  }
0xad: {  	[dreg:$0x0] =	wrdreg $0x60  }
0xae: {  	[dreg:$0x2] =	wrdreg s24  }
0xaf: {  	[dreg:$0x3] =	wrdreg $0x90000  }
0xb0: {  	[dreg:$0x4] =	wrdreg $0x9  }
0xb1: {  	_ =	task.clear_ibuf [dreg:s6], $0x5FFFF;
	_ =	strace $0x90000055  }
0xb2: {  	s29 =	simm.s32 $0x9;
	_ =	strace $0x80000057  }
0xb3: {  	_ =	swait.ge [sflag:s29], $0x1  }
0xb4: {  	[sflag:s29] =	ssyncadd.s32 $0xFFFFFFFF  }
0xb5: {  	_ =	strace $0x90000057  }
0xb6: {  	_ =	sfence  }
0xb7: {  	s30 =	sld [smem:$0x0];
	_ =	sdelay $0x2  }
0xb8: {  	s31 =	sshll.u32 s1, $0xD;
	s1 =	sshrl.u32 s1, $0x2  }
0xb9: {  	s3 =	sand.u32 $0x4000, s31;
	s1 =	sadd.s32 s1, s30  }
0xba: {  	s0 =	sor.u32 s3, s0;
	s1 =	sshll.u32 s1, $0x11  }
0xbb: {  	s0 =	sor.u32 s1, s0  }
0xbc: {  	s0 =	sadd.s32 $0x8F2B, s0  }
0xbd: {  	[sflag:s0] =	ssyncadd.remote.s32 $0x1  }
0xbe: {  	_ =	sfence.sel $0xFFFF  }
0xbf: {  	[dreg:$0x0] =	wrdreg $0xFFFFFFFF;
	(pc) =	sbr.abs _section_cstart, $3  }
0xc0: {  	[dreg:$0x1] =	wrdreg $0xFFFFFFFF  }
0xc1: {  	_ =	task.clear_ibuf [dreg:s6], $0x2FFFF;
	_ =	strace $0x9FFFFFFF  }
0xc2: {  	(tm) =	ssettm $0x7FFFFFFF  }
0xc3: {  	_ =	shalt  }
tec
execute0_lowered:
.L_overlay_start_1:
0x0: {  	(tag) =	ssettag $0x1  }
0x1: {  	s5 =	rddreg [dreg:$0x0]  }
0x2: {  	s1 =	rddreg [dreg:$0x1]  }
0x3: {  	s2 =	srdreg.scid;
	s0 =	rddreg [dreg:$0x2];
	s3 =	simm.s32 $0x0  }
0x4: {  	s15 =	simm.s32 $0x1;
	s16 =	simm.s32 $0x50;
	s17 =	simm.s32 $0x2  }
0x5: {  	s18 =	simm.s32 $0x3E00;
	s6 =	sand.u32 $0x1, s2;
	s2 =	stileid.u32  }
0x6: {  	s19 =	simm.s32 $0x0;
	[smem:$0x7FF] =	sst s3;
	s8 =	smul.u32 $0x140000, s6  }
0x7: {  	s10 =	sadd.s32 $0xA34200, s5;
	s4 =	sshll.u32 s6, $0x4;
	s9 =	smul.u32 $0x14000, s2  }
0x8: {  	_ =	strace $0x80000056;
	s25 =	ssub.s32 $0x2, s6;
	s12 =	smul.u32 $0x50000, s2  }
0x9: {  	s6 =	smul.u32 $0x271000, s6;
	s28 =	sshll.u32 s2, $0x6;
	s7 =	sor.u32 s2, s4  }
0xa: {  	s29 =	smul.u32 $0x27100, s2;
	s13 =	sshrl.u32 s25, $0x1;
	s4 =	sshll.u32 s7, $0xB  }
0xb: {  	s8 =	sadd.s32 s9, s8;
	s7 =	smul.u32 $0x27100, s7;
	s9 =	ssub.s32 s25, s13  }
0xc: {  	s26 =	sshrl.u32 s12, $0x2;
	s30 =	sadd.s32 s6, s10;
	s12 =	simm.s32 $0x3  }
0xd: {  	s13 =	simm.s32 $0x4000;
	s11 =	sadd.s32 s4, s5;
	s4 =	sadd.s32 $0x2A00, s5  }
0xe: {  	s8 =	sshrl.u32 s8, $0x3;
	s14 =	sadd.s32 s26, s1;
	s31 =	sadd.s32 s29, s30  }
0xf: {  	s9 =	smax.u32 s9, $0x1;
	s8 =	sadd.s32 s8, s5;
	s5 =	sor.u32 $0x1C03, s28  }
0x10: {  	s6 =	sadd.s32 $0x1C600, s11;
	s7 =	sadd.s32 s10, s7;
	s10 =	sadd.s32 $0x500, s31  }
0x11: {  	s11 =	sshrl.u32 s14, $0x3;
	s14 =	simm.s32 $0x6800;
	s8 =	sadd.s32 $0x2C600, s8  }
.LBB2_1:
0x12: {  	[spmem:s11], [sflag:s5] =	dma.local [hbm:s4], $0x2800  }
0x13: {  	_ =	swait.ge [sflag:s12], $0x2800  }
0x14: {  	[sflag:s12] =	ssyncset.done $0x0  }
0x15: {  	[sflag:s12] =	ssyncadd.s32 $0xFFFFD800  }
0x16: {  	[tilespmem:s3], [sflag:$0x3] =	stream.linear.gather [hbm4b:s6+s3], $0x3E80, $0x38;
	[tilespmem:$0x1D000] =	vst v63  }
0x17: {  	_ =	swait.ge [sflag:s12], $0x3E80  }
0x18: {  	[sflag:s12] =	ssyncset.done $0x0  }
0x19: {  	[sflag:s12] =	ssyncadd.s32 $0xFFFFC180  }
0x1a: {  	[bflag:$0x0] =	sbarrier.arrive $0xFFFF  }
0x1b: {  	[tilespmem:s13], [sflag:$0x1] =	stream.linear.gather [hbm4b:s7+s3], $0x2800, $0x38;
	[tilespmem:$0x1D000] =	vst v63  }
0x1c: {  	_ = 	snop  }
0x1d: {  	[tilespmem:s14], [sflag:$0x2] =	stream.linear.gather [hbm4b:s10+s3], $0x2800, $0x38;
	[tilespmem:$0x1D000] =	vst v63  }
0x1e: {  	_ =	swait.ge [sflag:s15], $0x2800  }
0x1f: {  	[sflag:s15] =	ssyncset.done $0x0  }
0x20: {  	s20 =	simm.s32 $0x0;
	[sflag:s15] =	ssyncadd.s32 $0xFFFFD800  }
0x21: {  	[spmem:s1] =	stream.indirect.scatter.add.f32 [tilespmem:s13], [sflag:$0x3], $0x80, s20, s16, $0xb8;
	[tilespmem:$0x1D000] =	vst v63  }
0x22: {  	_ =	swait.ge [sflag:s12], $0x2800  }
0x23: {  	[sflag:s12] =	ssyncset.done $0x0  }
0x24: {  	s30 =	sadd.s32 $0x500, s10;
	[sflag:s12] =	ssyncadd.s32 $0xFFFFD800  }
0x25: {  	[tilespmem:s13], [sflag:$0x1] =	stream.linear.gather [hbm4b:s30+s3], $0x2800, $0x38;
	[tilespmem:$0x1D000] =	vst v63  }
0x26: {  	_ =	swait.ge [sflag:s17], $0x2800  }
0x27: {  	[sflag:s17] =	ssyncset.done $0x0  }
0x28: {  	s31 =	simm.s32 $0x80;
	[sflag:s17] =	ssyncadd.s32 $0xFFFFD800  }
0x29: {  	[spmem:s1] =	stream.indirect.scatter.add.f32 [tilespmem:s14], [sflag:$0x3], $0x80, s31, s16, $0xb8;
	[tilespmem:$0x1D000] =	vst v63  }
0x2a: {  	_ =	swait.ge [sflag:s12], $0x2800  }
0x2b: {  	s21 =	smov.u32 s10;
	s20 =	simm.s32 $0x400;
	[sflag:s12] =	ssyncset.done $0x0  }
.LBB2_2:
0x2c: {  	p0 =	sne.s32 s20, $0xF400;
	[sflag:s12] =	ssyncadd.s32 $0xFFFFD800;
	s21 =	sadd.s32 $0xA00, s21  }
0x2d: {  	[tilespmem:s14], [sflag:$0x2] =	stream.linear.gather [hbm4b:s21+s3], $0x2800, $0x38;
	[tilespmem:$0x1D000] =	vst v63  }
0x2e: {  	s22 =	smov.u32 s20;
	s20 =	sadd.s32 $0x400, s20;
	_ =	swait.ge [sflag:s15], $0x2800  }
0x2f: {  	[sflag:s15] =	ssyncset.done $0x0  }
0x30: {  	s22 =	sshra.s32 s22, $0x2;
	[sflag:s15] =	ssyncadd.s32 $0xFFFFD800  }
0x31: {  	[spmem:s1] =	stream.indirect.scatter.add.f32 [tilespmem:s13], [sflag:$0x3], $0x80, s22, s16, $0xb8;
	[tilespmem:$0x1D000] =	vst v63  }
0x32: {  	_ =	swait.ge [sflag:s12], $0x2800  }
0x33: {  	[sflag:s12] =	ssyncset.done $0x0  }
0x34: {  	s23 =	sadd.s32 $0x500, s21;
	[sflag:s12] =	ssyncadd.s32 $0xFFFFD800  }
0x35: {  	[tilespmem:s13], [sflag:$0x1] =	stream.linear.gather [hbm4b:s23+s3], $0x2800, $0x38;
	[tilespmem:$0x1D000] =	vst v63  }
0x36: {  	_ =	swait.ge [sflag:s17], $0x2800  }
.Ltmp0:
0x37: {  	[sflag:s17] =	ssyncset.done $0x0;
	(pc) =	sbr.rel @p0 .LBB2_2-.Ltmp0, $4  }
0x38: {  	s22 =	sadd.s32 $0x80, s22;
	[sflag:s17] =	ssyncadd.s32 $0xFFFFD800  }
0x39: {  	[spmem:s1] =	stream.indirect.scatter.add.f32 [tilespmem:s14], [sflag:$0x3], $0x80, s22, s16, $0xb8;
	[tilespmem:$0x1D000] =	vst v63  }
0x3a: {  	_ =	swait.ge [sflag:s12], $0x2800  }
0x3b: {  	[sflag:s12] =	ssyncset.done $0x0  }
0x3c: {  	[sflag:s12] =	ssyncadd.s32 $0xFFFFD800  }
0x3d: {  	_ =	swait.ge [sflag:s15], $0x2800  }
0x3e: {  	[sflag:s15] =	ssyncset.done $0x0  }
0x3f: {  	[sflag:s15] =	ssyncadd.s32 $0xFFFFD800  }
0x40: {  	[spmem:s1] =	stream.indirect.scatter.add.f32 [tilespmem:s13], [sflag:$0x3], $0x80, s18, s16, $0xb8;
	[tilespmem:$0x1D000] =	vst v63  }
0x41: {  	_ =	swait.ge [sflag:s12], $0x2800  }
0x42: {  	s19 =	sadd.s32 $0x1, s19;
	[sflag:s12] =	ssyncset.done $0x0  }
0x43: {  	p0 =	sne.s32 s19, s9;
	[sflag:s12] =	ssyncadd.s32 $0xFFFFD800  }
.Ltmp1:
0x44: {  	[bflag:$0x0] =	sbarrier.arrive $0xFFFF;
	(pc) =	sbr.rel @p0 .LBB2_1-.Ltmp1, $4  }
0x45: {  	[hbm:s8], [sflag:s5] =	dma.local [spmem:s11], $0x2800  }
0x46: {  	_ =	swait.ge [sflag:s12], $0x2800  }
0x47: {  	[sflag:s12] =	ssyncset.done $0x0  }
0x48: {  	[sflag:s12] =	ssyncadd.s32 $0xFFFFD800  }
0x49: {  	_ =	sfence.sel $0x180000  }
0x4a: {  	[bflag:$0x0] =	sbarrier.arrive $0xFFFF  }
0x4b: {  	p0 =	sne.s32 s2, $0x0;
	_ =	strace $0x90000056  }
0x4c: {  	s0 =	sadd.s32 @!p0 $0x100000, s0;
	[bflag:$0x2] =	sbarrier.arrive $0xFFFF  }
0x4d: {  	[sflag:s0] =	ssyncadd.tile.s32 @!p0 $0x1;
	_ =	shalt  }
.Lfunc_end2:
_tile_overlayer_lowered:
.L_overlay_start_2:
0x4e: {  	(tag) =	ssettag $0x2  }
0x4f: {  	s0 =	rddreg [dreg:$0x0];
	s2 =	stileid.u32  }
0x50: {  	s1 =	rddreg [dreg:$0x1];
	p0 =	sne.s32 s2, $0x0  }
0x51: {  	s3 =	rddreg [dreg:$0x2];
	[bflag:$0x3] =	sbarrier.arrive $0xFFFF;
	s2 =	simm.s32 @!p0 $0x1C03  }
0x52: {  	[timem:s3], [sflag:s2] =	dma.local @!p0 [hbm:s0], s1  }
0x53: {  	s0 =	simm.s32 @!p0 $0x3  }
0x54: {  	_ =	swait.ge @!p0 [sflag:s0], s1  }
0x55: {  	s1 =	ssub.s32 @!p0 $0x0, s1;
	[sflag:s0] =	ssyncset.done @!p0 $0x0  }
0x56: {  	[sflag:s0] =	ssyncadd.s32 @!p0 s1  }
0x57: {  	[bflag:$0x3] =	sbarrier.arrive $0xFFFF  }
0x58: {  	_ =	shalt  }

</sc_bundles>
